<compile_context>
chip_gen: v7x
topology: tpu7x:2x2x1
jax: 0.10.2.dev20260603
libtpu: 0.0.44.dev20260713+nightly
codegen_flags: <defaults>
</compile_context>

<pallas_src>
import jax
import jax.numpy as jnp
from jax import lax
from jax.experimental import pallas as pl
from jax.experimental.pallas import tpu as pltpu
from jax.experimental.pallas import tpu_sc as plsc

_B = 16384
_F = 26
_E = 16
_V = 1000000
_VP = 1000064

_NC = 2
_NS = 16
_NW = _NC * _NS
_BW = _B // _NW

_TC = 1792
_NCHUNK = _V // _TC
_TAIL = _V - _NCHUNK * _TC
_XW = _NCHUNK - (_NCHUNK // _NW) * _NW


def _transpose_body(wt_hbm, tail_hbm, wrm_hbm,
                    tbufA, tbufB, tobufA, tobufB, semA, semB, osemA, osemB):
    c = lax.axis_index("c")
    s = lax.axis_index("s")
    w = c * _NS + s
    lanes = lax.iota(jnp.int32, 16)

    nchunks = jnp.where(w < _XW, _NCHUNK // _NW + 1, _NCHUNK // _NW)

    def col0(j):
        return (j * _NW + w) * _TC

    def transpose_chunk(tbuf, tobuf, n):
        def q_body(qg, carry):
            q0 = qg * 16
            qv = q0 + lanes
            row_vec = lax.shift_right_logical(qv, 3)
            colbase = (qv & 7) * 16
            for e in range(_E):
                vec = tbuf[e, pl.ds(q0, 16)]
                plsc.store_scatter(tobuf, [row_vec, colbase + e], vec)
            return carry
        lax.fori_loop(0, n // 16, q_body, 0)

    def out_copy(tobuf, osem, n, cbase):
        r0 = pl.multiple_of(cbase * _E // 128, 8)
        pltpu.async_copy(tobuf.at[pl.ds(0, n * _E // 128), :],
                         wrm_hbm.at[pl.ds(r0, n * _E // 128), :], osem)

    def out_wait(tobuf, osem, n):
        pltpu.make_async_copy(tobuf.at[pl.ds(0, n * _E // 128), :],
                              wrm_hbm.at[pl.ds(0, n * _E // 128), :], osem).wait()

    pltpu.async_copy(wt_hbm.at[:, pl.ds(col0(0), _TC)], tbufA, semA)

    def pair_body(j, carry):
        f0 = 2 * j

        @pl.when(f0 < nchunks)
        def _():
            @pl.when(f0 + 1 < nchunks)
            def _():
                pltpu.async_copy(wt_hbm.at[:, pl.ds(col0(f0 + 1), _TC)],
                                 tbufB, semB)
            pltpu.make_async_copy(wt_hbm.at[:, pl.ds(0, _TC)], tbufA, semA).wait()

            @pl.when(j > 0)
            def _():
                out_wait(tobufA, osemA, _TC)
            transpose_chunk(tbufA, tobufA, _TC)
            out_copy(tobufA, osemA, _TC, col0(f0))

            @pl.when(f0 + 2 < nchunks)
            def _():
                pltpu.async_copy(wt_hbm.at[:, pl.ds(col0(f0 + 2), _TC)],
                                 tbufA, semA)

        @pl.when(f0 + 1 < nchunks)
        def _():
            pltpu.make_async_copy(wt_hbm.at[:, pl.ds(0, _TC)], tbufB, semB).wait()

            @pl.when(j > 0)
            def _():
                out_wait(tobufB, osemB, _TC)
            transpose_chunk(tbufB, tobufB, _TC)
            out_copy(tobufB, osemB, _TC, col0(f0 + 1))
        return carry

    lax.fori_loop(0, (_NCHUNK // _NW + 2) // 2, pair_body, 0)
    out_wait(tobufA, osemA, _TC)
    out_wait(tobufB, osemB, _TC)

    @pl.when(w == _XW)
    def _():
        pltpu.sync_copy(tail_hbm, tbufA)
        transpose_chunk(tbufA, tobufA, _TAIL)
        out_copy(tobufA, osemA, _TAIL, _NCHUNK * _TC)
        out_wait(tobufA, osemA, _TAIL)


def _lookup_body(idT_hbm, valT_hbm, wrm_hbm, out_hbm,
                 idbuf, valbuf, rowsA, rowsB, obufA, obufB,
                 gsem0, gsem1, osemA, osemB):
    c = lax.axis_index("c")
    s = lax.axis_index("s")
    wid = c * _NS + s
    b0 = wid * _BW
    lanes = lax.iota(jnp.int32, 16)
    rows2 = (rowsA, rowsB)
    gsems = (gsem0, gsem1)
    obufs = (obufA, obufB)
    osems = (osemA, osemB)

    pltpu.sync_copy(idT_hbm.at[:, pl.ds(b0, _BW)], idbuf)
    pltpu.sync_copy(valT_hbm.at[:, pl.ds(b0, _BW)], valbuf)

    def gather_r(r, k):
        pltpu.async_copy(wrm_hbm.at[idbuf.at[2 * r]], rows2[k].at[0], gsems[k])
        pltpu.async_copy(wrm_hbm.at[idbuf.at[2 * r + 1]], rows2[k].at[1], gsems[k])

    def gwait(k):
        for j in range(2):
            pltpu.make_async_copy(wrm_hbm.at[idbuf.at[0]],
                                  rows2[k].at[j], gsems[k]).wait()

    def owait(m):
        pltpu.make_async_copy(
            obufs[m],
            out_hbm.at[pl.ds(0, 2), :, pl.ds(0, _BW // 128), :, :],
            osems[m]).wait()

    def compute_r(r, k, m):
        obuf = obufs[m]
        rows = rows2[k]

        def g_body(g, carry):
            j = g // 32
            gg = g - j * 32
            f = 2 * r + j
            tb = gg // 8
            j0 = (gg - tb * 8) * 16
            jv = jnp.full((16,), j, jnp.int32)
            bidx = gg * 16 + lanes
            v16 = valbuf[f, pl.ds(gg * 16, 16)]
            for e in range(_E):
                col = jnp.full((16,), e, jnp.int32)
                obuf[j, e // 8, tb, e % 8, pl.ds(j0, 16)] = (
                    plsc.load_gather(rows, [jv, bidx, col]) * v16)
            return carry
        lax.fori_loop(0, 2 * (_BW // 16), g_body, 0)
        pltpu.async_copy(
            obuf,
            out_hbm.at[pl.ds(2 * r, 2), :, pl.ds(b0 // 128, _BW // 128), :, :],
            osems[m])

    _NR = _F // 2
    gather_r(0, 0)

    def r_pair(p, carry):
        rA = 2 * p
        gather_r(rA + 1, 1)
        gwait(0)

        @pl.when(p > 0)
        def _():
            owait(0)
        compute_r(rA, 0, 0)

        @pl.when(rA + 2 < _NR)
        def _():
            gather_r(rA + 2, 0)

        gwait(1)

        @pl.when(p > 0)
        def _():
            owait(1)
        compute_r(rA + 1, 1, 1)
        return carry

    lax.fori_loop(0, (_NR - 1) // 2, r_pair, 0)
    gwait(0)
    owait(0)
    compute_r(_NR - 1, 0, 0)
    owait(0)
    owait(1)


def kernel(id, value, W):
    id = id.astype(jnp.int32)
    idT = id.T
    valT = value.T
    wT = W.T
    tail = jnp.pad(lax.slice(wT, (0, _NCHUNK * _TC), (_E, _V)),
                   ((0, 0), (0, _TC - _TAIL)))
    mesh = plsc.VectorSubcoreMesh(core_axis_name="c", subcore_axis_name="s")

    wrm128 = pl.kernel(
        _transpose_body,
        mesh=mesh,
        compiler_params=pltpu.CompilerParams(
            use_tc_tiling_on_sc=True, needs_layout_passes=False),
        out_type=jax.ShapeDtypeStruct((_VP * _E // 128, 128), jnp.float32),
        scratch_types=[
            pltpu.VMEM((_E, _TC), jnp.float32),
            pltpu.VMEM((_E, _TC), jnp.float32),
            pltpu.VMEM((_TC * _E // 128, 128), jnp.float32),
            pltpu.VMEM((_TC * _E // 128, 128), jnp.float32),
            pltpu.SemaphoreType.DMA,
            pltpu.SemaphoreType.DMA,
            pltpu.SemaphoreType.DMA,
            pltpu.SemaphoreType.DMA,
        ],
    )(wT, tail)
    wrm = wrm128.reshape(_VP, _E)

    outL = pl.kernel(
        _lookup_body,
        mesh=mesh,
        compiler_params=pltpu.CompilerParams(
            use_tc_tiling_on_sc=False, needs_layout_passes=False),
        out_type=jax.ShapeDtypeStruct((_F, 2, _B // 128, 8, 128), jnp.float32),
        scratch_types=[
            pltpu.VMEM((_F, _BW), jnp.int32),
            pltpu.VMEM((_F, _BW), jnp.float32),
            pltpu.VMEM((2, _BW, _E), jnp.float32),
            pltpu.VMEM((2, _BW, _E), jnp.float32),
            pltpu.VMEM((2, 2, _BW // 128, 8, 128), jnp.float32),
            pltpu.VMEM((2, 2, _BW // 128, 8, 128), jnp.float32),
            pltpu.SemaphoreType.DMA,
            pltpu.SemaphoreType.DMA,
            pltpu.SemaphoreType.DMA,
            pltpu.SemaphoreType.DMA,
        ],
    )(idT, valT, wrm)
    return outL.transpose(2, 4, 0, 1, 3).reshape(_B, _F, _E)

# --- scband reference (transcript-rebuilt; emitter-appended) ---
"""Pipeline reference for scband-embedding0-24240795419249 (READ-ONLY COPY).

The authoritative reference and input builder live on the scoring server;
editing this copy changes nothing except your own understanding.
"""

import jax, jax.numpy as jnp
import numpy as np

NFEAT = 1000000
NEMB = 16
B = 16384
F = 26

def setup_inputs(seed: int = 0) -> dict:
    key = jax.random.key(seed)
    k1, k2, k3 = jax.random.split(key, 3)
    ids = jax.random.randint(k1, (B, F), 0, NFEAT, dtype=jnp.int64 if jax.config.jax_enable_x64 else jnp.int32)
    value = jax.random.uniform(k2, (B, F), dtype=jnp.float32)
    # xavier_uniform init for embedding weight [NFEAT, NEMB]
    bound = float(np.sqrt(6.0 / (NFEAT + NEMB)))
    W = jax.random.uniform(k3, (NFEAT, NEMB), minval=-bound, maxval=bound, dtype=jnp.float32)
    return {"id": ids, "value": value, "W": W}

def reference(id, value, W):
    # emb = embedding(x['id'])  -> gather rows
    emb = jnp.take(W, id, axis=0)            # [B, F, E]
    # return emb * x['value'].unsqueeze(2)
    return emb * value[:, :, None]           # [B, F, E]

if __name__ == "__main__":
    import jax
    _d = setup_inputs()
    print(jax.jit(kernel)(*tuple(_d.values())))

</pallas_src>

<mosaic_0001>
#map = affine_map<(d0, d1) -> (0, 0)>
module attributes {stable_mosaic.version = 14 : i64} {
  func.func @_transpose_body(%arg0: i32, %arg1: i32, %arg2: memref<16x1000000xf32, #tpu.memory_space<hbm>>, %arg3: memref<16x1792xf32, #tpu.memory_space<hbm>>, %arg4: memref<125008x128xf32, #tpu.memory_space<hbm>>, %arg5: memref<16x1792xf32, #tpu.memory_space<vmem>>, %arg6: memref<16x1792xf32, #tpu.memory_space<vmem>>, %arg7: memref<224x128xf32, #tpu.memory_space<vmem>>, %arg8: memref<224x128xf32, #tpu.memory_space<vmem>>, %arg9: memref<!tpu.dma_semaphore, #tpu.memory_space<semaphore_mem>>, %arg10: memref<!tpu.dma_semaphore, #tpu.memory_space<semaphore_mem>>, %arg11: memref<!tpu.dma_semaphore, #tpu.memory_space<semaphore_mem>>, %arg12: memref<!tpu.dma_semaphore, #tpu.memory_space<semaphore_mem>>) attributes {dimension_semantics = [#tpu.dimension_semantics<core_parallel>, #tpu.dimension_semantics<subcore_parallel>], iteration_bounds = array<i64: 2, 16>, scalar_prefetch = 0 : i64, scratch_operands = 8 : i64, tpu.core_type = #tpu.core_type<sc_vector_subcore>, window_params = [{transform_indices = #map}, {transform_indices = #map}, {transform_indices = #map}]} {
    %mul3A = arith.constant 16 : i32
    %mul3A_0 = arith.muli %arg0, %mul3A : i32
    %add3A = arith.addi %mul3A_0, %arg1 : i32
    %iota3A = tpu.iota {dimensions = array<i32: 0>} : vector<16xi32>
    %lt3A = arith.constant 14 : i32
    %lt3A_1 = arith.cmpi slt, %add3A, %lt3A : i32
    %jit3A = arith.constant 18 : i32
    %jit3A_2 = arith.constant 17 : i32
    %select_n3A = arith.select %lt3A_1, %jit3A, %jit3A_2 : i32
    %add3A_3 = arith.constant 0 : i32
    %add3A_4 = arith.addi %add3A_3, %add3A : i32
    %mul3A_5 = arith.constant 1792 : i32
    %mul3A_6 = arith.muli %add3A_4, %mul3A_5 : i32
    %dma_start3A = arith.constant 0 : i32
    %dma_start3A_7 = tpu.memref_slice %arg2[%dma_start3A, %mul3A_6] : memref<16x1000000xf32, #tpu.memory_space<hbm>> -> memref<16x1792xf32, #tpu.memory_space<hbm>>
    %dma_start3A_8 = arith.constant 0 : i32
    %dma_start3A_9 = tpu.memref_slice %arg2[%dma_start3A_8, %mul3A_6] : memref<16x1000000xf32, #tpu.memory_space<hbm>> -> memref<16x1792xf32, #tpu.memory_space<hbm>>
    tpu.enqueue_dma source(%dma_start3A_9 : memref<16x1792xf32, #tpu.memory_space<hbm>>) target(%arg5 : memref<16x1792xf32, #tpu.memory_space<vmem>>) target_semaphore(%arg9 : memref<!tpu.dma_semaphore, #tpu.memory_space<semaphore_mem>>)
    %scan3A = arith.constant 0 : i32
    %scan3A_10 = arith.constant 0 : i32
    %scan3A_11 = arith.constant 9 : i32
    %scan3A_12 = arith.addi %scan3A_10, %scan3A_11 : i32
    %scan3A_13 = arith.constant 1 : i32
    scf.for %scan3A_40 = %scan3A_10 to %scan3A_12 step %scan3A_13  : i32 {
      %mul3A_41 = arith.constant 2 : i32
      %mul3A_42 = arith.muli %mul3A_41, %scan3A_40 : i32
      %lt3A_43 = arith.cmpi slt, %mul3A_42, %select_n3A : i32
      %convert_element_type3A_44 = arith.extui %lt3A_43 : i1 to i32
      %cond3A_45 = arith.constant 0 : i32
      %cond3A_46 = arith.cmpi ne, %convert_element_type3A_44, %cond3A_45 : i32
      scf.if %cond3A_46 {
        %add3A_53 = arith.constant 1 : i32
        %add3A_54 = arith.addi %mul3A_42, %add3A_53 : i32
        %lt3A_55 = arith.cmpi slt, %add3A_54, %select_n3A : i32
        %convert_element_type3A_56 = arith.extui %lt3A_55 : i1 to i32
        %cond3A_57 = arith.constant 0 : i32
        %cond3A_58 = arith.cmpi ne, %convert_element_type3A_56, %cond3A_57 : i32
        scf.if %cond3A_58 {
          %add3A_116 = arith.constant 1 : i32
          %add3A_117 = arith.addi %mul3A_42, %add3A_116 : i32
          %mul3A_118 = arith.constant 32 : i32
          %mul3A_119 = arith.muli %add3A_117, %mul3A_118 : i32
          %add3A_120 = arith.addi %mul3A_119, %add3A : i32
          %mul3A_121 = arith.constant 1792 : i32
          %mul3A_122 = arith.muli %add3A_120, %mul3A_121 : i32
          %dma_start3A_123 = arith.constant 0 : i32
          %dma_start3A_124 = tpu.memref_slice %arg2[%dma_start3A_123, %mul3A_122] : memref<16x1000000xf32, #tpu.memory_space<hbm>> -> memref<16x1792xf32, #tpu.memory_space<hbm>>
          %dma_start3A_125 = arith.constant 0 : i32
          %dma_start3A_126 = tpu.memref_slice %arg2[%dma_start3A_125, %mul3A_122] : memref<16x1000000xf32, #tpu.memory_space<hbm>> -> memref<16x1792xf32, #tpu.memory_space<hbm>>
          tpu.enqueue_dma source(%dma_start3A_126 : memref<16x1792xf32, #tpu.memory_space<hbm>>) target(%arg6 : memref<16x1792xf32, #tpu.memory_space<vmem>>) target_semaphore(%arg10 : memref<!tpu.dma_semaphore, #tpu.memory_space<semaphore_mem>>)
        } else {
        }
        %dma_wait3A_59 = arith.constant 0 : i32
        %dma_wait3A_60 = arith.constant 0 : i32
        %dma_wait3A_61 = tpu.memref_slice %arg2[%dma_wait3A_59, %dma_wait3A_60] : memref<16x1000000xf32, #tpu.memory_space<hbm>> -> memref<16x1792xf32, #tpu.memory_space<hbm>>
        %dma_wait3A_62 = arith.constant 0 : i32
        %dma_wait3A_63 = arith.constant 0 : i32
        %dma_wait3A_64 = tpu.memref_slice %arg2[%dma_wait3A_62, %dma_wait3A_63] : memref<16x1000000xf32, #tpu.memory_space<hbm>> -> memref<16x1792xf32, #tpu.memory_space<hbm>>
        tpu.wait_dma2 semaphore(%arg9 : memref<!tpu.dma_semaphore, #tpu.memory_space<semaphore_mem>>) src(%dma_wait3A_64 : memref<16x1792xf32, #tpu.memory_space<hbm>>) dst(%arg5 : memref<16x1792xf32, #tpu.memory_space<vmem>>)
        %gt3A = arith.constant 0 : i32
        %gt3A_65 = arith.cmpi sgt, %scan3A_40, %gt3A : i32
        %convert_element_type3A_66 = arith.extui %gt3A_65 : i1 to i32
        %cond3A_67 = arith.constant 0 : i32
        %cond3A_68 = arith.cmpi ne, %convert_element_type3A_66, %cond3A_67 : i32
        scf.if %cond3A_68 {
          %dma_wait3A_116 = arith.constant 0 : i32
          %dma_wait3A_117 = arith.constant 0 : i32
          %dma_wait3A_118 = tpu.memref_slice %arg7[%dma_wait3A_116, %dma_wait3A_117] : memref<224x128xf32, #tpu.memory_space<vmem>> -> memref<224x128xf32, #tpu.memory_space<vmem>>
          %dma_wait3A_119 = arith.constant 0 : i32
          %dma_wait3A_120 = arith.constant 0 : i32
          %dma_wait3A_121 = tpu.memref_slice %arg4[%dma_wait3A_119, %dma_wait3A_120] : memref<125008x128xf32, #tpu.memory_space<hbm>> -> memref<224x128xf32, #tpu.memory_space<hbm>>
          %dma_wait3A_122 = arith.constant 0 : i32
          %dma_wait3A_123 = arith.constant 0 : i32
          %dma_wait3A_124 = tpu.memref_slice %arg4[%dma_wait3A_122, %dma_wait3A_123] : memref<125008x128xf32, #tpu.memory_space<hbm>> -> memref<224x128xf32, #tpu.memory_space<hbm>>
          %dma_wait3A_125 = arith.constant 0 : i32
          %dma_wait3A_126 = arith.constant 0 : i32
          %dma_wait3A_127 = tpu.memref_slice %arg7[%dma_wait3A_125, %dma_wait3A_126] : memref<224x128xf32, #tpu.memory_space<vmem>> -> memref<224x128xf32, #tpu.memory_space<vmem>>
          tpu.wait_dma2 semaphore(%arg11 : memref<!tpu.dma_semaphore, #tpu.memory_space<semaphore_mem>>) src(%dma_wait3A_127 : memref<224x128xf32, #tpu.memory_space<vmem>>) dst(%dma_wait3A_124 : memref<224x128xf32, #tpu.memory_space<hbm>>)
        } else {
        }
        %scan3A_69 = arith.constant 0 : i32
        %scan3A_70 = arith.constant 0 : i32
        %scan3A_71 = arith.constant 112 : i32
        %scan3A_72 = arith.addi %scan3A_70, %scan3A_71 : i32
        %scan3A_73 = arith.constant 1 : i32
        scf.for %scan3A_116 = %scan3A_70 to %scan3A_72 step %scan3A_73  : i32 {
          %mul3A_117 = arith.constant 16 : i32
          %mul3A_118 = arith.muli %scan3A_116, %mul3A_117 : i32
          %add3A_119 = vector.broadcast %mul3A_118 : i32 to vector<16xi32>
          %add3A_120 = arith.addi %add3A_119, %iota3A : vector<16xi32>
          %shift_right_logical3A = arith.constant 3 : i32
          %shift_right_logical3A_121 = vector.broadcast %shift_right_logical3A : i32 to vector<16xi32>
          %shift_right_logical3A_122 = arith.shrui %add3A_120, %shift_right_logical3A_121 : vector<16xi32>
          %and3A_123 = arith.constant 7 : i32
          %and3A_124 = vector.broadcast %and3A_123 : i32 to vector<16xi32>
          %and3A_125 = arith.andi %add3A_120, %and3A_124 : vector<16xi32>
          %mul3A_126 = arith.constant 16 : i32
          %mul3A_127 = vector.broadcast %mul3A_126 : i32 to vector<16xi32>
          %mul3A_128 = arith.muli %and3A_125, %mul3A_127 : vector<16xi32>
          %get3A = arith.constant 0 : i32
          %get3A_129 = arith.index_cast %get3A : i32 to index
          %get3A_130 = arith.index_cast %mul3A_118 : i32 to index
          %get3A_131 = tpu.vector_load %arg5[%get3A_129, %get3A_130] {strides = array<i32>} : memref<16x1792xf32, #tpu.memory_space<vmem>>, vector<16xf32>,
          %add3A_132 = arith.constant 0 : i32
          %add3A_133 = vector.broadcast %add3A_132 : i32 to vector<16xi32>
          %add3A_134 = arith.addi %mul3A_128, %add3A_133 : vector<16xi32>
          tpu.vector_store_idx %arg7[%shift_right_logical3A_122, %add3A_134], %get3A_131 : memref<224x128xf32, #tpu.memory_space<vmem>>[vector<16xi32>, vector<16xi32>], vector<16xf32>,
          %get3A_135 = arith.constant 1 : i32
          %get3A_136 = arith.index_cast %get3A_135 : i32 to index
          %get3A_137 = arith.index_cast %mul3A_118 : i32 to index
          %get3A_138 = tpu.vector_load %arg5[%get3A_136, %get3A_137] {strides = array<i32>} : memref<16x1792xf32, #tpu.memory_space<vmem>>, vector<16xf32>,
          %add3A_139 = arith.constant 1 : i32
          %add3A_140 = vector.broadcast %add3A_139 : i32 to vector<16xi32>
          %add3A_141 = arith.addi %mul3A_128, %add3A_140 : vector<16xi32>
          tpu.vector_store_idx %arg7[%shift_right_logical3A_122, %add3A_141], %get3A_138 : memref<224x128xf32, #tpu.memory_space<vmem>>[vector<16xi32>, vector<16xi32>], vector<16xf32>,
          %get3A_142 = arith.constant 2 : i32
          %get3A_143 = arith.index_cast %get3A_142 : i32 to index
          %get3A_144 = arith.index_cast %mul3A_118 : i32 to index
          %get3A_145 = tpu.vector_load %arg5[%get3A_143, %get3A_144] {strides = array<i32>} : memref<16x1792xf32, #tpu.memory_space<vmem>>, vector<16xf32>,
          %add3A_146 = arith.constant 2 : i32
          %add3A_147 = vector.broadcast %add3A_146 : i32 to vector<16xi32>
          %add3A_148 = arith.addi %mul3A_128, %add3A_147 : vector<16xi32>
          tpu.vector_store_idx %arg7[%shift_right_logical3A_122, %add3A_148], %get3A_145 : memref<224x128xf32, #tpu.memory_space<vmem>>[vector<16xi32>, vector<16xi32>], vector<16xf32>,
          %get3A_149 = arith.constant 3 : i32
          %get3A_150 = arith.index_cast %get3A_149 : i32 to index
          %get3A_151 = arith.index_cast %mul3A_118 : i32 to index
          %get3A_152 = tpu.vector_load %arg5[%get3A_150, %get3A_151] {strides = array<i32>} : memref<16x1792xf32, #tpu.memory_space<vmem>>, vector<16xf32>,
          %add3A_153 = arith.constant 3 : i32
          %add3A_154 = vector.broadcast %add3A_153 : i32 to vector<16xi32>
          %add3A_155 = arith.addi %mul3A_128, %add3A_154 : vector<16xi32>
          tpu.vector_store_idx %arg7[%shift_right_logical3A_122, %add3A_155], %get3A_152 : memref<224x128xf32, #tpu.memory_space<vmem>>[vector<16xi32>, vector<16xi32>], vector<16xf32>,
          %get3A_156 = arith.constant 4 : i32
          %get3A_157 = arith.index_cast %get3A_156 : i32 to index
          %get3A_158 = arith.index_cast %mul3A_118 : i32 to index
          %get3A_159 = tpu.vector_load %arg5[%get3A_157, %get3A_158] {strides = array<i32>} : memref<16x1792xf32, #tpu.memory_space<vmem>>, vector<16xf32>,
          %add3A_160 = arith.constant 4 : i32
          %add3A_161 = vector.broadcast %add3A_160 : i32 to vector<16xi32>
          %add3A_162 = arith.addi %mul3A_128, %add3A_161 : vector<16xi32>
          tpu.vector_store_idx %arg7[%shift_right_logical3A_122, %add3A_162], %get3A_159 : memref<224x128xf32, #tpu.memory_space<vmem>>[vector<16xi32>, vector<16xi32>], vector<16xf32>,
          %get3A_163 = arith.constant 5 : i32
          %get3A_164 = arith.index_cast %get3A_163 : i32 to index
          %get3A_165 = arith.index_cast %mul3A_118 : i32 to index
          %get3A_166 = tpu.vector_load %arg5[%get3A_164, %get3A_165] {strides = array<i32>} : memref<16x1792xf32, #tpu.memory_space<vmem>>, vector<16xf32>,
          %add3A_167 = arith.constant 5 : i32
          %add3A_168 = vector.broadcast %add3A_167 : i32 to vector<16xi32>
          %add3A_169 = arith.addi %mul3A_128, %add3A_168 : vector<16xi32>
          tpu.vector_store_idx %arg7[%shift_right_logical3A_122, %add3A_169], %get3A_166 : memref<224x128xf32, #tpu.memory_space<vmem>>[vector<16xi32>, vector<16xi32>], vector<16xf32>,
          %get3A_170 = arith.constant 6 : i32
          %get3A_171 = arith.index_cast %get3A_170 : i32 to index
          %get3A_172 = arith.index_cast %mul3A_118 : i32 to index
          %get3A_173 = tpu.vector_load %arg5[%get3A_171, %get3A_172] {strides = array<i32>} : memref<16x1792xf32, #tpu.memory_space<vmem>>, vector<16xf32>,
          %add3A_174 = arith.constant 6 : i32
          %add3A_175 = vector.broadcast %add3A_174 : i32 to vector<16xi32>
          %add3A_176 = arith.addi %mul3A_128, %add3A_175 : vector<16xi32>
          tpu.vector_store_idx %arg7[%shift_right_logical3A_122, %add3A_176], %get3A_173 : memref<224x128xf32, #tpu.memory_space<vmem>>[vector<16xi32>, vector<16xi32>], vector<16xf32>,
          %get3A_177 = arith.constant 7 : i32
          %get3A_178 = arith.index_cast %get3A_177 : i32 to index
          %get3A_179 = arith.index_cast %mul3A_118 : i32 to index
          %get3A_180 = tpu.vector_load %arg5[%get3A_178, %get3A_179] {strides = array<i32>} : memref<16x1792xf32, #tpu.memory_space<vmem>>, vector<16xf32>,
          %add3A_181 = arith.constant 7 : i32
          %add3A_182 = vector.broadcast %add3A_181 : i32 to vector<16xi32>
          %add3A_183 = arith.addi %mul3A_128, %add3A_182 : vector<16xi32>
          tpu.vector_store_idx %arg7[%shift_right_logical3A_122, %add3A_183], %get3A_180 : memref<224x128xf32, #tpu.memory_space<vmem>>[vector<16xi32>, vector<16xi32>], vector<16xf32>,
          %get3A_184 = arith.constant 8 : i32
          %get3A_185 = arith.index_cast %get3A_184 : i32 to index
          %get3A_186 = arith.index_cast %mul3A_118 : i32 to index
          %get3A_187 = tpu.vector_load %arg5[%get3A_185, %get3A_186] {strides = array<i32>} : memref<16x1792xf32, #tpu.memory_space<vmem>>, vector<16xf32>,
          %add3A_188 = arith.constant 8 : i32
          %add3A_189 = vector.broadcast %add3A_188 : i32 to vector<16xi32>
          %add3A_190 = arith.addi %mul3A_128, %add3A_189 : vector<16xi32>
          tpu.vector_store_idx %arg7[%shift_right_logical3A_122, %add3A_190], %get3A_187 : memref<224x128xf32, #tpu.memory_space<vmem>>[vector<16xi32>, vector<16xi32>], vector<16xf32>,
          %get3A_191 = arith.constant 9 : i32
          %get3A_192 = arith.index_cast %get3A_191 : i32 to index
          %get3A_193 = arith.index_cast %mul3A_118 : i32 to index
          %get3A_194 = tpu.vector_load %arg5[%get3A_192, %get3A_193] {strides = array<i32>} : memref<16x1792xf32, #tpu.memory_space<vmem>>, vector<16xf32>,
          %add3A_195 = arith.constant 9 : i32
          %add3A_196 = vector.broadcast %add3A_195 : i32 to vector<16xi32>
          %add3A_197 = arith.addi %mul3A_128, %add3A_196 : vector<16xi32>
          tpu.vector_store_idx %arg7[%shift_right_logical3A_122, %add3A_197], %get3A_194 : memref<224x128xf32, #tpu.memory_space<vmem>>[vector<16xi32>, vector<16xi32>], vector<16xf32>,
          %get3A_198 = arith.constant 10 : i32
          %get3A_199 = arith.index_cast %get3A_198 : i32 to index
          %get3A_200 = arith.index_cast %mul3A_118 : i32 to index
          %get3A_201 = tpu.vector_load %arg5[%get3A_199, %get3A_200] {strides = array<i32>} : memref<16x1792xf32, #tpu.memory_space<vmem>>, vector<16xf32>,
          %add3A_202 = arith.constant 10 : i32
          %add3A_203 = vector.broadcast %add3A_202 : i32 to vector<16xi32>
          %add3A_204 = arith.addi %mul3A_128, %add3A_203 : vector<16xi32>
          tpu.vector_store_idx %arg7[%shift_right_logical3A_122, %add3A_204], %get3A_201 : memref<224x128xf32, #tpu.memory_space<vmem>>[vector<16xi32>, vector<16xi32>], vector<16xf32>,
          %get3A_205 = arith.constant 11 : i32
          %get3A_206 = arith.index_cast %get3A_205 : i32 to index
          %get3A_207 = arith.index_cast %mul3A_118 : i32 to index
          %get3A_208 = tpu.vector_load %arg5[%get3A_206, %get3A_207] {strides = array<i32>} : memref<16x1792xf32, #tpu.memory_space<vmem>>, vector<16xf32>,
          %add3A_209 = arith.constant 11 : i32
          %add3A_210 = vector.broadcast %add3A_209 : i32 to vector<16xi32>
          %add3A_211 = arith.addi %mul3A_128, %add3A_210 : vector<16xi32>
          tpu.vector_store_idx %arg7[%shift_right_logical3A_122, %add3A_211], %get3A_208 : memref<224x128xf32, #tpu.memory_space<vmem>>[vector<16xi32>, vector<16xi32>], vector<16xf32>,
          %get3A_212 = arith.constant 12 : i32
          %get3A_213 = arith.index_cast %get3A_212 : i32 to index
          %get3A_214 = arith.index_cast %mul3A_118 : i32 to index
          %get3A_215 = tpu.vector_load %arg5[%get3A_213, %get3A_214] {strides = array<i32>} : memref<16x1792xf32, #tpu.memory_space<vmem>>, vector<16xf32>,
          %add3A_216 = arith.constant 12 : i32
          %add3A_217 = vector.broadcast %add3A_216 : i32 to vector<16xi32>
          %add3A_218 = arith.addi %mul3A_128, %add3A_217 : vector<16xi32>
          tpu.vector_store_idx %arg7[%shift_right_logical3A_122, %add3A_218], %get3A_215 : memref<224x128xf32, #tpu.memory_space<vmem>>[vector<16xi32>, vector<16xi32>], vector<16xf32>,
          %get3A_219 = arith.constant 13 : i32
          %get3A_220 = arith.index_cast %get3A_219 : i32 to index
          %get3A_221 = arith.index_cast %mul3A_118 : i32 to index
          %get3A_222 = tpu.vector_load %arg5[%get3A_220, %get3A_221] {strides = array<i32>} : memref<16x1792xf32, #tpu.memory_space<vmem>>, vector<16xf32>,
          %add3A_223 = arith.constant 13 : i32
          %add3A_224 = vector.broadcast %add3A_223 : i32 to vector<16xi32>
          %add3A_225 = arith.addi %mul3A_128, %add3A_224 : vector<16xi32>
          tpu.vector_store_idx %arg7[%shift_right_logical3A_122, %add3A_225], %get3A_222 : memref<224x128xf32, #tpu.memory_space<vmem>>[vector<16xi32>, vector<16xi32>], vector<16xf32>,
          %get3A_226 = arith.constant 14 : i32
          %get3A_227 = arith.index_cast %get3A_226 : i32 to index
          %get3A_228 = arith.index_cast %mul3A_118 : i32 to index
          %get3A_229 = tpu.vector_load %arg5[%get3A_227, %get3A_228] {strides = array<i32>} : memref<16x1792xf32, #tpu.memory_space<vmem>>, vector<16xf32>,
          %add3A_230 = arith.constant 14 : i32
          %add3A_231 = vector.broadcast %add3A_230 : i32 to vector<16xi32>
          %add3A_232 = arith.addi %mul3A_128, %add3A_231 : vector<16xi32>
          tpu.vector_store_idx %arg7[%shift_right_logical3A_122, %add3A_232], %get3A_229 : memref<224x128xf32, #tpu.memory_space<vmem>>[vector<16xi32>, vector<16xi32>], vector<16xf32>,
          %get3A_233 = arith.constant 15 : i32
          %get3A_234 = arith.index_cast %get3A_233 : i32 to index
          %get3A_235 = arith.index_cast %mul3A_118 : i32 to index
          %get3A_236 = tpu.vector_load %arg5[%get3A_234, %get3A_235] {strides = array<i32>} : memref<16x1792xf32, #tpu.memory_space<vmem>>, vector<16xf32>,
          %add3A_237 = arith.constant 15 : i32
          %add3A_238 = vector.broadcast %add3A_237 : i32 to vector<16xi32>
          %add3A_239 = arith.addi %mul3A_128, %add3A_238 : vector<16xi32>
          tpu.vector_store_idx %arg7[%shift_right_logical3A_122, %add3A_239], %get3A_236 : memref<224x128xf32, #tpu.memory_space<vmem>>[vector<16xi32>, vector<16xi32>], vector<16xf32>,
        }
        %scan3A_74 = arith.constant 112 : i32
        %mul3A_75 = arith.constant 32 : i32
        %mul3A_76 = arith.muli %mul3A_42, %mul3A_75 : i32
        %add3A_77 = arith.addi %mul3A_76, %add3A : i32
        %mul3A_78 = arith.constant 1792 : i32
        %mul3A_79 = arith.muli %add3A_77, %mul3A_78 : i32
        %mul3A_80 = arith.constant 16 : i32
        %mul3A_81 = arith.muli %mul3A_79, %mul3A_80 : i32
        %jit3A_82 = arith.constant 128 : i32
        %div3A = arith.divsi %mul3A_81, %jit3A_82 : i32
        %sign3A = arith.constant 0 : i32
        %sign3A_83 = arith.cmpi sgt, %mul3A_81, %sign3A : i32
        %sign3A_84 = arith.extui %sign3A_83 : i1 to i32
        %sign3A_85 = arith.constant 0 : i32
        %sign3A_86 = arith.cmpi slt, %mul3A_81, %sign3A_85 : i32
        %sign3A_87 = arith.extui %sign3A_86 : i1 to i32
        %sign3A_88 = arith.subi %sign3A_84, %sign3A_87 : i32
        %sign3A_89 = arith.constant 0 : i32
        %sign3A_90 = arith.cmpi sgt, %jit3A_82, %sign3A_89 : i32
        %sign3A_91 = arith.extui %sign3A_90 : i1 to i32
        %sign3A_92 = arith.constant 0 : i32
        %sign3A_93 = arith.cmpi slt, %jit3A_82, %sign3A_92 : i32
        %sign3A_94 = arith.extui %sign3A_93 : i1 to i32
        %sign3A_95 = arith.subi %sign3A_91, %sign3A_94 : i32
        %ne3A = arith.cmpi ne, %sign3A_88, %sign3A_95 : i32
        %rem3A = arith.remsi %mul3A_81, %jit3A_82 : i32
        %ne3A_96 = arith.constant 0 : i32
        %ne3A_97 = arith.cmpi ne, %rem3A, %ne3A_96 : i32
        %and3A = arith.andi %ne3A, %ne3A_97 : i1
        %sub3A = arith.constant 1 : i32
        %sub3A_98 = arith.subi %div3A, %sub3A : i32
        %select_n3A_99 = arith.select %and3A, %sub3A_98, %div3A : i32
        %multiple_of3A = tpu.assume_multiple %select_n3A_99, 8 : i32
        %dma_start3A_100 = arith.constant 0 : i32
        %dma_start3A_101 = arith.constant 0 : i32
        %dma_start3A_102 = tpu.memref_slice %arg7[%dma_start3A_100, %dma_start3A_101] : memref<224x128xf32, #tpu.memory_space<vmem>> -> memref<224x128xf32, #tpu.memory_space<vmem>>
        %dma_start3A_103 = arith.constant 0 : i32
        %dma_start3A_104 = tpu.memref_slice %arg4[%multiple_of3A, %dma_start3A_103] : memref<125008x128xf32, #tpu.memory_space<hbm>> -> memref<224x128xf32, #tpu.memory_space<hbm>>
        %dma_start3A_105 = arith.constant 0 : i32
        %dma_start3A_106 = tpu.memref_slice %arg4[%multiple_of3A, %dma_start3A_105] : memref<125008x128xf32, #tpu.memory_space<hbm>> -> memref<224x128xf32, #tpu.memory_space<hbm>>
        %dma_start3A_107 = arith.constant 0 : i32
        %dma_start3A_108 = arith.constant 0 : i32
        %dma_start3A_109 = tpu.memref_slice %arg7[%dma_start3A_107, %dma_start3A_108] : memref<224x128xf32, #tpu.memory_space<vmem>> -> memref<224x128xf32, #tpu.memory_space<vmem>>
        tpu.enqueue_dma source(%dma_start3A_109 : memref<224x128xf32, #tpu.memory_space<vmem>>) target(%dma_start3A_106 : memref<224x128xf32, #tpu.memory_space<hbm>>) target_semaphore(%arg11 : memref<!tpu.dma_semaphore, #tpu.memory_space<semaphore_mem>>)
        %add3A_110 = arith.constant 2 : i32
        %add3A_111 = arith.addi %mul3A_42, %add3A_110 : i32
        %lt3A_112 = arith.cmpi slt, %add3A_111, %select_n3A : i32
        %convert_element_type3A_113 = arith.extui %lt3A_112 : i1 to i32
        %cond3A_114 = arith.constant 0 : i32
        %cond3A_115 = arith.cmpi ne, %convert_element_type3A_113, %cond3A_114 : i32
        scf.if %cond3A_115 {
          %add3A_116 = arith.constant 2 : i32
          %add3A_117 = arith.addi %mul3A_42, %add3A_116 : i32
          %mul3A_118 = arith.constant 32 : i32
          %mul3A_119 = arith.muli %add3A_117, %mul3A_118 : i32
          %add3A_120 = arith.addi %mul3A_119, %add3A : i32
          %mul3A_121 = arith.constant 1792 : i32
          %mul3A_122 = arith.muli %add3A_120, %mul3A_121 : i32
          %dma_start3A_123 = arith.constant 0 : i32
          %dma_start3A_124 = tpu.memref_slice %arg2[%dma_start3A_123, %mul3A_122] : memref<16x1000000xf32, #tpu.memory_space<hbm>> -> memref<16x1792xf32, #tpu.memory_space<hbm>>
          %dma_start3A_125 = arith.constant 0 : i32
          %dma_start3A_126 = tpu.memref_slice %arg2[%dma_start3A_125, %mul3A_122] : memref<16x1000000xf32, #tpu.memory_space<hbm>> -> memref<16x1792xf32, #tpu.memory_space<hbm>>
          tpu.enqueue_dma source(%dma_start3A_126 : memref<16x1792xf32, #tpu.memory_space<hbm>>) target(%arg5 : memref<16x1792xf32, #tpu.memory_space<vmem>>) target_semaphore(%arg9 : memref<!tpu.dma_semaphore, #tpu.memory_space<semaphore_mem>>)
        } else {
        }
      } else {
      }
      %add3A_47 = arith.constant 1 : i32
      %add3A_48 = arith.addi %mul3A_42, %add3A_47 : i32
      %lt3A_49 = arith.cmpi slt, %add3A_48, %select_n3A : i32
      %convert_element_type3A_50 = arith.extui %lt3A_49 : i1 to i32
      %cond3A_51 = arith.constant 0 : i32
      %cond3A_52 = arith.cmpi ne, %convert_element_type3A_50, %cond3A_51 : i32
      scf.if %cond3A_52 {
        %dma_wait3A_53 = arith.constant 0 : i32
        %dma_wait3A_54 = arith.constant 0 : i32
        %dma_wait3A_55 = tpu.memref_slice %arg2[%dma_wait3A_53, %dma_wait3A_54] : memref<16x1000000xf32, #tpu.memory_space<hbm>> -> memref<16x1792xf32, #tpu.memory_space<hbm>>
        %dma_wait3A_56 = arith.constant 0 : i32
        %dma_wait3A_57 = arith.constant 0 : i32
        %dma_wait3A_58 = tpu.memref_slice %arg2[%dma_wait3A_56, %dma_wait3A_57] : memref<16x1000000xf32, #tpu.memory_space<hbm>> -> memref<16x1792xf32, #tpu.memory_space<hbm>>
        tpu.wait_dma2 semaphore(%arg10 : memref<!tpu.dma_semaphore, #tpu.memory_space<semaphore_mem>>) src(%dma_wait3A_58 : memref<16x1792xf32, #tpu.memory_space<hbm>>) dst(%arg6 : memref<16x1792xf32, #tpu.memory_space<vmem>>)
        %gt3A = arith.constant 0 : i32
        %gt3A_59 = arith.cmpi sgt, %scan3A_40, %gt3A : i32
        %convert_element_type3A_60 = arith.extui %gt3A_59 : i1 to i32
        %cond3A_61 = arith.constant 0 : i32
        %cond3A_62 = arith.cmpi ne, %convert_element_type3A_60, %cond3A_61 : i32
        scf.if %cond3A_62 {
          %dma_wait3A_106 = arith.constant 0 : i32
          %dma_wait3A_107 = arith.constant 0 : i32
          %dma_wait3A_108 = tpu.memref_slice %arg8[%dma_wait3A_106, %dma_wait3A_107] : memref<224x128xf32, #tpu.memory_space<vmem>> -> memref<224x128xf32, #tpu.memory_space<vmem>>
          %dma_wait3A_109 = arith.constant 0 : i32
          %dma_wait3A_110 = arith.constant 0 : i32
          %dma_wait3A_111 = tpu.memref_slice %arg4[%dma_wait3A_109, %dma_wait3A_110] : memref<125008x128xf32, #tpu.memory_space<hbm>> -> memref<224x128xf32, #tpu.memory_space<hbm>>
          %dma_wait3A_112 = arith.constant 0 : i32
          %dma_wait3A_113 = arith.constant 0 : i32
          %dma_wait3A_114 = tpu.memref_slice %arg4[%dma_wait3A_112, %dma_wait3A_113] : memref<125008x128xf32, #tpu.memory_space<hbm>> -> memref<224x128xf32, #tpu.memory_space<hbm>>
          %dma_wait3A_115 = arith.constant 0 : i32
          %dma_wait3A_116 = arith.constant 0 : i32
          %dma_wait3A_117 = tpu.memref_slice %arg8[%dma_wait3A_115, %dma_wait3A_116] : memref<224x128xf32, #tpu.memory_space<vmem>> -> memref<224x128xf32, #tpu.memory_space<vmem>>
          tpu.wait_dma2 semaphore(%arg12 : memref<!tpu.dma_semaphore, #tpu.memory_space<semaphore_mem>>) src(%dma_wait3A_117 : memref<224x128xf32, #tpu.memory_space<vmem>>) dst(%dma_wait3A_114 : memref<224x128xf32, #tpu.memory_space<hbm>>)
        } else {
        }
        %scan3A_63 = arith.constant 0 : i32
        %scan3A_64 = arith.constant 0 : i32
        %scan3A_65 = arith.constant 112 : i32
        %scan3A_66 = arith.addi %scan3A_64, %scan3A_65 : i32
        %scan3A_67 = arith.constant 1 : i32
        scf.for %scan3A_106 = %scan3A_64 to %scan3A_66 step %scan3A_67  : i32 {
          %mul3A_107 = arith.constant 16 : i32
          %mul3A_108 = arith.muli %scan3A_106, %mul3A_107 : i32
          %add3A_109 = vector.broadcast %mul3A_108 : i32 to vector<16xi32>
          %add3A_110 = arith.addi %add3A_109, %iota3A : vector<16xi32>
          %shift_right_logical3A = arith.constant 3 : i32
          %shift_right_logical3A_111 = vector.broadcast %shift_right_logical3A : i32 to vector<16xi32>
          %shift_right_logical3A_112 = arith.shrui %add3A_110, %shift_right_logical3A_111 : vector<16xi32>
          %and3A_113 = arith.constant 7 : i32
          %and3A_114 = vector.broadcast %and3A_113 : i32 to vector<16xi32>
          %and3A_115 = arith.andi %add3A_110, %and3A_114 : vector<16xi32>
          %mul3A_116 = arith.constant 16 : i32
          %mul3A_117 = vector.broadcast %mul3A_116 : i32 to vector<16xi32>
          %mul3A_118 = arith.muli %and3A_115, %mul3A_117 : vector<16xi32>
          %get3A = arith.constant 0 : i32
          %get3A_119 = arith.index_cast %get3A : i32 to index
          %get3A_120 = arith.index_cast %mul3A_108 : i32 to index
          %get3A_121 = tpu.vector_load %arg6[%get3A_119, %get3A_120] {strides = array<i32>} : memref<16x1792xf32, #tpu.memory_space<vmem>>, vector<16xf32>,
          %add3A_122 = arith.constant 0 : i32
          %add3A_123 = vector.broadcast %add3A_122 : i32 to vector<16xi32>
          %add3A_124 = arith.addi %mul3A_118, %add3A_123 : vector<16xi32>
          tpu.vector_store_idx %arg8[%shift_right_logical3A_112, %add3A_124], %get3A_121 : memref<224x128xf32, #tpu.memory_space<vmem>>[vector<16xi32>, vector<16xi32>], vector<16xf32>,
          %get3A_125 = arith.constant 1 : i32
          %get3A_126 = arith.index_cast %get3A_125 : i32 to index
          %get3A_127 = arith.index_cast %mul3A_108 : i32 to index
          %get3A_128 = tpu.vector_load %arg6[%get3A_126, %get3A_127] {strides = array<i32>} : memref<16x1792xf32, #tpu.memory_space<vmem>>, vector<16xf32>,
          %add3A_129 = arith.constant 1 : i32
          %add3A_130 = vector.broadcast %add3A_129 : i32 to vector<16xi32>
          %add3A_131 = arith.addi %mul3A_118, %add3A_130 : vector<16xi32>
          tpu.vector_store_idx %arg8[%shift_right_logical3A_112, %add3A_131], %get3A_128 : memref<224x128xf32, #tpu.memory_space<vmem>>[vector<16xi32>, vector<16xi32>], vector<16xf32>,
          %get3A_132 = arith.constant 2 : i32
          %get3A_133 = arith.index_cast %get3A_132 : i32 to index
          %get3A_134 = arith.index_cast %mul3A_108 : i32 to index
          %get3A_135 = tpu.vector_load %arg6[%get3A_133, %get3A_134] {strides = array<i32>} : memref<16x1792xf32, #tpu.memory_space<vmem>>, vector<16xf32>,
          %add3A_136 = arith.constant 2 : i32
          %add3A_137 = vector.broadcast %add3A_136 : i32 to vector<16xi32>
          %add3A_138 = arith.addi %mul3A_118, %add3A_137 : vector<16xi32>
          tpu.vector_store_idx %arg8[%shift_right_logical3A_112, %add3A_138], %get3A_135 : memref<224x128xf32, #tpu.memory_space<vmem>>[vector<16xi32>, vector<16xi32>], vector<16xf32>,
          %get3A_139 = arith.constant 3 : i32
          %get3A_140 = arith.index_cast %get3A_139 : i32 to index
          %get3A_141 = arith.index_cast %mul3A_108 : i32 to index
          %get3A_142 = tpu.vector_load %arg6[%get3A_140, %get3A_141] {strides = array<i32>} : memref<16x1792xf32, #tpu.memory_space<vmem>>, vector<16xf32>,
          %add3A_143 = arith.constant 3 : i32
          %add3A_144 = vector.broadcast %add3A_143 : i32 to vector<16xi32>
          %add3A_145 = arith.addi %mul3A_118, %add3A_144 : vector<16xi32>
          tpu.vector_store_idx %arg8[%shift_right_logical3A_112, %add3A_145], %get3A_142 : memref<224x128xf32, #tpu.memory_space<vmem>>[vector<16xi32>, vector<16xi32>], vector<16xf32>,
          %get3A_146 = arith.constant 4 : i32
          %get3A_147 = arith.index_cast %get3A_146 : i32 to index
          %get3A_148 = arith.index_cast %mul3A_108 : i32 to index
          %get3A_149 = tpu.vector_load %arg6[%get3A_147, %get3A_148] {strides = array<i32>} : memref<16x1792xf32, #tpu.memory_space<vmem>>, vector<16xf32>,
          %add3A_150 = arith.constant 4 : i32
          %add3A_151 = vector.broadcast %add3A_150 : i32 to vector<16xi32>
          %add3A_152 = arith.addi %mul3A_118, %add3A_151 : vector<16xi32>
          tpu.vector_store_idx %arg8[%shift_right_logical3A_112, %add3A_152], %get3A_149 : memref<224x128xf32, #tpu.memory_space<vmem>>[vector<16xi32>, vector<16xi32>], vector<16xf32>,
          %get3A_153 = arith.constant 5 : i32
          %get3A_154 = arith.index_cast %get3A_153 : i32 to index
          %get3A_155 = arith.index_cast %mul3A_108 : i32 to index
          %get3A_156 = tpu.vector_load %arg6[%get3A_154, %get3A_155] {strides = array<i32>} : memref<16x1792xf32, #tpu.memory_space<vmem>>, vector<16xf32>,
          %add3A_157 = arith.constant 5 : i32
          %add3A_158 = vector.broadcast %add3A_157 : i32 to vector<16xi32>
          %add3A_159 = arith.addi %mul3A_118, %add3A_158 : vector<16xi32>
          tpu.vector_store_idx %arg8[%shift_right_logical3A_112, %add3A_159], %get3A_156 : memref<224x128xf32, #tpu.memory_space<vmem>>[vector<16xi32>, vector<16xi32>], vector<16xf32>,
          %get3A_160 = arith.constant 6 : i32
          %get3A_161 = arith.index_cast %get3A_160 : i32 to index
          %get3A_162 = arith.index_cast %mul3A_108 : i32 to index
          %get3A_163 = tpu.vector_load %arg6[%get3A_161, %get3A_162] {strides = array<i32>} : memref<16x1792xf32, #tpu.memory_space<vmem>>, vector<16xf32>,
          %add3A_164 = arith.constant 6 : i32
          %add3A_165 = vector.broadcast %add3A_164 : i32 to vector<16xi32>
          %add3A_166 = arith.addi %mul3A_118, %add3A_165 : vector<16xi32>
          tpu.vector_store_idx %arg8[%shift_right_logical3A_112, %add3A_166], %get3A_163 : memref<224x128xf32, #tpu.memory_space<vmem>>[vector<16xi32>, vector<16xi32>], vector<16xf32>,
          %get3A_167 = arith.constant 7 : i32
          %get3A_168 = arith.index_cast %get3A_167 : i32 to index
          %get3A_169 = arith.index_cast %mul3A_108 : i32 to index
          %get3A_170 = tpu.vector_load %arg6[%get3A_168, %get3A_169] {strides = array<i32>} : memref<16x1792xf32, #tpu.memory_space<vmem>>, vector<16xf32>,
          %add3A_171 = arith.constant 7 : i32
          %add3A_172 = vector.broadcast %add3A_171 : i32 to vector<16xi32>
          %add3A_173 = arith.addi %mul3A_118, %add3A_172 : vector<16xi32>
          tpu.vector_store_idx %arg8[%shift_right_logical3A_112, %add3A_173], %get3A_170 : memref<224x128xf32, #tpu.memory_space<vmem>>[vector<16xi32>, vector<16xi32>], vector<16xf32>,
          %get3A_174 = arith.constant 8 : i32
          %get3A_175 = arith.index_cast %get3A_174 : i32 to index
          %get3A_176 = arith.index_cast %mul3A_108 : i32 to index
          %get3A_177 = tpu.vector_load %arg6[%get3A_175, %get3A_176] {strides = array<i32>} : memref<16x1792xf32, #tpu.memory_space<vmem>>, vector<16xf32>,
          %add3A_178 = arith.constant 8 : i32
          %add3A_179 = vector.broadcast %add3A_178 : i32 to vector<16xi32>
          %add3A_180 = arith.addi %mul3A_118, %add3A_179 : vector<16xi32>
          tpu.vector_store_idx %arg8[%shift_right_logical3A_112, %add3A_180], %get3A_177 : memref<224x128xf32, #tpu.memory_space<vmem>>[vector<16xi32>, vector<16xi32>], vector<16xf32>,
          %get3A_181 = arith.constant 9 : i32
          %get3A_182 = arith.index_cast %get3A_181 : i32 to index
          %get3A_183 = arith.index_cast %mul3A_108 : i32 to index
          %get3A_184 = tpu.vector_load %arg6[%get3A_182, %get3A_183] {strides = array<i32>} : memref<16x1792xf32, #tpu.memory_space<vmem>>, vector<16xf32>,
          %add3A_185 = arith.constant 9 : i32
          %add3A_186 = vector.broadcast %add3A_185 : i32 to vector<16xi32>
          %add3A_187 = arith.addi %mul3A_118, %add3A_186 : vector<16xi32>
          tpu.vector_store_idx %arg8[%shift_right_logical3A_112, %add3A_187], %get3A_184 : memref<224x128xf32, #tpu.memory_space<vmem>>[vector<16xi32>, vector<16xi32>], vector<16xf32>,
          %get3A_188 = arith.constant 10 : i32
          %get3A_189 = arith.index_cast %get3A_188 : i32 to index
          %get3A_190 = arith.index_cast %mul3A_108 : i32 to index
          %get3A_191 = tpu.vector_load %arg6[%get3A_189, %get3A_190] {strides = array<i32>} : memref<16x1792xf32, #tpu.memory_space<vmem>>, vector<16xf32>,
          %add3A_192 = arith.constant 10 : i32
          %add3A_193 = vector.broadcast %add3A_192 : i32 to vector<16xi32>
          %add3A_194 = arith.addi %mul3A_118, %add3A_193 : vector<16xi32>
          tpu.vector_store_idx %arg8[%shift_right_logical3A_112, %add3A_194], %get3A_191 : memref<224x128xf32, #tpu.memory_space<vmem>>[vector<16xi32>, vector<16xi32>], vector<16xf32>,
          %get3A_195 = arith.constant 11 : i32
          %get3A_196 = arith.index_cast %get3A_195 : i32 to index
          %get3A_197 = arith.index_cast %mul3A_108 : i32 to index
          %get3A_198 = tpu.vector_load %arg6[%get3A_196, %get3A_197] {strides = array<i32>} : memref<16x1792xf32, #tpu.memory_space<vmem>>, vector<16xf32>,
          %add3A_199 = arith.constant 11 : i32
          %add3A_200 = vector.broadcast %add3A_199 : i32 to vector<16xi32>
          %add3A_201 = arith.addi %mul3A_118, %add3A_200 : vector<16xi32>
          tpu.vector_store_idx %arg8[%shift_right_logical3A_112, %add3A_201], %get3A_198 : memref<224x128xf32, #tpu.memory_space<vmem>>[vector<16xi32>, vector<16xi32>], vector<16xf32>,
          %get3A_202 = arith.constant 12 : i32
          %get3A_203 = arith.index_cast %get3A_202 : i32 to index
          %get3A_204 = arith.index_cast %mul3A_108 : i32 to index
          %get3A_205 = tpu.vector_load %arg6[%get3A_203, %get3A_204] {strides = array<i32>} : memref<16x1792xf32, #tpu.memory_space<vmem>>, vector<16xf32>,
          %add3A_206 = arith.constant 12 : i32
          %add3A_207 = vector.broadcast %add3A_206 : i32 to vector<16xi32>
          %add3A_208 = arith.addi %mul3A_118, %add3A_207 : vector<16xi32>
          tpu.vector_store_idx %arg8[%shift_right_logical3A_112, %add3A_208], %get3A_205 : memref<224x128xf32, #tpu.memory_space<vmem>>[vector<16xi32>, vector<16xi32>], vector<16xf32>,
          %get3A_209 = arith.constant 13 : i32
          %get3A_210 = arith.index_cast %get3A_209 : i32 to index
          %get3A_211 = arith.index_cast %mul3A_108 : i32 to index
          %get3A_212 = tpu.vector_load %arg6[%get3A_210, %get3A_211] {strides = array<i32>} : memref<16x1792xf32, #tpu.memory_space<vmem>>, vector<16xf32>,
          %add3A_213 = arith.constant 13 : i32
          %add3A_214 = vector.broadcast %add3A_213 : i32 to vector<16xi32>
          %add3A_215 = arith.addi %mul3A_118, %add3A_214 : vector<16xi32>
          tpu.vector_store_idx %arg8[%shift_right_logical3A_112, %add3A_215], %get3A_212 : memref<224x128xf32, #tpu.memory_space<vmem>>[vector<16xi32>, vector<16xi32>], vector<16xf32>,
          %get3A_216 = arith.constant 14 : i32
          %get3A_217 = arith.index_cast %get3A_216 : i32 to index
          %get3A_218 = arith.index_cast %mul3A_108 : i32 to index
          %get3A_219 = tpu.vector_load %arg6[%get3A_217, %get3A_218] {strides = array<i32>} : memref<16x1792xf32, #tpu.memory_space<vmem>>, vector<16xf32>,
          %add3A_220 = arith.constant 14 : i32
          %add3A_221 = vector.broadcast %add3A_220 : i32 to vector<16xi32>
          %add3A_222 = arith.addi %mul3A_118, %add3A_221 : vector<16xi32>
          tpu.vector_store_idx %arg8[%shift_right_logical3A_112, %add3A_222], %get3A_219 : memref<224x128xf32, #tpu.memory_space<vmem>>[vector<16xi32>, vector<16xi32>], vector<16xf32>,
          %get3A_223 = arith.constant 15 : i32
          %get3A_224 = arith.index_cast %get3A_223 : i32 to index
          %get3A_225 = arith.index_cast %mul3A_108 : i32 to index
          %get3A_226 = tpu.vector_load %arg6[%get3A_224, %get3A_225] {strides = array<i32>} : memref<16x1792xf32, #tpu.memory_space<vmem>>, vector<16xf32>,
          %add3A_227 = arith.constant 15 : i32
          %add3A_228 = vector.broadcast %add3A_227 : i32 to vector<16xi32>
          %add3A_229 = arith.addi %mul3A_118, %add3A_228 : vector<16xi32>
          tpu.vector_store_idx %arg8[%shift_right_logical3A_112, %add3A_229], %get3A_226 : memref<224x128xf32, #tpu.memory_space<vmem>>[vector<16xi32>, vector<16xi32>], vector<16xf32>,
        }
        %scan3A_68 = arith.constant 112 : i32
        %add3A_69 = arith.constant 1 : i32
        %add3A_70 = arith.addi %mul3A_42, %add3A_69 : i32
        %mul3A_71 = arith.constant 32 : i32
        %mul3A_72 = arith.muli %add3A_70, %mul3A_71 : i32
        %add3A_73 = arith.addi %mul3A_72, %add3A : i32
        %mul3A_74 = arith.constant 1792 : i32
        %mul3A_75 = arith.muli %add3A_73, %mul3A_74 : i32
        %mul3A_76 = arith.constant 16 : i32
        %mul3A_77 = arith.muli %mul3A_75, %mul3A_76 : i32
        %jit3A_78 = arith.constant 128 : i32
        %div3A = arith.divsi %mul3A_77, %jit3A_78 : i32
        %sign3A = arith.constant 0 : i32
        %sign3A_79 = arith.cmpi sgt, %mul3A_77, %sign3A : i32
        %sign3A_80 = arith.extui %sign3A_79 : i1 to i32
        %sign3A_81 = arith.constant 0 : i32
        %sign3A_82 = arith.cmpi slt, %mul3A_77, %sign3A_81 : i32
        %sign3A_83 = arith.extui %sign3A_82 : i1 to i32
        %sign3A_84 = arith.subi %sign3A_80, %sign3A_83 : i32
        %sign3A_85 = arith.constant 0 : i32
        %sign3A_86 = arith.cmpi sgt, %jit3A_78, %sign3A_85 : i32
        %sign3A_87 = arith.extui %sign3A_86 : i1 to i32
        %sign3A_88 = arith.constant 0 : i32
        %sign3A_89 = arith.cmpi slt, %jit3A_78, %sign3A_88 : i32
        %sign3A_90 = arith.extui %sign3A_89 : i1 to i32
        %sign3A_91 = arith.subi %sign3A_87, %sign3A_90 : i32
        %ne3A = arith.cmpi ne, %sign3A_84, %sign3A_91 : i32
        %rem3A = arith.remsi %mul3A_77, %jit3A_78 : i32
        %ne3A_92 = arith.constant 0 : i32
        %ne3A_93 = arith.cmpi ne, %rem3A, %ne3A_92 : i32
        %and3A = arith.andi %ne3A, %ne3A_93 : i1
        %sub3A = arith.constant 1 : i32
        %sub3A_94 = arith.subi %div3A, %sub3A : i32
        %select_n3A_95 = arith.select %and3A, %sub3A_94, %div3A : i32
        %multiple_of3A = tpu.assume_multiple %select_n3A_95, 8 : i32
        %dma_start3A_96 = arith.constant 0 : i32
        %dma_start3A_97 = arith.constant 0 : i32
        %dma_start3A_98 = tpu.memref_slice %arg8[%dma_start3A_96, %dma_start3A_97] : memref<224x128xf32, #tpu.memory_space<vmem>> -> memref<224x128xf32, #tpu.memory_space<vmem>>
        %dma_start3A_99 = arith.constant 0 : i32
        %dma_start3A_100 = tpu.memref_slice %arg4[%multiple_of3A, %dma_start3A_99] : memref<125008x128xf32, #tpu.memory_space<hbm>> -> memref<224x128xf32, #tpu.memory_space<hbm>>
        %dma_start3A_101 = arith.constant 0 : i32
        %dma_start3A_102 = tpu.memref_slice %arg4[%multiple_of3A, %dma_start3A_101] : memref<125008x128xf32, #tpu.memory_space<hbm>> -> memref<224x128xf32, #tpu.memory_space<hbm>>
        %dma_start3A_103 = arith.constant 0 : i32
        %dma_start3A_104 = arith.constant 0 : i32
        %dma_start3A_105 = tpu.memref_slice %arg8[%dma_start3A_103, %dma_start3A_104] : memref<224x128xf32, #tpu.memory_space<vmem>> -> memref<224x128xf32, #tpu.memory_space<vmem>>
        tpu.enqueue_dma source(%dma_start3A_105 : memref<224x128xf32, #tpu.memory_space<vmem>>) target(%dma_start3A_102 : memref<224x128xf32, #tpu.memory_space<hbm>>) target_semaphore(%arg12 : memref<!tpu.dma_semaphore, #tpu.memory_space<semaphore_mem>>)
      } else {
      }
    }
    %scan3A_14 = arith.constant 9 : i32
    %dma_wait3A = arith.constant 0 : i32
    %dma_wait3A_15 = arith.constant 0 : i32
    %dma_wait3A_16 = tpu.memref_slice %arg7[%dma_wait3A, %dma_wait3A_15] : memref<224x128xf32, #tpu.memory_space<vmem>> -> memref<224x128xf32, #tpu.memory_space<vmem>>
    %dma_wait3A_17 = arith.constant 0 : i32
    %dma_wait3A_18 = arith.constant 0 : i32
    %dma_wait3A_19 = tpu.memref_slice %arg4[%dma_wait3A_17, %dma_wait3A_18] : memref<125008x128xf32, #tpu.memory_space<hbm>> -> memref<224x128xf32, #tpu.memory_space<hbm>>
    %dma_wait3A_20 = arith.constant 0 : i32
    %dma_wait3A_21 = arith.constant 0 : i32
    %dma_wait3A_22 = tpu.memref_slice %arg4[%dma_wait3A_20, %dma_wait3A_21] : memref<125008x128xf32, #tpu.memory_space<hbm>> -> memref<224x128xf32, #tpu.memory_space<hbm>>
    %dma_wait3A_23 = arith.constant 0 : i32
    %dma_wait3A_24 = arith.constant 0 : i32
    %dma_wait3A_25 = tpu.memref_slice %arg7[%dma_wait3A_23, %dma_wait3A_24] : memref<224x128xf32, #tpu.memory_space<vmem>> -> memref<224x128xf32, #tpu.memory_space<vmem>>
    tpu.wait_dma2 semaphore(%arg11 : memref<!tpu.dma_semaphore, #tpu.memory_space<semaphore_mem>>) src(%dma_wait3A_25 : memref<224x128xf32, #tpu.memory_space<vmem>>) dst(%dma_wait3A_22 : memref<224x128xf32, #tpu.memory_space<hbm>>)
    %dma_wait3A_26 = arith.constant 0 : i32
    %dma_wait3A_27 = arith.constant 0 : i32
    %dma_wait3A_28 = tpu.memref_slice %arg8[%dma_wait3A_26, %dma_wait3A_27] : memref<224x128xf32, #tpu.memory_space<vmem>> -> memref<224x128xf32, #tpu.memory_space<vmem>>
    %dma_wait3A_29 = arith.constant 0 : i32
    %dma_wait3A_30 = arith.constant 0 : i32
    %dma_wait3A_31 = tpu.memref_slice %arg4[%dma_wait3A_29, %dma_wait3A_30] : memref<125008x128xf32, #tpu.memory_space<hbm>> -> memref<224x128xf32, #tpu.memory_space<hbm>>
    %dma_wait3A_32 = arith.constant 0 : i32
    %dma_wait3A_33 = arith.constant 0 : i32
    %dma_wait3A_34 = tpu.memref_slice %arg4[%dma_wait3A_32, %dma_wait3A_33] : memref<125008x128xf32, #tpu.memory_space<hbm>> -> memref<224x128xf32, #tpu.memory_space<hbm>>
    %dma_wait3A_35 = arith.constant 0 : i32
    %dma_wait3A_36 = arith.constant 0 : i32
    %dma_wait3A_37 = tpu.memref_slice %arg8[%dma_wait3A_35, %dma_wait3A_36] : memref<224x128xf32, #tpu.memory_space<vmem>> -> memref<224x128xf32, #tpu.memory_space<vmem>>
    tpu.wait_dma2 semaphore(%arg12 : memref<!tpu.dma_semaphore, #tpu.memory_space<semaphore_mem>>) src(%dma_wait3A_37 : memref<224x128xf32, #tpu.memory_space<vmem>>) dst(%dma_wait3A_34 : memref<224x128xf32, #tpu.memory_space<hbm>>)
    %eq3A = arith.constant 14 : i32
    %eq3A_38 = arith.cmpi eq, %add3A, %eq3A : i32
    %convert_element_type3A = arith.extui %eq3A_38 : i1 to i32
    %cond3A = arith.constant 0 : i32
    %cond3A_39 = arith.cmpi ne, %convert_element_type3A, %cond3A : i32
    scf.if %cond3A_39 {
      "tpu.region"() ({
        %run_scoped3A = tpu.sem_alloc : memref<!tpu.dma_semaphore, #tpu.memory_space<semaphore_mem>>
        tpu.enqueue_dma source(%arg3 : memref<16x1792xf32, #tpu.memory_space<hbm>>) target(%arg5 : memref<16x1792xf32, #tpu.memory_space<vmem>>) target_semaphore(%run_scoped3A : memref<!tpu.dma_semaphore, #tpu.memory_space<semaphore_mem>>)
        tpu.wait_dma2 semaphore(%run_scoped3A : memref<!tpu.dma_semaphore, #tpu.memory_space<semaphore_mem>>) src(%arg3 : memref<16x1792xf32, #tpu.memory_space<hbm>>) dst(%arg5 : memref<16x1792xf32, #tpu.memory_space<vmem>>)
        tpu.yield
      }) : () -> ()
      %scan3A_40 = arith.constant 0 : i32
      %scan3A_41 = arith.constant 0 : i32
      %scan3A_42 = arith.constant 4 : i32
      %scan3A_43 = arith.addi %scan3A_41, %scan3A_42 : i32
      %scan3A_44 = arith.constant 1 : i32
      scf.for %scan3A_69 = %scan3A_41 to %scan3A_43 step %scan3A_44  : i32 {
        %mul3A_70 = arith.constant 16 : i32
        %mul3A_71 = arith.muli %scan3A_69, %mul3A_70 : i32
        %add3A_72 = vector.broadcast %mul3A_71 : i32 to vector<16xi32>
        %add3A_73 = arith.addi %add3A_72, %iota3A : vector<16xi32>
        %shift_right_logical3A = arith.constant 3 : i32
        %shift_right_logical3A_74 = vector.broadcast %shift_right_logical3A : i32 to vector<16xi32>
        %shift_right_logical3A_75 = arith.shrui %add3A_73, %shift_right_logical3A_74 : vector<16xi32>
        %and3A = arith.constant 7 : i32
        %and3A_76 = vector.broadcast %and3A : i32 to vector<16xi32>
        %and3A_77 = arith.andi %add3A_73, %and3A_76 : vector<16xi32>
        %mul3A_78 = arith.constant 16 : i32
        %mul3A_79 = vector.broadcast %mul3A_78 : i32 to vector<16xi32>
        %mul3A_80 = arith.muli %and3A_77, %mul3A_79 : vector<16xi32>
        %get3A = arith.constant 0 : i32
        %get3A_81 = arith.index_cast %get3A : i32 to index
        %get3A_82 = arith.index_cast %mul3A_71 : i32 to index
        %get3A_83 = tpu.vector_load %arg5[%get3A_81, %get3A_82] {strides = array<i32>} : memref<16x1792xf32, #tpu.memory_space<vmem>>, vector<16xf32>,
        %add3A_84 = arith.constant 0 : i32
        %add3A_85 = vector.broadcast %add3A_84 : i32 to vector<16xi32>
        %add3A_86 = arith.addi %mul3A_80, %add3A_85 : vector<16xi32>
        tpu.vector_store_idx %arg7[%shift_right_logical3A_75, %add3A_86], %get3A_83 : memref<224x128xf32, #tpu.memory_space<vmem>>[vector<16xi32>, vector<16xi32>], vector<16xf32>,
        %get3A_87 = arith.constant 1 : i32
        %get3A_88 = arith.index_cast %get3A_87 : i32 to index
        %get3A_89 = arith.index_cast %mul3A_71 : i32 to index
        %get3A_90 = tpu.vector_load %arg5[%get3A_88, %get3A_89] {strides = array<i32>} : memref<16x1792xf32, #tpu.memory_space<vmem>>, vector<16xf32>,
        %add3A_91 = arith.constant 1 : i32
        %add3A_92 = vector.broadcast %add3A_91 : i32 to vector<16xi32>
        %add3A_93 = arith.addi %mul3A_80, %add3A_92 : vector<16xi32>
        tpu.vector_store_idx %arg7[%shift_right_logical3A_75, %add3A_93], %get3A_90 : memref<224x128xf32, #tpu.memory_space<vmem>>[vector<16xi32>, vector<16xi32>], vector<16xf32>,
        %get3A_94 = arith.constant 2 : i32
        %get3A_95 = arith.index_cast %get3A_94 : i32 to index
        %get3A_96 = arith.index_cast %mul3A_71 : i32 to index
        %get3A_97 = tpu.vector_load %arg5[%get3A_95, %get3A_96] {strides = array<i32>} : memref<16x1792xf32, #tpu.memory_space<vmem>>, vector<16xf32>,
        %add3A_98 = arith.constant 2 : i32
        %add3A_99 = vector.broadcast %add3A_98 : i32 to vector<16xi32>
        %add3A_100 = arith.addi %mul3A_80, %add3A_99 : vector<16xi32>
        tpu.vector_store_idx %arg7[%shift_right_logical3A_75, %add3A_100], %get3A_97 : memref<224x128xf32, #tpu.memory_space<vmem>>[vector<16xi32>, vector<16xi32>], vector<16xf32>,
        %get3A_101 = arith.constant 3 : i32
        %get3A_102 = arith.index_cast %get3A_101 : i32 to index
        %get3A_103 = arith.index_cast %mul3A_71 : i32 to index
        %get3A_104 = tpu.vector_load %arg5[%get3A_102, %get3A_103] {strides = array<i32>} : memref<16x1792xf32, #tpu.memory_space<vmem>>, vector<16xf32>,
        %add3A_105 = arith.constant 3 : i32
        %add3A_106 = vector.broadcast %add3A_105 : i32 to vector<16xi32>
        %add3A_107 = arith.addi %mul3A_80, %add3A_106 : vector<16xi32>
        tpu.vector_store_idx %arg7[%shift_right_logical3A_75, %add3A_107], %get3A_104 : memref<224x128xf32, #tpu.memory_space<vmem>>[vector<16xi32>, vector<16xi32>], vector<16xf32>,
        %get3A_108 = arith.constant 4 : i32
        %get3A_109 = arith.index_cast %get3A_108 : i32 to index
        %get3A_110 = arith.index_cast %mul3A_71 : i32 to index
        %get3A_111 = tpu.vector_load %arg5[%get3A_109, %get3A_110] {strides = array<i32>} : memref<16x1792xf32, #tpu.memory_space<vmem>>, vector<16xf32>,
        %add3A_112 = arith.constant 4 : i32
        %add3A_113 = vector.broadcast %add3A_112 : i32 to vector<16xi32>
        %add3A_114 = arith.addi %mul3A_80, %add3A_113 : vector<16xi32>
        tpu.vector_store_idx %arg7[%shift_right_logical3A_75, %add3A_114], %get3A_111 : memref<224x128xf32, #tpu.memory_space<vmem>>[vector<16xi32>, vector<16xi32>], vector<16xf32>,
        %get3A_115 = arith.constant 5 : i32
        %get3A_116 = arith.index_cast %get3A_115 : i32 to index
        %get3A_117 = arith.index_cast %mul3A_71 : i32 to index
        %get3A_118 = tpu.vector_load %arg5[%get3A_116, %get3A_117] {strides = array<i32>} : memref<16x1792xf32, #tpu.memory_space<vmem>>, vector<16xf32>,
        %add3A_119 = arith.constant 5 : i32
        %add3A_120 = vector.broadcast %add3A_119 : i32 to vector<16xi32>
        %add3A_121 = arith.addi %mul3A_80, %add3A_120 : vector<16xi32>
        tpu.vector_store_idx %arg7[%shift_right_logical3A_75, %add3A_121], %get3A_118 : memref<224x128xf32, #tpu.memory_space<vmem>>[vector<16xi32>, vector<16xi32>], vector<16xf32>,
        %get3A_122 = arith.constant 6 : i32
        %get3A_123 = arith.index_cast %get3A_122 : i32 to index
        %get3A_124 = arith.index_cast %mul3A_71 : i32 to index
        %get3A_125 = tpu.vector_load %arg5[%get3A_123, %get3A_124] {strides = array<i32>} : memref<16x1792xf32, #tpu.memory_space<vmem>>, vector<16xf32>,
        %add3A_126 = arith.constant 6 : i32
        %add3A_127 = vector.broadcast %add3A_126 : i32 to vector<16xi32>
        %add3A_128 = arith.addi %mul3A_80, %add3A_127 : vector<16xi32>
        tpu.vector_store_idx %arg7[%shift_right_logical3A_75, %add3A_128], %get3A_125 : memref<224x128xf32, #tpu.memory_space<vmem>>[vector<16xi32>, vector<16xi32>], vector<16xf32>,
        %get3A_129 = arith.constant 7 : i32
        %get3A_130 = arith.index_cast %get3A_129 : i32 to index
        %get3A_131 = arith.index_cast %mul3A_71 : i32 to index
        %get3A_132 = tpu.vector_load %arg5[%get3A_130, %get3A_131] {strides = array<i32>} : memref<16x1792xf32, #tpu.memory_space<vmem>>, vector<16xf32>,
        %add3A_133 = arith.constant 7 : i32
        %add3A_134 = vector.broadcast %add3A_133 : i32 to vector<16xi32>
        %add3A_135 = arith.addi %mul3A_80, %add3A_134 : vector<16xi32>
        tpu.vector_store_idx %arg7[%shift_right_logical3A_75, %add3A_135], %get3A_132 : memref<224x128xf32, #tpu.memory_space<vmem>>[vector<16xi32>, vector<16xi32>], vector<16xf32>,
        %get3A_136 = arith.constant 8 : i32
        %get3A_137 = arith.index_cast %get3A_136 : i32 to index
        %get3A_138 = arith.index_cast %mul3A_71 : i32 to index
        %get3A_139 = tpu.vector_load %arg5[%get3A_137, %get3A_138] {strides = array<i32>} : memref<16x1792xf32, #tpu.memory_space<vmem>>, vector<16xf32>,
        %add3A_140 = arith.constant 8 : i32
        %add3A_141 = vector.broadcast %add3A_140 : i32 to vector<16xi32>
        %add3A_142 = arith.addi %mul3A_80, %add3A_141 : vector<16xi32>
        tpu.vector_store_idx %arg7[%shift_right_logical3A_75, %add3A_142], %get3A_139 : memref<224x128xf32, #tpu.memory_space<vmem>>[vector<16xi32>, vector<16xi32>], vector<16xf32>,
        %get3A_143 = arith.constant 9 : i32
        %get3A_144 = arith.index_cast %get3A_143 : i32 to index
        %get3A_145 = arith.index_cast %mul3A_71 : i32 to index
        %get3A_146 = tpu.vector_load %arg5[%get3A_144, %get3A_145] {strides = array<i32>} : memref<16x1792xf32, #tpu.memory_space<vmem>>, vector<16xf32>,
        %add3A_147 = arith.constant 9 : i32
        %add3A_148 = vector.broadcast %add3A_147 : i32 to vector<16xi32>
        %add3A_149 = arith.addi %mul3A_80, %add3A_148 : vector<16xi32>
        tpu.vector_store_idx %arg7[%shift_right_logical3A_75, %add3A_149], %get3A_146 : memref<224x128xf32, #tpu.memory_space<vmem>>[vector<16xi32>, vector<16xi32>], vector<16xf32>,
        %get3A_150 = arith.constant 10 : i32
        %get3A_151 = arith.index_cast %get3A_150 : i32 to index
        %get3A_152 = arith.index_cast %mul3A_71 : i32 to index
        %get3A_153 = tpu.vector_load %arg5[%get3A_151, %get3A_152] {strides = array<i32>} : memref<16x1792xf32, #tpu.memory_space<vmem>>, vector<16xf32>,
        %add3A_154 = arith.constant 10 : i32
        %add3A_155 = vector.broadcast %add3A_154 : i32 to vector<16xi32>
        %add3A_156 = arith.addi %mul3A_80, %add3A_155 : vector<16xi32>
        tpu.vector_store_idx %arg7[%shift_right_logical3A_75, %add3A_156], %get3A_153 : memref<224x128xf32, #tpu.memory_space<vmem>>[vector<16xi32>, vector<16xi32>], vector<16xf32>,
        %get3A_157 = arith.constant 11 : i32
        %get3A_158 = arith.index_cast %get3A_157 : i32 to index
        %get3A_159 = arith.index_cast %mul3A_71 : i32 to index
        %get3A_160 = tpu.vector_load %arg5[%get3A_158, %get3A_159] {strides = array<i32>} : memref<16x1792xf32, #tpu.memory_space<vmem>>, vector<16xf32>,
        %add3A_161 = arith.constant 11 : i32
        %add3A_162 = vector.broadcast %add3A_161 : i32 to vector<16xi32>
        %add3A_163 = arith.addi %mul3A_80, %add3A_162 : vector<16xi32>
        tpu.vector_store_idx %arg7[%shift_right_logical3A_75, %add3A_163], %get3A_160 : memref<224x128xf32, #tpu.memory_space<vmem>>[vector<16xi32>, vector<16xi32>], vector<16xf32>,
        %get3A_164 = arith.constant 12 : i32
        %get3A_165 = arith.index_cast %get3A_164 : i32 to index
        %get3A_166 = arith.index_cast %mul3A_71 : i32 to index
        %get3A_167 = tpu.vector_load %arg5[%get3A_165, %get3A_166] {strides = array<i32>} : memref<16x1792xf32, #tpu.memory_space<vmem>>, vector<16xf32>,
        %add3A_168 = arith.constant 12 : i32
        %add3A_169 = vector.broadcast %add3A_168 : i32 to vector<16xi32>
        %add3A_170 = arith.addi %mul3A_80, %add3A_169 : vector<16xi32>
        tpu.vector_store_idx %arg7[%shift_right_logical3A_75, %add3A_170], %get3A_167 : memref<224x128xf32, #tpu.memory_space<vmem>>[vector<16xi32>, vector<16xi32>], vector<16xf32>,
        %get3A_171 = arith.constant 13 : i32
        %get3A_172 = arith.index_cast %get3A_171 : i32 to index
        %get3A_173 = arith.index_cast %mul3A_71 : i32 to index
        %get3A_174 = tpu.vector_load %arg5[%get3A_172, %get3A_173] {strides = array<i32>} : memref<16x1792xf32, #tpu.memory_space<vmem>>, vector<16xf32>,
        %add3A_175 = arith.constant 13 : i32
        %add3A_176 = vector.broadcast %add3A_175 : i32 to vector<16xi32>
        %add3A_177 = arith.addi %mul3A_80, %add3A_176 : vector<16xi32>
        tpu.vector_store_idx %arg7[%shift_right_logical3A_75, %add3A_177], %get3A_174 : memref<224x128xf32, #tpu.memory_space<vmem>>[vector<16xi32>, vector<16xi32>], vector<16xf32>,
        %get3A_178 = arith.constant 14 : i32
        %get3A_179 = arith.index_cast %get3A_178 : i32 to index
        %get3A_180 = arith.index_cast %mul3A_71 : i32 to index
        %get3A_181 = tpu.vector_load %arg5[%get3A_179, %get3A_180] {strides = array<i32>} : memref<16x1792xf32, #tpu.memory_space<vmem>>, vector<16xf32>,
        %add3A_182 = arith.constant 14 : i32
        %add3A_183 = vector.broadcast %add3A_182 : i32 to vector<16xi32>
        %add3A_184 = arith.addi %mul3A_80, %add3A_183 : vector<16xi32>
        tpu.vector_store_idx %arg7[%shift_right_logical3A_75, %add3A_184], %get3A_181 : memref<224x128xf32, #tpu.memory_space<vmem>>[vector<16xi32>, vector<16xi32>], vector<16xf32>,
        %get3A_185 = arith.constant 15 : i32
        %get3A_186 = arith.index_cast %get3A_185 : i32 to index
        %get3A_187 = arith.index_cast %mul3A_71 : i32 to index
        %get3A_188 = tpu.vector_load %arg5[%get3A_186, %get3A_187] {strides = array<i32>} : memref<16x1792xf32, #tpu.memory_space<vmem>>, vector<16xf32>,
        %add3A_189 = arith.constant 15 : i32
        %add3A_190 = vector.broadcast %add3A_189 : i32 to vector<16xi32>
        %add3A_191 = arith.addi %mul3A_80, %add3A_190 : vector<16xi32>
        tpu.vector_store_idx %arg7[%shift_right_logical3A_75, %add3A_191], %get3A_188 : memref<224x128xf32, #tpu.memory_space<vmem>>[vector<16xi32>, vector<16xi32>], vector<16xf32>,
      }
      %scan3A_45 = arith.constant 4 : i32
      %multiple_of3A = arith.constant 124992 : i32
      %multiple_of3A_46 = tpu.assume_multiple %multiple_of3A, 8 : i32
      %dma_start3A_47 = arith.constant 0 : i32
      %dma_start3A_48 = arith.constant 0 : i32
      %dma_start3A_49 = tpu.memref_slice %arg7[%dma_start3A_47, %dma_start3A_48] : memref<224x128xf32, #tpu.memory_space<vmem>> -> memref<8x128xf32, #tpu.memory_space<vmem>>
      %dma_start3A_50 = arith.constant 0 : i32
      %dma_start3A_51 = tpu.memref_slice %arg4[%multiple_of3A_46, %dma_start3A_50] : memref<125008x128xf32, #tpu.memory_space<hbm>> -> memref<8x128xf32, #tpu.memory_space<hbm>>
      %dma_start3A_52 = arith.constant 0 : i32
      %dma_start3A_53 = tpu.memref_slice %arg4[%multiple_of3A_46, %dma_start3A_52] : memref<125008x128xf32, #tpu.memory_space<hbm>> -> memref<8x128xf32, #tpu.memory_space<hbm>>
      %dma_start3A_54 = arith.constant 0 : i32
      %dma_start3A_55 = arith.constant 0 : i32
      %dma_start3A_56 = tpu.memref_slice %arg7[%dma_start3A_54, %dma_start3A_55] : memref<224x128xf32, #tpu.memory_space<vmem>> -> memref<8x128xf32, #tpu.memory_space<vmem>>
      tpu.enqueue_dma source(%dma_start3A_56 : memref<8x128xf32, #tpu.memory_space<vmem>>) target(%dma_start3A_53 : memref<8x128xf32, #tpu.memory_space<hbm>>) target_semaphore(%arg11 : memref<!tpu.dma_semaphore, #tpu.memory_space<semaphore_mem>>)
      %dma_wait3A_57 = arith.constant 0 : i32
      %dma_wait3A_58 = arith.constant 0 : i32
      %dma_wait3A_59 = tpu.memref_slice %arg7[%dma_wait3A_57, %dma_wait3A_58] : memref<224x128xf32, #tpu.memory_space<vmem>> -> memref<8x128xf32, #tpu.memory_space<vmem>>
      %dma_wait3A_60 = arith.constant 0 : i32
      %dma_wait3A_61 = arith.constant 0 : i32
      %dma_wait3A_62 = tpu.memref_slice %arg4[%dma_wait3A_60, %dma_wait3A_61] : memref<125008x128xf32, #tpu.memory_space<hbm>> -> memref<8x128xf32, #tpu.memory_space<hbm>>
      %dma_wait3A_63 = arith.constant 0 : i32
      %dma_wait3A_64 = arith.constant 0 : i32
      %dma_wait3A_65 = tpu.memref_slice %arg4[%dma_wait3A_63, %dma_wait3A_64] : memref<125008x128xf32, #tpu.memory_space<hbm>> -> memref<8x128xf32, #tpu.memory_space<hbm>>
      %dma_wait3A_66 = arith.constant 0 : i32
      %dma_wait3A_67 = arith.constant 0 : i32
      %dma_wait3A_68 = tpu.memref_slice %arg7[%dma_wait3A_66, %dma_wait3A_67] : memref<224x128xf32, #tpu.memory_space<vmem>> -> memref<8x128xf32, #tpu.memory_space<vmem>>
      tpu.wait_dma2 semaphore(%arg11 : memref<!tpu.dma_semaphore, #tpu.memory_space<semaphore_mem>>) src(%dma_wait3A_68 : memref<8x128xf32, #tpu.memory_space<vmem>>) dst(%dma_wait3A_65 : memref<8x128xf32, #tpu.memory_space<hbm>>)
    } else {
    }
    return
  }
}

#map = affine_map<(d0, d1) -> (0, 0)>
#map1 = affine_map<(d0, d1) -> (0, 0, 0, 0, 0)>
module attributes {stable_mosaic.version = 14 : i64} {
  func.func @_lookup_body(%arg0: i32, %arg1: i32, %arg2: memref<26x16384xi32, #tpu.memory_space<hbm>>, %arg3: memref<26x16384xf32, #tpu.memory_space<hbm>>, %arg4: memref<1000064x16xf32, #tpu.memory_space<hbm>>, %arg5: memref<26x2x128x8x128xf32, #tpu.memory_space<hbm>>, %arg6: memref<26x512xi32, #tpu.memory_space<vmem>>, %arg7: memref<26x512xf32, #tpu.memory_space<vmem>>, %arg8: memref<2x512x16xf32, #tpu.memory_space<vmem>>, %arg9: memref<2x512x16xf32, #tpu.memory_space<vmem>>, %arg10: memref<2x2x4x8x128xf32, #tpu.memory_space<vmem>>, %arg11: memref<2x2x4x8x128xf32, #tpu.memory_space<vmem>>, %arg12: memref<!tpu.dma_semaphore, #tpu.memory_space<semaphore_mem>>, %arg13: memref<!tpu.dma_semaphore, #tpu.memory_space<semaphore_mem>>, %arg14: memref<!tpu.dma_semaphore, #tpu.memory_space<semaphore_mem>>, %arg15: memref<!tpu.dma_semaphore, #tpu.memory_space<semaphore_mem>>) attributes {dimension_semantics = [#tpu.dimension_semantics<core_parallel>, #tpu.dimension_semantics<subcore_parallel>], iteration_bounds = array<i64: 2, 16>, scalar_prefetch = 0 : i64, scratch_operands = 10 : i64, tpu.core_type = #tpu.core_type<sc_vector_subcore>, window_params = [{transform_indices = #map}, {transform_indices = #map}, {transform_indices = #map}, {transform_indices = #map1}]} {
    %mul3A = arith.constant 16 : i32
    %mul3A_0 = arith.muli %arg0, %mul3A : i32
    %add3A = arith.addi %mul3A_0, %arg1 : i32
    %mul3A_1 = arith.constant 512 : i32
    %mul3A_2 = arith.muli %add3A, %mul3A_1 : i32
    %iota3A = tpu.iota {dimensions = array<i32: 0>} : vector<16xi32>
    "tpu.region"() ({
      %run_scoped3A = tpu.sem_alloc : memref<!tpu.dma_semaphore, #tpu.memory_space<semaphore_mem>>
      %dma_start3A_122 = arith.constant 0 : i32
      %dma_start3A_123 = tpu.memref_slice %arg2[%dma_start3A_122, %mul3A_2] : memref<26x16384xi32, #tpu.memory_space<hbm>> -> memref<26x512xi32, #tpu.memory_space<hbm>>
      %dma_start3A_124 = arith.constant 0 : i32
      %dma_start3A_125 = tpu.memref_slice %arg2[%dma_start3A_124, %mul3A_2] : memref<26x16384xi32, #tpu.memory_space<hbm>> -> memref<26x512xi32, #tpu.memory_space<hbm>>
      tpu.enqueue_dma source(%dma_start3A_125 : memref<26x512xi32, #tpu.memory_space<hbm>>) target(%arg6 : memref<26x512xi32, #tpu.memory_space<vmem>>) target_semaphore(%run_scoped3A : memref<!tpu.dma_semaphore, #tpu.memory_space<semaphore_mem>>)
      %dma_wait3A_126 = arith.constant 0 : i32
      %dma_wait3A_127 = tpu.memref_slice %arg2[%dma_wait3A_126, %mul3A_2] : memref<26x16384xi32, #tpu.memory_space<hbm>> -> memref<26x512xi32, #tpu.memory_space<hbm>>
      %dma_wait3A_128 = arith.constant 0 : i32
      %dma_wait3A_129 = tpu.memref_slice %arg2[%dma_wait3A_128, %mul3A_2] : memref<26x16384xi32, #tpu.memory_space<hbm>> -> memref<26x512xi32, #tpu.memory_space<hbm>>
      tpu.wait_dma2 semaphore(%run_scoped3A : memref<!tpu.dma_semaphore, #tpu.memory_space<semaphore_mem>>) src(%dma_wait3A_129 : memref<26x512xi32, #tpu.memory_space<hbm>>) dst(%arg6 : memref<26x512xi32, #tpu.memory_space<vmem>>)
      tpu.yield
    }) : () -> ()
    "tpu.region"() ({
      %run_scoped3A = tpu.sem_alloc : memref<!tpu.dma_semaphore, #tpu.memory_space<semaphore_mem>>
      %dma_start3A_122 = arith.constant 0 : i32
      %dma_start3A_123 = tpu.memref_slice %arg3[%dma_start3A_122, %mul3A_2] : memref<26x16384xf32, #tpu.memory_space<hbm>> -> memref<26x512xf32, #tpu.memory_space<hbm>>
      %dma_start3A_124 = arith.constant 0 : i32
      %dma_start3A_125 = tpu.memref_slice %arg3[%dma_start3A_124, %mul3A_2] : memref<26x16384xf32, #tpu.memory_space<hbm>> -> memref<26x512xf32, #tpu.memory_space<hbm>>
      tpu.enqueue_dma source(%dma_start3A_125 : memref<26x512xf32, #tpu.memory_space<hbm>>) target(%arg7 : memref<26x512xf32, #tpu.memory_space<vmem>>) target_semaphore(%run_scoped3A : memref<!tpu.dma_semaphore, #tpu.memory_space<semaphore_mem>>)
      %dma_wait3A_126 = arith.constant 0 : i32
      %dma_wait3A_127 = tpu.memref_slice %arg3[%dma_wait3A_126, %mul3A_2] : memref<26x16384xf32, #tpu.memory_space<hbm>> -> memref<26x512xf32, #tpu.memory_space<hbm>>
      %dma_wait3A_128 = arith.constant 0 : i32
      %dma_wait3A_129 = tpu.memref_slice %arg3[%dma_wait3A_128, %mul3A_2] : memref<26x16384xf32, #tpu.memory_space<hbm>> -> memref<26x512xf32, #tpu.memory_space<hbm>>
      tpu.wait_dma2 semaphore(%run_scoped3A : memref<!tpu.dma_semaphore, #tpu.memory_space<semaphore_mem>>) src(%dma_wait3A_129 : memref<26x512xf32, #tpu.memory_space<hbm>>) dst(%arg7 : memref<26x512xf32, #tpu.memory_space<vmem>>)
      tpu.yield
    }) : () -> ()
    %dma_start3A = arith.constant 0 : i32
    %dma_start3A_3 = arith.constant 0 : i32
    %dma_start3A_4 = arith.constant 0 : i32
    %dma_start3A_5 = arith.constant 0 : i32
    %dma_start3A_6 = tpu.memref_slice %arg8[%dma_start3A_3, %dma_start3A_4, %dma_start3A_5] : memref<2x512x16xf32, #tpu.memory_space<vmem>> -> memref<1x512x16xf32, #tpu.memory_space<vmem>>
    %dma_start3A_7 = tpu.memref_squeeze %dma_start3A_6 : memref<1x512x16xf32, #tpu.memory_space<vmem>> -> memref<512x16xf32, #tpu.memory_space<vmem>>
    %dma_start3A_8 = arith.constant 0 : i32
    %dma_start3A_9 = tpu.memref_slice %arg6[%dma_start3A, %dma_start3A_8] : memref<26x512xi32, #tpu.memory_space<vmem>> -> memref<1x512xi32, #tpu.memory_space<vmem>>
    %dma_start3A_10 = tpu.memref_squeeze %dma_start3A_9 : memref<1x512xi32, #tpu.memory_space<vmem>> -> memref<512xi32, #tpu.memory_space<vmem>>
    %dma_start3A_11 = arith.constant 0 : i32
    %dma_start3A_12 = arith.constant 0 : i32
    %dma_start3A_13 = tpu.memref_slice %arg4[%dma_start3A_11, %dma_start3A_12] : memref<1000064x16xf32, #tpu.memory_space<hbm>> -> memref<1000064x16xf32, #tpu.memory_space<hbm>>
    tpu.enqueue_indirect_dma source(%dma_start3A_13 : memref<1000064x16xf32, #tpu.memory_space<hbm>>) target(%dma_start3A_7 : memref<512x16xf32, #tpu.memory_space<vmem>>) offsets(%dma_start3A_10 : memref<512xi32, #tpu.memory_space<vmem>>) semaphore(%arg12 : memref<!tpu.dma_semaphore, #tpu.memory_space<semaphore_mem>>)
    %dma_start3A_14 = arith.constant 1 : i32
    %dma_start3A_15 = arith.constant 1 : i32
    %dma_start3A_16 = arith.constant 0 : i32
    %dma_start3A_17 = arith.constant 0 : i32
    %dma_start3A_18 = tpu.memref_slice %arg8[%dma_start3A_15, %dma_start3A_16, %dma_start3A_17] : memref<2x512x16xf32, #tpu.memory_space<vmem>> -> memref<1x512x16xf32, #tpu.memory_space<vmem>>
    %dma_start3A_19 = tpu.memref_squeeze %dma_start3A_18 : memref<1x512x16xf32, #tpu.memory_space<vmem>> -> memref<512x16xf32, #tpu.memory_space<vmem>>
    %dma_start3A_20 = arith.constant 0 : i32
    %dma_start3A_21 = tpu.memref_slice %arg6[%dma_start3A_14, %dma_start3A_20] : memref<26x512xi32, #tpu.memory_space<vmem>> -> memref<1x512xi32, #tpu.memory_space<vmem>>
    %dma_start3A_22 = tpu.memref_squeeze %dma_start3A_21 : memref<1x512xi32, #tpu.memory_space<vmem>> -> memref<512xi32, #tpu.memory_space<vmem>>
    %dma_start3A_23 = arith.constant 0 : i32
    %dma_start3A_24 = arith.constant 0 : i32
    %dma_start3A_25 = tpu.memref_slice %arg4[%dma_start3A_23, %dma_start3A_24] : memref<1000064x16xf32, #tpu.memory_space<hbm>> -> memref<1000064x16xf32, #tpu.memory_space<hbm>>
    tpu.enqueue_indirect_dma source(%dma_start3A_25 : memref<1000064x16xf32, #tpu.memory_space<hbm>>) target(%dma_start3A_19 : memref<512x16xf32, #tpu.memory_space<vmem>>) offsets(%dma_start3A_22 : memref<512xi32, #tpu.memory_space<vmem>>) semaphore(%arg12 : memref<!tpu.dma_semaphore, #tpu.memory_space<semaphore_mem>>)
    %scan3A = arith.constant 0 : i32
    %scan3A_26 = arith.constant 0 : i32
    %scan3A_27 = arith.constant 6 : i32
    %scan3A_28 = arith.addi %scan3A_26, %scan3A_27 : i32
    %scan3A_29 = arith.constant 1 : i32
    scf.for %scan3A_122 = %scan3A_26 to %scan3A_28 step %scan3A_29  : i32 {
      %mul3A_123 = arith.constant 2 : i32
      %mul3A_124 = arith.muli %mul3A_123, %scan3A_122 : i32
      %add3A_125 = arith.constant 1 : i32
      %add3A_126 = arith.addi %mul3A_124, %add3A_125 : i32
      %mul3A_127 = arith.constant 2 : i32
      %mul3A_128 = arith.muli %mul3A_127, %add3A_126 : i32
      %dma_start3A_129 = arith.constant 0 : i32
      %dma_start3A_130 = arith.constant 0 : i32
      %dma_start3A_131 = arith.constant 0 : i32
      %dma_start3A_132 = tpu.memref_slice %arg9[%dma_start3A_129, %dma_start3A_130, %dma_start3A_131] : memref<2x512x16xf32, #tpu.memory_space<vmem>> -> memref<1x512x16xf32, #tpu.memory_space<vmem>>
      %dma_start3A_133 = tpu.memref_squeeze %dma_start3A_132 : memref<1x512x16xf32, #tpu.memory_space<vmem>> -> memref<512x16xf32, #tpu.memory_space<vmem>>
      %dma_start3A_134 = arith.constant 0 : i32
      %dma_start3A_135 = tpu.memref_slice %arg6[%mul3A_128, %dma_start3A_134] : memref<26x512xi32, #tpu.memory_space<vmem>> -> memref<1x512xi32, #tpu.memory_space<vmem>>
      %dma_start3A_136 = tpu.memref_squeeze %dma_start3A_135 : memref<1x512xi32, #tpu.memory_space<vmem>> -> memref<512xi32, #tpu.memory_space<vmem>>
      %dma_start3A_137 = arith.constant 0 : i32
      %dma_start3A_138 = arith.constant 0 : i32
      %dma_start3A_139 = tpu.memref_slice %arg4[%dma_start3A_137, %dma_start3A_138] : memref<1000064x16xf32, #tpu.memory_space<hbm>> -> memref<1000064x16xf32, #tpu.memory_space<hbm>>
      tpu.enqueue_indirect_dma source(%dma_start3A_139 : memref<1000064x16xf32, #tpu.memory_space<hbm>>) target(%dma_start3A_133 : memref<512x16xf32, #tpu.memory_space<vmem>>) offsets(%dma_start3A_136 : memref<512xi32, #tpu.memory_space<vmem>>) semaphore(%arg13 : memref<!tpu.dma_semaphore, #tpu.memory_space<semaphore_mem>>)
      %mul3A_140 = arith.constant 2 : i32
      %mul3A_141 = arith.muli %mul3A_140, %add3A_126 : i32
      %add3A_142 = arith.constant 1 : i32
      %add3A_143 = arith.addi %mul3A_141, %add3A_142 : i32
      %dma_start3A_144 = arith.constant 1 : i32
      %dma_start3A_145 = arith.constant 0 : i32
      %dma_start3A_146 = arith.constant 0 : i32
      %dma_start3A_147 = tpu.memref_slice %arg9[%dma_start3A_144, %dma_start3A_145, %dma_start3A_146] : memref<2x512x16xf32, #tpu.memory_space<vmem>> -> memref<1x512x16xf32, #tpu.memory_space<vmem>>
      %dma_start3A_148 = tpu.memref_squeeze %dma_start3A_147 : memref<1x512x16xf32, #tpu.memory_space<vmem>> -> memref<512x16xf32, #tpu.memory_space<vmem>>
      %dma_start3A_149 = arith.constant 0 : i32
      %dma_start3A_150 = tpu.memref_slice %arg6[%add3A_143, %dma_start3A_149] : memref<26x512xi32, #tpu.memory_space<vmem>> -> memref<1x512xi32, #tpu.memory_space<vmem>>
      %dma_start3A_151 = tpu.memref_squeeze %dma_start3A_150 : memref<1x512xi32, #tpu.memory_space<vmem>> -> memref<512xi32, #tpu.memory_space<vmem>>
      %dma_start3A_152 = arith.constant 0 : i32
      %dma_start3A_153 = arith.constant 0 : i32
      %dma_start3A_154 = tpu.memref_slice %arg4[%dma_start3A_152, %dma_start3A_153] : memref<1000064x16xf32, #tpu.memory_space<hbm>> -> memref<1000064x16xf32, #tpu.memory_space<hbm>>
      tpu.enqueue_indirect_dma source(%dma_start3A_154 : memref<1000064x16xf32, #tpu.memory_space<hbm>>) target(%dma_start3A_148 : memref<512x16xf32, #tpu.memory_space<vmem>>) offsets(%dma_start3A_151 : memref<512xi32, #tpu.memory_space<vmem>>) semaphore(%arg13 : memref<!tpu.dma_semaphore, #tpu.memory_space<semaphore_mem>>)
      %dma_wait3A_155 = arith.constant 0 : i32
      %dma_wait3A_156 = arith.constant 0 : i32
      %dma_wait3A_157 = arith.constant 0 : i32
      %dma_wait3A_158 = arith.constant 0 : i32
      %dma_wait3A_159 = tpu.memref_slice %arg8[%dma_wait3A_156, %dma_wait3A_157, %dma_wait3A_158] : memref<2x512x16xf32, #tpu.memory_space<vmem>> -> memref<1x512x16xf32, #tpu.memory_space<vmem>>
      %dma_wait3A_160 = tpu.memref_squeeze %dma_wait3A_159 : memref<1x512x16xf32, #tpu.memory_space<vmem>> -> memref<512x16xf32, #tpu.memory_space<vmem>>
      %dma_wait3A_161 = arith.constant 0 : i32
      %dma_wait3A_162 = tpu.memref_slice %arg6[%dma_wait3A_155, %dma_wait3A_161] : memref<26x512xi32, #tpu.memory_space<vmem>> -> memref<1x512xi32, #tpu.memory_space<vmem>>
      %dma_wait3A_163 = tpu.memref_squeeze %dma_wait3A_162 : memref<1x512xi32, #tpu.memory_space<vmem>> -> memref<512xi32, #tpu.memory_space<vmem>>
      %dma_wait3A_164 = arith.constant 0 : i32
      %dma_wait3A_165 = arith.constant 0 : i32
      %dma_wait3A_166 = tpu.memref_slice %arg4[%dma_wait3A_164, %dma_wait3A_165] : memref<1000064x16xf32, #tpu.memory_space<hbm>> -> memref<1000064x16xf32, #tpu.memory_space<hbm>>
      tpu.wait_indirect_dma semaphore(%arg12 : memref<!tpu.dma_semaphore, #tpu.memory_space<semaphore_mem>>) src(%dma_wait3A_166 : memref<1000064x16xf32, #tpu.memory_space<hbm>>) dst(%dma_wait3A_160 : memref<512x16xf32, #tpu.memory_space<vmem>>)
      %dma_wait3A_167 = arith.constant 0 : i32
      %dma_wait3A_168 = arith.constant 1 : i32
      %dma_wait3A_169 = arith.constant 0 : i32
      %dma_wait3A_170 = arith.constant 0 : i32
      %dma_wait3A_171 = tpu.memref_slice %arg8[%dma_wait3A_168, %dma_wait3A_169, %dma_wait3A_170] : memref<2x512x16xf32, #tpu.memory_space<vmem>> -> memref<1x512x16xf32, #tpu.memory_space<vmem>>
      %dma_wait3A_172 = tpu.memref_squeeze %dma_wait3A_171 : memref<1x512x16xf32, #tpu.memory_space<vmem>> -> memref<512x16xf32, #tpu.memory_space<vmem>>
      %dma_wait3A_173 = arith.constant 0 : i32
      %dma_wait3A_174 = tpu.memref_slice %arg6[%dma_wait3A_167, %dma_wait3A_173] : memref<26x512xi32, #tpu.memory_space<vmem>> -> memref<1x512xi32, #tpu.memory_space<vmem>>
      %dma_wait3A_175 = tpu.memref_squeeze %dma_wait3A_174 : memref<1x512xi32, #tpu.memory_space<vmem>> -> memref<512xi32, #tpu.memory_space<vmem>>
      %dma_wait3A_176 = arith.constant 0 : i32
      %dma_wait3A_177 = arith.constant 0 : i32
      %dma_wait3A_178 = tpu.memref_slice %arg4[%dma_wait3A_176, %dma_wait3A_177] : memref<1000064x16xf32, #tpu.memory_space<hbm>> -> memref<1000064x16xf32, #tpu.memory_space<hbm>>
      tpu.wait_indirect_dma semaphore(%arg12 : memref<!tpu.dma_semaphore, #tpu.memory_space<semaphore_mem>>) src(%dma_wait3A_178 : memref<1000064x16xf32, #tpu.memory_space<hbm>>) dst(%dma_wait3A_172 : memref<512x16xf32, #tpu.memory_space<vmem>>)
      %gt3A = arith.constant 0 : i32
      %gt3A_179 = arith.cmpi sgt, %scan3A_122, %gt3A : i32
      %convert_element_type3A = arith.extui %gt3A_179 : i1 to i32
      %cond3A = arith.constant 0 : i32
      %cond3A_180 = arith.cmpi ne, %convert_element_type3A, %cond3A : i32
      scf.if %cond3A_180 {
        %dma_wait3A_298 = arith.constant 0 : i32
        %dma_wait3A_299 = arith.constant 0 : i32
        %dma_wait3A_300 = arith.constant 0 : i32
        %dma_wait3A_301 = arith.constant 0 : i32
        %dma_wait3A_302 = arith.constant 0 : i32
        %dma_wait3A_303 = tpu.memref_slice %arg5[%dma_wait3A_298, %dma_wait3A_299, %dma_wait3A_300, %dma_wait3A_301, %dma_wait3A_302] : memref<26x2x128x8x128xf32, #tpu.memory_space<hbm>> -> memref<2x2x4x8x128xf32, #tpu.memory_space<hbm>>
        %dma_wait3A_304 = arith.constant 0 : i32
        %dma_wait3A_305 = arith.constant 0 : i32
        %dma_wait3A_306 = arith.constant 0 : i32
        %dma_wait3A_307 = arith.constant 0 : i32
        %dma_wait3A_308 = arith.constant 0 : i32
        %dma_wait3A_309 = tpu.memref_slice %arg5[%dma_wait3A_304, %dma_wait3A_305, %dma_wait3A_306, %dma_wait3A_307, %dma_wait3A_308] : memref<26x2x128x8x128xf32, #tpu.memory_space<hbm>> -> memref<2x2x4x8x128xf32, #tpu.memory_space<hbm>>
        tpu.wait_dma2 semaphore(%arg14 : memref<!tpu.dma_semaphore, #tpu.memory_space<semaphore_mem>>) src(%arg10 : memref<2x2x4x8x128xf32, #tpu.memory_space<vmem>>) dst(%dma_wait3A_309 : memref<2x2x4x8x128xf32, #tpu.memory_space<hbm>>)
      } else {
      }
      %scan3A_181 = arith.constant 0 : i32
      %scan3A_182 = arith.constant 0 : i32
      %scan3A_183 = arith.constant 64 : i32
      %scan3A_184 = arith.addi %scan3A_182, %scan3A_183 : i32
      %scan3A_185 = arith.constant 1 : i32
      scf.for %scan3A_298 = %scan3A_182 to %scan3A_184 step %scan3A_185  : i32 {
        %jit3A_299 = arith.constant 32 : i32
        %div3A_300 = arith.divsi %scan3A_298, %jit3A_299 : i32
        %sign3A_301 = arith.constant 0 : i32
        %sign3A_302 = arith.cmpi sgt, %scan3A_298, %sign3A_301 : i32
        %sign3A_303 = arith.extui %sign3A_302 : i1 to i32
        %sign3A_304 = arith.constant 0 : i32
        %sign3A_305 = arith.cmpi slt, %scan3A_298, %sign3A_304 : i32
        %sign3A_306 = arith.extui %sign3A_305 : i1 to i32
        %sign3A_307 = arith.subi %sign3A_303, %sign3A_306 : i32
        %sign3A_308 = arith.constant 0 : i32
        %sign3A_309 = arith.cmpi sgt, %jit3A_299, %sign3A_308 : i32
        %sign3A_310 = arith.extui %sign3A_309 : i1 to i32
        %sign3A_311 = arith.constant 0 : i32
        %sign3A_312 = arith.cmpi slt, %jit3A_299, %sign3A_311 : i32
        %sign3A_313 = arith.extui %sign3A_312 : i1 to i32
        %sign3A_314 = arith.subi %sign3A_310, %sign3A_313 : i32
        %ne3A_315 = arith.cmpi ne, %sign3A_307, %sign3A_314 : i32
        %rem3A_316 = arith.remsi %scan3A_298, %jit3A_299 : i32
        %ne3A_317 = arith.constant 0 : i32
        %ne3A_318 = arith.cmpi ne, %rem3A_316, %ne3A_317 : i32
        %and3A_319 = arith.andi %ne3A_315, %ne3A_318 : i1
        %sub3A_320 = arith.constant 1 : i32
        %sub3A_321 = arith.subi %div3A_300, %sub3A_320 : i32
        %select_n3A_322 = arith.select %and3A_319, %sub3A_321, %div3A_300 : i32
        %mul3A_323 = arith.constant 32 : i32
        %mul3A_324 = arith.muli %select_n3A_322, %mul3A_323 : i32
        %sub3A_325 = arith.subi %scan3A_298, %mul3A_324 : i32
        %mul3A_326 = arith.constant 2 : i32
        %mul3A_327 = arith.muli %mul3A_326, %mul3A_124 : i32
        %add3A_328 = arith.addi %mul3A_327, %select_n3A_322 : i32
        %jit3A_329 = arith.constant 8 : i32
        %div3A_330 = arith.divsi %sub3A_325, %jit3A_329 : i32
        %sign3A_331 = arith.constant 0 : i32
        %sign3A_332 = arith.cmpi sgt, %sub3A_325, %sign3A_331 : i32
        %sign3A_333 = arith.extui %sign3A_332 : i1 to i32
        %sign3A_334 = arith.constant 0 : i32
        %sign3A_335 = arith.cmpi slt, %sub3A_325, %sign3A_334 : i32
        %sign3A_336 = arith.extui %sign3A_335 : i1 to i32
        %sign3A_337 = arith.subi %sign3A_333, %sign3A_336 : i32
        %sign3A_338 = arith.constant 0 : i32
        %sign3A_339 = arith.cmpi sgt, %jit3A_329, %sign3A_338 : i32
        %sign3A_340 = arith.extui %sign3A_339 : i1 to i32
        %sign3A_341 = arith.constant 0 : i32
        %sign3A_342 = arith.cmpi slt, %jit3A_329, %sign3A_341 : i32
        %sign3A_343 = arith.extui %sign3A_342 : i1 to i32
        %sign3A_344 = arith.subi %sign3A_340, %sign3A_343 : i32
        %ne3A_345 = arith.cmpi ne, %sign3A_337, %sign3A_344 : i32
        %rem3A_346 = arith.remsi %sub3A_325, %jit3A_329 : i32
        %ne3A_347 = arith.constant 0 : i32
        %ne3A_348 = arith.cmpi ne, %rem3A_346, %ne3A_347 : i32
        %and3A_349 = arith.andi %ne3A_345, %ne3A_348 : i1
        %sub3A_350 = arith.constant 1 : i32
        %sub3A_351 = arith.subi %div3A_330, %sub3A_350 : i32
        %select_n3A_352 = arith.select %and3A_349, %sub3A_351, %div3A_330 : i32
        %mul3A_353 = arith.constant 8 : i32
        %mul3A_354 = arith.muli %select_n3A_352, %mul3A_353 : i32
        %sub3A_355 = arith.subi %sub3A_325, %mul3A_354 : i32
        %mul3A_356 = arith.constant 16 : i32
        %mul3A_357 = arith.muli %sub3A_355, %mul3A_356 : i32
        %broadcast_in_dim3A = vector.broadcast %select_n3A_322 : i32 to vector<16xi32>
        %mul3A_358 = arith.constant 16 : i32
        %mul3A_359 = arith.muli %sub3A_325, %mul3A_358 : i32
        %add3A_360 = vector.broadcast %mul3A_359 : i32 to vector<16xi32>
        %add3A_361 = arith.addi %add3A_360, %iota3A : vector<16xi32>
        %mul3A_362 = arith.constant 16 : i32
        %mul3A_363 = arith.muli %sub3A_325, %mul3A_362 : i32
        %get3A = arith.index_cast %add3A_328 : i32 to index
        %get3A_364 = arith.index_cast %mul3A_363 : i32 to index
        %get3A_365 = tpu.vector_load %arg7[%get3A, %get3A_364] {strides = array<i32>} : memref<26x512xf32, #tpu.memory_space<vmem>>, vector<16xf32>,
        %broadcast_in_dim3A_366 = arith.constant 0 : i32
        %broadcast_in_dim3A_367 = vector.broadcast %broadcast_in_dim3A_366 : i32 to vector<16xi32>
        %gather3A = tpu.vector_load_idx %arg8[%broadcast_in_dim3A, %add3A_361, %broadcast_in_dim3A_367] : memref<2x512x16xf32, #tpu.memory_space<vmem>>[vector<16xi32>, vector<16xi32>, vector<16xi32>], vector<16xf32>,
        %mul3A_368 = arith.mulf %gather3A, %get3A_365 : vector<16xf32>
        %swap3A = arith.constant 0 : i32
        %swap3A_369 = arith.constant 0 : i32
        %swap3A_370 = arith.index_cast %select_n3A_322 : i32 to index
        %swap3A_371 = arith.index_cast %swap3A : i32 to index
        %swap3A_372 = arith.index_cast %select_n3A_352 : i32 to index
        %swap3A_373 = arith.index_cast %swap3A_369 : i32 to index
        %swap3A_374 = arith.index_cast %mul3A_357 : i32 to index
        %swap3A_375 = tpu.vector_load %arg10[%swap3A_370, %swap3A_371, %swap3A_372, %swap3A_373, %swap3A_374] {strides = array<i32>} : memref<2x2x4x8x128xf32, #tpu.memory_space<vmem>>, vector<16xf32>,
        tpu.vector_store %arg10[%swap3A_370, %swap3A_371, %swap3A_372, %swap3A_373, %swap3A_374], %mul3A_368 {strides = array<i32>} : memref<2x2x4x8x128xf32, #tpu.memory_space<vmem>>, vector<16xf32>,
        %broadcast_in_dim3A_376 = arith.constant 1 : i32
        %broadcast_in_dim3A_377 = vector.broadcast %broadcast_in_dim3A_376 : i32 to vector<16xi32>
        %gather3A_378 = tpu.vector_load_idx %arg8[%broadcast_in_dim3A, %add3A_361, %broadcast_in_dim3A_377] : memref<2x512x16xf32, #tpu.memory_space<vmem>>[vector<16xi32>, vector<16xi32>, vector<16xi32>], vector<16xf32>,
        %mul3A_379 = arith.mulf %gather3A_378, %get3A_365 : vector<16xf32>
        %swap3A_380 = arith.constant 0 : i32
        %swap3A_381 = arith.constant 1 : i32
        %swap3A_382 = arith.index_cast %select_n3A_322 : i32 to index
        %swap3A_383 = arith.index_cast %swap3A_380 : i32 to index
        %swap3A_384 = arith.index_cast %select_n3A_352 : i32 to index
        %swap3A_385 = arith.index_cast %swap3A_381 : i32 to index
        %swap3A_386 = arith.index_cast %mul3A_357 : i32 to index
        %swap3A_387 = tpu.vector_load %arg10[%swap3A_382, %swap3A_383, %swap3A_384, %swap3A_385, %swap3A_386] {strides = array<i32>} : memref<2x2x4x8x128xf32, #tpu.memory_space<vmem>>, vector<16xf32>,
        tpu.vector_store %arg10[%swap3A_382, %swap3A_383, %swap3A_384, %swap3A_385, %swap3A_386], %mul3A_379 {strides = array<i32>} : memref<2x2x4x8x128xf32, #tpu.memory_space<vmem>>, vector<16xf32>,
        %broadcast_in_dim3A_388 = arith.constant 2 : i32
        %broadcast_in_dim3A_389 = vector.broadcast %broadcast_in_dim3A_388 : i32 to vector<16xi32>
        %gather3A_390 = tpu.vector_load_idx %arg8[%broadcast_in_dim3A, %add3A_361, %broadcast_in_dim3A_389] : memref<2x512x16xf32, #tpu.memory_space<vmem>>[vector<16xi32>, vector<16xi32>, vector<16xi32>], vector<16xf32>,
        %mul3A_391 = arith.mulf %gather3A_390, %get3A_365 : vector<16xf32>
        %swap3A_392 = arith.constant 0 : i32
        %swap3A_393 = arith.constant 2 : i32
        %swap3A_394 = arith.index_cast %select_n3A_322 : i32 to index
        %swap3A_395 = arith.index_cast %swap3A_392 : i32 to index
        %swap3A_396 = arith.index_cast %select_n3A_352 : i32 to index
        %swap3A_397 = arith.index_cast %swap3A_393 : i32 to index
        %swap3A_398 = arith.index_cast %mul3A_357 : i32 to index
        %swap3A_399 = tpu.vector_load %arg10[%swap3A_394, %swap3A_395, %swap3A_396, %swap3A_397, %swap3A_398] {strides = array<i32>} : memref<2x2x4x8x128xf32, #tpu.memory_space<vmem>>, vector<16xf32>,
        tpu.vector_store %arg10[%swap3A_394, %swap3A_395, %swap3A_396, %swap3A_397, %swap3A_398], %mul3A_391 {strides = array<i32>} : memref<2x2x4x8x128xf32, #tpu.memory_space<vmem>>, vector<16xf32>,
        %broadcast_in_dim3A_400 = arith.constant 3 : i32
        %broadcast_in_dim3A_401 = vector.broadcast %broadcast_in_dim3A_400 : i32 to vector<16xi32>
        %gather3A_402 = tpu.vector_load_idx %arg8[%broadcast_in_dim3A, %add3A_361, %broadcast_in_dim3A_401] : memref<2x512x16xf32, #tpu.memory_space<vmem>>[vector<16xi32>, vector<16xi32>, vector<16xi32>], vector<16xf32>,
        %mul3A_403 = arith.mulf %gather3A_402, %get3A_365 : vector<16xf32>
        %swap3A_404 = arith.constant 0 : i32
        %swap3A_405 = arith.constant 3 : i32
        %swap3A_406 = arith.index_cast %select_n3A_322 : i32 to index
        %swap3A_407 = arith.index_cast %swap3A_404 : i32 to index
        %swap3A_408 = arith.index_cast %select_n3A_352 : i32 to index
        %swap3A_409 = arith.index_cast %swap3A_405 : i32 to index
        %swap3A_410 = arith.index_cast %mul3A_357 : i32 to index
        %swap3A_411 = tpu.vector_load %arg10[%swap3A_406, %swap3A_407, %swap3A_408, %swap3A_409, %swap3A_410] {strides = array<i32>} : memref<2x2x4x8x128xf32, #tpu.memory_space<vmem>>, vector<16xf32>,
        tpu.vector_store %arg10[%swap3A_406, %swap3A_407, %swap3A_408, %swap3A_409, %swap3A_410], %mul3A_403 {strides = array<i32>} : memref<2x2x4x8x128xf32, #tpu.memory_space<vmem>>, vector<16xf32>,
        %broadcast_in_dim3A_412 = arith.constant 4 : i32
        %broadcast_in_dim3A_413 = vector.broadcast %broadcast_in_dim3A_412 : i32 to vector<16xi32>
        %gather3A_414 = tpu.vector_load_idx %arg8[%broadcast_in_dim3A, %add3A_361, %broadcast_in_dim3A_413] : memref<2x512x16xf32, #tpu.memory_space<vmem>>[vector<16xi32>, vector<16xi32>, vector<16xi32>], vector<16xf32>,
        %mul3A_415 = arith.mulf %gather3A_414, %get3A_365 : vector<16xf32>
        %swap3A_416 = arith.constant 0 : i32
        %swap3A_417 = arith.constant 4 : i32
        %swap3A_418 = arith.index_cast %select_n3A_322 : i32 to index
        %swap3A_419 = arith.index_cast %swap3A_416 : i32 to index
        %swap3A_420 = arith.index_cast %select_n3A_352 : i32 to index
        %swap3A_421 = arith.index_cast %swap3A_417 : i32 to index
        %swap3A_422 = arith.index_cast %mul3A_357 : i32 to index
        %swap3A_423 = tpu.vector_load %arg10[%swap3A_418, %swap3A_419, %swap3A_420, %swap3A_421, %swap3A_422] {strides = array<i32>} : memref<2x2x4x8x128xf32, #tpu.memory_space<vmem>>, vector<16xf32>,
        tpu.vector_store %arg10[%swap3A_418, %swap3A_419, %swap3A_420, %swap3A_421, %swap3A_422], %mul3A_415 {strides = array<i32>} : memref<2x2x4x8x128xf32, #tpu.memory_space<vmem>>, vector<16xf32>,
        %broadcast_in_dim3A_424 = arith.constant 5 : i32
        %broadcast_in_dim3A_425 = vector.broadcast %broadcast_in_dim3A_424 : i32 to vector<16xi32>
        %gather3A_426 = tpu.vector_load_idx %arg8[%broadcast_in_dim3A, %add3A_361, %broadcast_in_dim3A_425] : memref<2x512x16xf32, #tpu.memory_space<vmem>>[vector<16xi32>, vector<16xi32>, vector<16xi32>], vector<16xf32>,
        %mul3A_427 = arith.mulf %gather3A_426, %get3A_365 : vector<16xf32>
        %swap3A_428 = arith.constant 0 : i32
        %swap3A_429 = arith.constant 5 : i32
        %swap3A_430 = arith.index_cast %select_n3A_322 : i32 to index
        %swap3A_431 = arith.index_cast %swap3A_428 : i32 to index
        %swap3A_432 = arith.index_cast %select_n3A_352 : i32 to index
        %swap3A_433 = arith.index_cast %swap3A_429 : i32 to index
        %swap3A_434 = arith.index_cast %mul3A_357 : i32 to index
        %swap3A_435 = tpu.vector_load %arg10[%swap3A_430, %swap3A_431, %swap3A_432, %swap3A_433, %swap3A_434] {strides = array<i32>} : memref<2x2x4x8x128xf32, #tpu.memory_space<vmem>>, vector<16xf32>,
        tpu.vector_store %arg10[%swap3A_430, %swap3A_431, %swap3A_432, %swap3A_433, %swap3A_434], %mul3A_427 {strides = array<i32>} : memref<2x2x4x8x128xf32, #tpu.memory_space<vmem>>, vector<16xf32>,
        %broadcast_in_dim3A_436 = arith.constant 6 : i32
        %broadcast_in_dim3A_437 = vector.broadcast %broadcast_in_dim3A_436 : i32 to vector<16xi32>
        %gather3A_438 = tpu.vector_load_idx %arg8[%broadcast_in_dim3A, %add3A_361, %broadcast_in_dim3A_437] : memref<2x512x16xf32, #tpu.memory_space<vmem>>[vector<16xi32>, vector<16xi32>, vector<16xi32>], vector<16xf32>,
        %mul3A_439 = arith.mulf %gather3A_438, %get3A_365 : vector<16xf32>
        %swap3A_440 = arith.constant 0 : i32
        %swap3A_441 = arith.constant 6 : i32
        %swap3A_442 = arith.index_cast %select_n3A_322 : i32 to index
        %swap3A_443 = arith.index_cast %swap3A_440 : i32 to index
        %swap3A_444 = arith.index_cast %select_n3A_352 : i32 to index
        %swap3A_445 = arith.index_cast %swap3A_441 : i32 to index
        %swap3A_446 = arith.index_cast %mul3A_357 : i32 to index
        %swap3A_447 = tpu.vector_load %arg10[%swap3A_442, %swap3A_443, %swap3A_444, %swap3A_445, %swap3A_446] {strides = array<i32>} : memref<2x2x4x8x128xf32, #tpu.memory_space<vmem>>, vector<16xf32>,
        tpu.vector_store %arg10[%swap3A_442, %swap3A_443, %swap3A_444, %swap3A_445, %swap3A_446], %mul3A_439 {strides = array<i32>} : memref<2x2x4x8x128xf32, #tpu.memory_space<vmem>>, vector<16xf32>,
        %broadcast_in_dim3A_448 = arith.constant 7 : i32
        %broadcast_in_dim3A_449 = vector.broadcast %broadcast_in_dim3A_448 : i32 to vector<16xi32>
        %gather3A_450 = tpu.vector_load_idx %arg8[%broadcast_in_dim3A, %add3A_361, %broadcast_in_dim3A_449] : memref<2x512x16xf32, #tpu.memory_space<vmem>>[vector<16xi32>, vector<16xi32>, vector<16xi32>], vector<16xf32>,
        %mul3A_451 = arith.mulf %gather3A_450, %get3A_365 : vector<16xf32>
        %swap3A_452 = arith.constant 0 : i32
        %swap3A_453 = arith.constant 7 : i32
        %swap3A_454 = arith.index_cast %select_n3A_322 : i32 to index
        %swap3A_455 = arith.index_cast %swap3A_452 : i32 to index
        %swap3A_456 = arith.index_cast %select_n3A_352 : i32 to index
        %swap3A_457 = arith.index_cast %swap3A_453 : i32 to index
        %swap3A_458 = arith.index_cast %mul3A_357 : i32 to index
        %swap3A_459 = tpu.vector_load %arg10[%swap3A_454, %swap3A_455, %swap3A_456, %swap3A_457, %swap3A_458] {strides = array<i32>} : memref<2x2x4x8x128xf32, #tpu.memory_space<vmem>>, vector<16xf32>,
        tpu.vector_store %arg10[%swap3A_454, %swap3A_455, %swap3A_456, %swap3A_457, %swap3A_458], %mul3A_451 {strides = array<i32>} : memref<2x2x4x8x128xf32, #tpu.memory_space<vmem>>, vector<16xf32>,
        %broadcast_in_dim3A_460 = arith.constant 8 : i32
        %broadcast_in_dim3A_461 = vector.broadcast %broadcast_in_dim3A_460 : i32 to vector<16xi32>
        %gather3A_462 = tpu.vector_load_idx %arg8[%broadcast_in_dim3A, %add3A_361, %broadcast_in_dim3A_461] : memref<2x512x16xf32, #tpu.memory_space<vmem>>[vector<16xi32>, vector<16xi32>, vector<16xi32>], vector<16xf32>,
        %mul3A_463 = arith.mulf %gather3A_462, %get3A_365 : vector<16xf32>
        %swap3A_464 = arith.constant 1 : i32
        %swap3A_465 = arith.constant 0 : i32
        %swap3A_466 = arith.index_cast %select_n3A_322 : i32 to index
        %swap3A_467 = arith.index_cast %swap3A_464 : i32 to index
        %swap3A_468 = arith.index_cast %select_n3A_352 : i32 to index
        %swap3A_469 = arith.index_cast %swap3A_465 : i32 to index
        %swap3A_470 = arith.index_cast %mul3A_357 : i32 to index
        %swap3A_471 = tpu.vector_load %arg10[%swap3A_466, %swap3A_467, %swap3A_468, %swap3A_469, %swap3A_470] {strides = array<i32>} : memref<2x2x4x8x128xf32, #tpu.memory_space<vmem>>, vector<16xf32>,
        tpu.vector_store %arg10[%swap3A_466, %swap3A_467, %swap3A_468, %swap3A_469, %swap3A_470], %mul3A_463 {strides = array<i32>} : memref<2x2x4x8x128xf32, #tpu.memory_space<vmem>>, vector<16xf32>,
        %broadcast_in_dim3A_472 = arith.constant 9 : i32
        %broadcast_in_dim3A_473 = vector.broadcast %broadcast_in_dim3A_472 : i32 to vector<16xi32>
        %gather3A_474 = tpu.vector_load_idx %arg8[%broadcast_in_dim3A, %add3A_361, %broadcast_in_dim3A_473] : memref<2x512x16xf32, #tpu.memory_space<vmem>>[vector<16xi32>, vector<16xi32>, vector<16xi32>], vector<16xf32>,
        %mul3A_475 = arith.mulf %gather3A_474, %get3A_365 : vector<16xf32>
        %swap3A_476 = arith.constant 1 : i32
        %swap3A_477 = arith.constant 1 : i32
        %swap3A_478 = arith.index_cast %select_n3A_322 : i32 to index
        %swap3A_479 = arith.index_cast %swap3A_476 : i32 to index
        %swap3A_480 = arith.index_cast %select_n3A_352 : i32 to index
        %swap3A_481 = arith.index_cast %swap3A_477 : i32 to index
        %swap3A_482 = arith.index_cast %mul3A_357 : i32 to index
        %swap3A_483 = tpu.vector_load %arg10[%swap3A_478, %swap3A_479, %swap3A_480, %swap3A_481, %swap3A_482] {strides = array<i32>} : memref<2x2x4x8x128xf32, #tpu.memory_space<vmem>>, vector<16xf32>,
        tpu.vector_store %arg10[%swap3A_478, %swap3A_479, %swap3A_480, %swap3A_481, %swap3A_482], %mul3A_475 {strides = array<i32>} : memref<2x2x4x8x128xf32, #tpu.memory_space<vmem>>, vector<16xf32>,
        %broadcast_in_dim3A_484 = arith.constant 10 : i32
        %broadcast_in_dim3A_485 = vector.broadcast %broadcast_in_dim3A_484 : i32 to vector<16xi32>
        %gather3A_486 = tpu.vector_load_idx %arg8[%broadcast_in_dim3A, %add3A_361, %broadcast_in_dim3A_485] : memref<2x512x16xf32, #tpu.memory_space<vmem>>[vector<16xi32>, vector<16xi32>, vector<16xi32>], vector<16xf32>,
        %mul3A_487 = arith.mulf %gather3A_486, %get3A_365 : vector<16xf32>
        %swap3A_488 = arith.constant 1 : i32
        %swap3A_489 = arith.constant 2 : i32
        %swap3A_490 = arith.index_cast %select_n3A_322 : i32 to index
        %swap3A_491 = arith.index_cast %swap3A_488 : i32 to index
        %swap3A_492 = arith.index_cast %select_n3A_352 : i32 to index
        %swap3A_493 = arith.index_cast %swap3A_489 : i32 to index
        %swap3A_494 = arith.index_cast %mul3A_357 : i32 to index
        %swap3A_495 = tpu.vector_load %arg10[%swap3A_490, %swap3A_491, %swap3A_492, %swap3A_493, %swap3A_494] {strides = array<i32>} : memref<2x2x4x8x128xf32, #tpu.memory_space<vmem>>, vector<16xf32>,
        tpu.vector_store %arg10[%swap3A_490, %swap3A_491, %swap3A_492, %swap3A_493, %swap3A_494], %mul3A_487 {strides = array<i32>} : memref<2x2x4x8x128xf32, #tpu.memory_space<vmem>>, vector<16xf32>,
        %broadcast_in_dim3A_496 = arith.constant 11 : i32
        %broadcast_in_dim3A_497 = vector.broadcast %broadcast_in_dim3A_496 : i32 to vector<16xi32>
        %gather3A_498 = tpu.vector_load_idx %arg8[%broadcast_in_dim3A, %add3A_361, %broadcast_in_dim3A_497] : memref<2x512x16xf32, #tpu.memory_space<vmem>>[vector<16xi32>, vector<16xi32>, vector<16xi32>], vector<16xf32>,
        %mul3A_499 = arith.mulf %gather3A_498, %get3A_365 : vector<16xf32>
        %swap3A_500 = arith.constant 1 : i32
        %swap3A_501 = arith.constant 3 : i32
        %swap3A_502 = arith.index_cast %select_n3A_322 : i32 to index
        %swap3A_503 = arith.index_cast %swap3A_500 : i32 to index
        %swap3A_504 = arith.index_cast %select_n3A_352 : i32 to index
        %swap3A_505 = arith.index_cast %swap3A_501 : i32 to index
        %swap3A_506 = arith.index_cast %mul3A_357 : i32 to index
        %swap3A_507 = tpu.vector_load %arg10[%swap3A_502, %swap3A_503, %swap3A_504, %swap3A_505, %swap3A_506] {strides = array<i32>} : memref<2x2x4x8x128xf32, #tpu.memory_space<vmem>>, vector<16xf32>,
        tpu.vector_store %arg10[%swap3A_502, %swap3A_503, %swap3A_504, %swap3A_505, %swap3A_506], %mul3A_499 {strides = array<i32>} : memref<2x2x4x8x128xf32, #tpu.memory_space<vmem>>, vector<16xf32>,
        %broadcast_in_dim3A_508 = arith.constant 12 : i32
        %broadcast_in_dim3A_509 = vector.broadcast %broadcast_in_dim3A_508 : i32 to vector<16xi32>
        %gather3A_510 = tpu.vector_load_idx %arg8[%broadcast_in_dim3A, %add3A_361, %broadcast_in_dim3A_509] : memref<2x512x16xf32, #tpu.memory_space<vmem>>[vector<16xi32>, vector<16xi32>, vector<16xi32>], vector<16xf32>,
        %mul3A_511 = arith.mulf %gather3A_510, %get3A_365 : vector<16xf32>
        %swap3A_512 = arith.constant 1 : i32
        %swap3A_513 = arith.constant 4 : i32
        %swap3A_514 = arith.index_cast %select_n3A_322 : i32 to index
        %swap3A_515 = arith.index_cast %swap3A_512 : i32 to index
        %swap3A_516 = arith.index_cast %select_n3A_352 : i32 to index
        %swap3A_517 = arith.index_cast %swap3A_513 : i32 to index
        %swap3A_518 = arith.index_cast %mul3A_357 : i32 to index
        %swap3A_519 = tpu.vector_load %arg10[%swap3A_514, %swap3A_515, %swap3A_516, %swap3A_517, %swap3A_518] {strides = array<i32>} : memref<2x2x4x8x128xf32, #tpu.memory_space<vmem>>, vector<16xf32>,
        tpu.vector_store %arg10[%swap3A_514, %swap3A_515, %swap3A_516, %swap3A_517, %swap3A_518], %mul3A_511 {strides = array<i32>} : memref<2x2x4x8x128xf32, #tpu.memory_space<vmem>>, vector<16xf32>,
        %broadcast_in_dim3A_520 = arith.constant 13 : i32
        %broadcast_in_dim3A_521 = vector.broadcast %broadcast_in_dim3A_520 : i32 to vector<16xi32>
        %gather3A_522 = tpu.vector_load_idx %arg8[%broadcast_in_dim3A, %add3A_361, %broadcast_in_dim3A_521] : memref<2x512x16xf32, #tpu.memory_space<vmem>>[vector<16xi32>, vector<16xi32>, vector<16xi32>], vector<16xf32>,
        %mul3A_523 = arith.mulf %gather3A_522, %get3A_365 : vector<16xf32>
        %swap3A_524 = arith.constant 1 : i32
        %swap3A_525 = arith.constant 5 : i32
        %swap3A_526 = arith.index_cast %select_n3A_322 : i32 to index
        %swap3A_527 = arith.index_cast %swap3A_524 : i32 to index
        %swap3A_528 = arith.index_cast %select_n3A_352 : i32 to index
        %swap3A_529 = arith.index_cast %swap3A_525 : i32 to index
        %swap3A_530 = arith.index_cast %mul3A_357 : i32 to index
        %swap3A_531 = tpu.vector_load %arg10[%swap3A_526, %swap3A_527, %swap3A_528, %swap3A_529, %swap3A_530] {strides = array<i32>} : memref<2x2x4x8x128xf32, #tpu.memory_space<vmem>>, vector<16xf32>,
        tpu.vector_store %arg10[%swap3A_526, %swap3A_527, %swap3A_528, %swap3A_529, %swap3A_530], %mul3A_523 {strides = array<i32>} : memref<2x2x4x8x128xf32, #tpu.memory_space<vmem>>, vector<16xf32>,
        %broadcast_in_dim3A_532 = arith.constant 14 : i32
        %broadcast_in_dim3A_533 = vector.broadcast %broadcast_in_dim3A_532 : i32 to vector<16xi32>
        %gather3A_534 = tpu.vector_load_idx %arg8[%broadcast_in_dim3A, %add3A_361, %broadcast_in_dim3A_533] : memref<2x512x16xf32, #tpu.memory_space<vmem>>[vector<16xi32>, vector<16xi32>, vector<16xi32>], vector<16xf32>,
        %mul3A_535 = arith.mulf %gather3A_534, %get3A_365 : vector<16xf32>
        %swap3A_536 = arith.constant 1 : i32
        %swap3A_537 = arith.constant 6 : i32
        %swap3A_538 = arith.index_cast %select_n3A_322 : i32 to index
        %swap3A_539 = arith.index_cast %swap3A_536 : i32 to index
        %swap3A_540 = arith.index_cast %select_n3A_352 : i32 to index
        %swap3A_541 = arith.index_cast %swap3A_537 : i32 to index
        %swap3A_542 = arith.index_cast %mul3A_357 : i32 to index
        %swap3A_543 = tpu.vector_load %arg10[%swap3A_538, %swap3A_539, %swap3A_540, %swap3A_541, %swap3A_542] {strides = array<i32>} : memref<2x2x4x8x128xf32, #tpu.memory_space<vmem>>, vector<16xf32>,
        tpu.vector_store %arg10[%swap3A_538, %swap3A_539, %swap3A_540, %swap3A_541, %swap3A_542], %mul3A_535 {strides = array<i32>} : memref<2x2x4x8x128xf32, #tpu.memory_space<vmem>>, vector<16xf32>,
        %broadcast_in_dim3A_544 = arith.constant 15 : i32
        %broadcast_in_dim3A_545 = vector.broadcast %broadcast_in_dim3A_544 : i32 to vector<16xi32>
        %gather3A_546 = tpu.vector_load_idx %arg8[%broadcast_in_dim3A, %add3A_361, %broadcast_in_dim3A_545] : memref<2x512x16xf32, #tpu.memory_space<vmem>>[vector<16xi32>, vector<16xi32>, vector<16xi32>], vector<16xf32>,
        %mul3A_547 = arith.mulf %gather3A_546, %get3A_365 : vector<16xf32>
        %swap3A_548 = arith.constant 1 : i32
        %swap3A_549 = arith.constant 7 : i32
        %swap3A_550 = arith.index_cast %select_n3A_322 : i32 to index
        %swap3A_551 = arith.index_cast %swap3A_548 : i32 to index
        %swap3A_552 = arith.index_cast %select_n3A_352 : i32 to index
        %swap3A_553 = arith.index_cast %swap3A_549 : i32 to index
        %swap3A_554 = arith.index_cast %mul3A_357 : i32 to index
        %swap3A_555 = tpu.vector_load %arg10[%swap3A_550, %swap3A_551, %swap3A_552, %swap3A_553, %swap3A_554] {strides = array<i32>} : memref<2x2x4x8x128xf32, #tpu.memory_space<vmem>>, vector<16xf32>,
        tpu.vector_store %arg10[%swap3A_550, %swap3A_551, %swap3A_552, %swap3A_553, %swap3A_554], %mul3A_547 {strides = array<i32>} : memref<2x2x4x8x128xf32, #tpu.memory_space<vmem>>, vector<16xf32>,
      }
      %scan3A_186 = arith.constant 64 : i32
      %mul3A_187 = arith.constant 2 : i32
      %mul3A_188 = arith.muli %mul3A_187, %mul3A_124 : i32
      %jit3A_189 = arith.constant 128 : i32
      %div3A_190 = arith.divsi %mul3A_2, %jit3A_189 : i32
      %sign3A_191 = arith.constant 0 : i32
      %sign3A_192 = arith.cmpi sgt, %mul3A_2, %sign3A_191 : i32
      %sign3A_193 = arith.extui %sign3A_192 : i1 to i32
      %sign3A_194 = arith.constant 0 : i32
      %sign3A_195 = arith.cmpi slt, %mul3A_2, %sign3A_194 : i32
      %sign3A_196 = arith.extui %sign3A_195 : i1 to i32
      %sign3A_197 = arith.subi %sign3A_193, %sign3A_196 : i32
      %sign3A_198 = arith.constant 0 : i32
      %sign3A_199 = arith.cmpi sgt, %jit3A_189, %sign3A_198 : i32
      %sign3A_200 = arith.extui %sign3A_199 : i1 to i32
      %sign3A_201 = arith.constant 0 : i32
      %sign3A_202 = arith.cmpi slt, %jit3A_189, %sign3A_201 : i32
      %sign3A_203 = arith.extui %sign3A_202 : i1 to i32
      %sign3A_204 = arith.subi %sign3A_200, %sign3A_203 : i32
      %ne3A_205 = arith.cmpi ne, %sign3A_197, %sign3A_204 : i32
      %rem3A_206 = arith.remsi %mul3A_2, %jit3A_189 : i32
      %ne3A_207 = arith.constant 0 : i32
      %ne3A_208 = arith.cmpi ne, %rem3A_206, %ne3A_207 : i32
      %and3A_209 = arith.andi %ne3A_205, %ne3A_208 : i1
      %sub3A_210 = arith.constant 1 : i32
      %sub3A_211 = arith.subi %div3A_190, %sub3A_210 : i32
      %select_n3A_212 = arith.select %and3A_209, %sub3A_211, %div3A_190 : i32
      %dma_start3A_213 = arith.constant 0 : i32
      %dma_start3A_214 = arith.constant 0 : i32
      %dma_start3A_215 = arith.constant 0 : i32
      %dma_start3A_216 = tpu.memref_slice %arg5[%mul3A_188, %dma_start3A_213, %select_n3A_212, %dma_start3A_214, %dma_start3A_215] : memref<26x2x128x8x128xf32, #tpu.memory_space<hbm>> -> memref<2x2x4x8x128xf32, #tpu.memory_space<hbm>>
      %dma_start3A_217 = arith.constant 0 : i32
      %dma_start3A_218 = arith.constant 0 : i32
      %dma_start3A_219 = arith.constant 0 : i32
      %dma_start3A_220 = tpu.memref_slice %arg5[%mul3A_188, %dma_start3A_217, %select_n3A_212, %dma_start3A_218, %dma_start3A_219] : memref<26x2x128x8x128xf32, #tpu.memory_space<hbm>> -> memref<2x2x4x8x128xf32, #tpu.memory_space<hbm>>
      tpu.enqueue_dma source(%arg10 : memref<2x2x4x8x128xf32, #tpu.memory_space<vmem>>) target(%dma_start3A_220 : memref<2x2x4x8x128xf32, #tpu.memory_space<hbm>>) target_semaphore(%arg14 : memref<!tpu.dma_semaphore, #tpu.memory_space<semaphore_mem>>)
      %add3A_221 = arith.constant 2 : i32
      %add3A_222 = arith.addi %mul3A_124, %add3A_221 : i32
      %lt3A = arith.constant 13 : i32
      %lt3A_223 = arith.cmpi slt, %add3A_222, %lt3A : i32
      %convert_element_type3A_224 = arith.extui %lt3A_223 : i1 to i32
      %cond3A_225 = arith.constant 0 : i32
      %cond3A_226 = arith.cmpi ne, %convert_element_type3A_224, %cond3A_225 : i32
      scf.if %cond3A_226 {
        %add3A_298 = arith.constant 2 : i32
        %add3A_299 = arith.addi %mul3A_124, %add3A_298 : i32
        %mul3A_300 = arith.constant 2 : i32
        %mul3A_301 = arith.muli %mul3A_300, %add3A_299 : i32
        %dma_start3A_302 = arith.constant 0 : i32
        %dma_start3A_303 = arith.constant 0 : i32
        %dma_start3A_304 = arith.constant 0 : i32
        %dma_start3A_305 = tpu.memref_slice %arg8[%dma_start3A_302, %dma_start3A_303, %dma_start3A_304] : memref<2x512x16xf32, #tpu.memory_space<vmem>> -> memref<1x512x16xf32, #tpu.memory_space<vmem>>
        %dma_start3A_306 = tpu.memref_squeeze %dma_start3A_305 : memref<1x512x16xf32, #tpu.memory_space<vmem>> -> memref<512x16xf32, #tpu.memory_space<vmem>>
        %dma_start3A_307 = arith.constant 0 : i32
        %dma_start3A_308 = tpu.memref_slice %arg6[%mul3A_301, %dma_start3A_307] : memref<26x512xi32, #tpu.memory_space<vmem>> -> memref<1x512xi32, #tpu.memory_space<vmem>>
        %dma_start3A_309 = tpu.memref_squeeze %dma_start3A_308 : memref<1x512xi32, #tpu.memory_space<vmem>> -> memref<512xi32, #tpu.memory_space<vmem>>
        %dma_start3A_310 = arith.constant 0 : i32
        %dma_start3A_311 = arith.constant 0 : i32
        %dma_start3A_312 = tpu.memref_slice %arg4[%dma_start3A_310, %dma_start3A_311] : memref<1000064x16xf32, #tpu.memory_space<hbm>> -> memref<1000064x16xf32, #tpu.memory_space<hbm>>
        tpu.enqueue_indirect_dma source(%dma_start3A_312 : memref<1000064x16xf32, #tpu.memory_space<hbm>>) target(%dma_start3A_306 : memref<512x16xf32, #tpu.memory_space<vmem>>) offsets(%dma_start3A_309 : memref<512xi32, #tpu.memory_space<vmem>>) semaphore(%arg12 : memref<!tpu.dma_semaphore, #tpu.memory_space<semaphore_mem>>)
        %mul3A_313 = arith.constant 2 : i32
        %mul3A_314 = arith.muli %mul3A_313, %add3A_299 : i32
        %add3A_315 = arith.constant 1 : i32
        %add3A_316 = arith.addi %mul3A_314, %add3A_315 : i32
        %dma_start3A_317 = arith.constant 1 : i32
        %dma_start3A_318 = arith.constant 0 : i32
        %dma_start3A_319 = arith.constant 0 : i32
        %dma_start3A_320 = tpu.memref_slice %arg8[%dma_start3A_317, %dma_start3A_318, %dma_start3A_319] : memref<2x512x16xf32, #tpu.memory_space<vmem>> -> memref<1x512x16xf32, #tpu.memory_space<vmem>>
        %dma_start3A_321 = tpu.memref_squeeze %dma_start3A_320 : memref<1x512x16xf32, #tpu.memory_space<vmem>> -> memref<512x16xf32, #tpu.memory_space<vmem>>
        %dma_start3A_322 = arith.constant 0 : i32
        %dma_start3A_323 = tpu.memref_slice %arg6[%add3A_316, %dma_start3A_322] : memref<26x512xi32, #tpu.memory_space<vmem>> -> memref<1x512xi32, #tpu.memory_space<vmem>>
        %dma_start3A_324 = tpu.memref_squeeze %dma_start3A_323 : memref<1x512xi32, #tpu.memory_space<vmem>> -> memref<512xi32, #tpu.memory_space<vmem>>
        %dma_start3A_325 = arith.constant 0 : i32
        %dma_start3A_326 = arith.constant 0 : i32
        %dma_start3A_327 = tpu.memref_slice %arg4[%dma_start3A_325, %dma_start3A_326] : memref<1000064x16xf32, #tpu.memory_space<hbm>> -> memref<1000064x16xf32, #tpu.memory_space<hbm>>
        tpu.enqueue_indirect_dma source(%dma_start3A_327 : memref<1000064x16xf32, #tpu.memory_space<hbm>>) target(%dma_start3A_321 : memref<512x16xf32, #tpu.memory_space<vmem>>) offsets(%dma_start3A_324 : memref<512xi32, #tpu.memory_space<vmem>>) semaphore(%arg12 : memref<!tpu.dma_semaphore, #tpu.memory_space<semaphore_mem>>)
      } else {
      }
      %dma_wait3A_227 = arith.constant 0 : i32
      %dma_wait3A_228 = arith.constant 0 : i32
      %dma_wait3A_229 = arith.constant 0 : i32
      %dma_wait3A_230 = arith.constant 0 : i32
      %dma_wait3A_231 = tpu.memref_slice %arg9[%dma_wait3A_228, %dma_wait3A_229, %dma_wait3A_230] : memref<2x512x16xf32, #tpu.memory_space<vmem>> -> memref<1x512x16xf32, #tpu.memory_space<vmem>>
      %dma_wait3A_232 = tpu.memref_squeeze %dma_wait3A_231 : memref<1x512x16xf32, #tpu.memory_space<vmem>> -> memref<512x16xf32, #tpu.memory_space<vmem>>
      %dma_wait3A_233 = arith.constant 0 : i32
      %dma_wait3A_234 = tpu.memref_slice %arg6[%dma_wait3A_227, %dma_wait3A_233] : memref<26x512xi32, #tpu.memory_space<vmem>> -> memref<1x512xi32, #tpu.memory_space<vmem>>
      %dma_wait3A_235 = tpu.memref_squeeze %dma_wait3A_234 : memref<1x512xi32, #tpu.memory_space<vmem>> -> memref<512xi32, #tpu.memory_space<vmem>>
      %dma_wait3A_236 = arith.constant 0 : i32
      %dma_wait3A_237 = arith.constant 0 : i32
      %dma_wait3A_238 = tpu.memref_slice %arg4[%dma_wait3A_236, %dma_wait3A_237] : memref<1000064x16xf32, #tpu.memory_space<hbm>> -> memref<1000064x16xf32, #tpu.memory_space<hbm>>
      tpu.wait_indirect_dma semaphore(%arg13 : memref<!tpu.dma_semaphore, #tpu.memory_space<semaphore_mem>>) src(%dma_wait3A_238 : memref<1000064x16xf32, #tpu.memory_space<hbm>>) dst(%dma_wait3A_232 : memref<512x16xf32, #tpu.memory_space<vmem>>)
      %dma_wait3A_239 = arith.constant 0 : i32
      %dma_wait3A_240 = arith.constant 1 : i32
      %dma_wait3A_241 = arith.constant 0 : i32
      %dma_wait3A_242 = arith.constant 0 : i32
      %dma_wait3A_243 = tpu.memref_slice %arg9[%dma_wait3A_240, %dma_wait3A_241, %dma_wait3A_242] : memref<2x512x16xf32, #tpu.memory_space<vmem>> -> memref<1x512x16xf32, #tpu.memory_space<vmem>>
      %dma_wait3A_244 = tpu.memref_squeeze %dma_wait3A_243 : memref<1x512x16xf32, #tpu.memory_space<vmem>> -> memref<512x16xf32, #tpu.memory_space<vmem>>
      %dma_wait3A_245 = arith.constant 0 : i32
      %dma_wait3A_246 = tpu.memref_slice %arg6[%dma_wait3A_239, %dma_wait3A_245] : memref<26x512xi32, #tpu.memory_space<vmem>> -> memref<1x512xi32, #tpu.memory_space<vmem>>
      %dma_wait3A_247 = tpu.memref_squeeze %dma_wait3A_246 : memref<1x512xi32, #tpu.memory_space<vmem>> -> memref<512xi32, #tpu.memory_space<vmem>>
      %dma_wait3A_248 = arith.constant 0 : i32
      %dma_wait3A_249 = arith.constant 0 : i32
      %dma_wait3A_250 = tpu.memref_slice %arg4[%dma_wait3A_248, %dma_wait3A_249] : memref<1000064x16xf32, #tpu.memory_space<hbm>> -> memref<1000064x16xf32, #tpu.memory_space<hbm>>
      tpu.wait_indirect_dma semaphore(%arg13 : memref<!tpu.dma_semaphore, #tpu.memory_space<semaphore_mem>>) src(%dma_wait3A_250 : memref<1000064x16xf32, #tpu.memory_space<hbm>>) dst(%dma_wait3A_244 : memref<512x16xf32, #tpu.memory_space<vmem>>)
      %gt3A_251 = arith.constant 0 : i32
      %gt3A_252 = arith.cmpi sgt, %scan3A_122, %gt3A_251 : i32
      %convert_element_type3A_253 = arith.extui %gt3A_252 : i1 to i32
      %cond3A_254 = arith.constant 0 : i32
      %cond3A_255 = arith.cmpi ne, %convert_element_type3A_253, %cond3A_254 : i32
      scf.if %cond3A_255 {
        %dma_wait3A_298 = arith.constant 0 : i32
        %dma_wait3A_299 = arith.constant 0 : i32
        %dma_wait3A_300 = arith.constant 0 : i32
        %dma_wait3A_301 = arith.constant 0 : i32
        %dma_wait3A_302 = arith.constant 0 : i32
        %dma_wait3A_303 = tpu.memref_slice %arg5[%dma_wait3A_298, %dma_wait3A_299, %dma_wait3A_300, %dma_wait3A_301, %dma_wait3A_302] : memref<26x2x128x8x128xf32, #tpu.memory_space<hbm>> -> memref<2x2x4x8x128xf32, #tpu.memory_space<hbm>>
        %dma_wait3A_304 = arith.constant 0 : i32
        %dma_wait3A_305 = arith.constant 0 : i32
        %dma_wait3A_306 = arith.constant 0 : i32
        %dma_wait3A_307 = arith.constant 0 : i32
        %dma_wait3A_308 = arith.constant 0 : i32
        %dma_wait3A_309 = tpu.memref_slice %arg5[%dma_wait3A_304, %dma_wait3A_305, %dma_wait3A_306, %dma_wait3A_307, %dma_wait3A_308] : memref<26x2x128x8x128xf32, #tpu.memory_space<hbm>> -> memref<2x2x4x8x128xf32, #tpu.memory_space<hbm>>
        tpu.wait_dma2 semaphore(%arg15 : memref<!tpu.dma_semaphore, #tpu.memory_space<semaphore_mem>>) src(%arg11 : memref<2x2x4x8x128xf32, #tpu.memory_space<vmem>>) dst(%dma_wait3A_309 : memref<2x2x4x8x128xf32, #tpu.memory_space<hbm>>)
      } else {
      }
      %add3A_256 = arith.constant 1 : i32
      %add3A_257 = arith.addi %mul3A_124, %add3A_256 : i32
      %scan3A_258 = arith.constant 0 : i32
      %scan3A_259 = arith.constant 0 : i32
      %scan3A_260 = arith.constant 64 : i32
      %scan3A_261 = arith.addi %scan3A_259, %scan3A_260 : i32
      %scan3A_262 = arith.constant 1 : i32
      scf.for %scan3A_298 = %scan3A_259 to %scan3A_261 step %scan3A_262  : i32 {
        %jit3A_299 = arith.constant 32 : i32
        %div3A_300 = arith.divsi %scan3A_298, %jit3A_299 : i32
        %sign3A_301 = arith.constant 0 : i32
        %sign3A_302 = arith.cmpi sgt, %scan3A_298, %sign3A_301 : i32
        %sign3A_303 = arith.extui %sign3A_302 : i1 to i32
        %sign3A_304 = arith.constant 0 : i32
        %sign3A_305 = arith.cmpi slt, %scan3A_298, %sign3A_304 : i32
        %sign3A_306 = arith.extui %sign3A_305 : i1 to i32
        %sign3A_307 = arith.subi %sign3A_303, %sign3A_306 : i32
        %sign3A_308 = arith.constant 0 : i32
        %sign3A_309 = arith.cmpi sgt, %jit3A_299, %sign3A_308 : i32
        %sign3A_310 = arith.extui %sign3A_309 : i1 to i32
        %sign3A_311 = arith.constant 0 : i32
        %sign3A_312 = arith.cmpi slt, %jit3A_299, %sign3A_311 : i32
        %sign3A_313 = arith.extui %sign3A_312 : i1 to i32
        %sign3A_314 = arith.subi %sign3A_310, %sign3A_313 : i32
        %ne3A_315 = arith.cmpi ne, %sign3A_307, %sign3A_314 : i32
        %rem3A_316 = arith.remsi %scan3A_298, %jit3A_299 : i32
        %ne3A_317 = arith.constant 0 : i32
        %ne3A_318 = arith.cmpi ne, %rem3A_316, %ne3A_317 : i32
        %and3A_319 = arith.andi %ne3A_315, %ne3A_318 : i1
        %sub3A_320 = arith.constant 1 : i32
        %sub3A_321 = arith.subi %div3A_300, %sub3A_320 : i32
        %select_n3A_322 = arith.select %and3A_319, %sub3A_321, %div3A_300 : i32
        %mul3A_323 = arith.constant 32 : i32
        %mul3A_324 = arith.muli %select_n3A_322, %mul3A_323 : i32
        %sub3A_325 = arith.subi %scan3A_298, %mul3A_324 : i32
        %mul3A_326 = arith.constant 2 : i32
        %mul3A_327 = arith.muli %mul3A_326, %add3A_257 : i32
        %add3A_328 = arith.addi %mul3A_327, %select_n3A_322 : i32
        %jit3A_329 = arith.constant 8 : i32
        %div3A_330 = arith.divsi %sub3A_325, %jit3A_329 : i32
        %sign3A_331 = arith.constant 0 : i32
        %sign3A_332 = arith.cmpi sgt, %sub3A_325, %sign3A_331 : i32
        %sign3A_333 = arith.extui %sign3A_332 : i1 to i32
        %sign3A_334 = arith.constant 0 : i32
        %sign3A_335 = arith.cmpi slt, %sub3A_325, %sign3A_334 : i32
        %sign3A_336 = arith.extui %sign3A_335 : i1 to i32
        %sign3A_337 = arith.subi %sign3A_333, %sign3A_336 : i32
        %sign3A_338 = arith.constant 0 : i32
        %sign3A_339 = arith.cmpi sgt, %jit3A_329, %sign3A_338 : i32
        %sign3A_340 = arith.extui %sign3A_339 : i1 to i32
        %sign3A_341 = arith.constant 0 : i32
        %sign3A_342 = arith.cmpi slt, %jit3A_329, %sign3A_341 : i32
        %sign3A_343 = arith.extui %sign3A_342 : i1 to i32
        %sign3A_344 = arith.subi %sign3A_340, %sign3A_343 : i32
        %ne3A_345 = arith.cmpi ne, %sign3A_337, %sign3A_344 : i32
        %rem3A_346 = arith.remsi %sub3A_325, %jit3A_329 : i32
        %ne3A_347 = arith.constant 0 : i32
        %ne3A_348 = arith.cmpi ne, %rem3A_346, %ne3A_347 : i32
        %and3A_349 = arith.andi %ne3A_345, %ne3A_348 : i1
        %sub3A_350 = arith.constant 1 : i32
        %sub3A_351 = arith.subi %div3A_330, %sub3A_350 : i32
        %select_n3A_352 = arith.select %and3A_349, %sub3A_351, %div3A_330 : i32
        %mul3A_353 = arith.constant 8 : i32
        %mul3A_354 = arith.muli %select_n3A_352, %mul3A_353 : i32
        %sub3A_355 = arith.subi %sub3A_325, %mul3A_354 : i32
        %mul3A_356 = arith.constant 16 : i32
        %mul3A_357 = arith.muli %sub3A_355, %mul3A_356 : i32
        %broadcast_in_dim3A = vector.broadcast %select_n3A_322 : i32 to vector<16xi32>
        %mul3A_358 = arith.constant 16 : i32
        %mul3A_359 = arith.muli %sub3A_325, %mul3A_358 : i32
        %add3A_360 = vector.broadcast %mul3A_359 : i32 to vector<16xi32>
        %add3A_361 = arith.addi %add3A_360, %iota3A : vector<16xi32>
        %mul3A_362 = arith.constant 16 : i32
        %mul3A_363 = arith.muli %sub3A_325, %mul3A_362 : i32
        %get3A = arith.index_cast %add3A_328 : i32 to index
        %get3A_364 = arith.index_cast %mul3A_363 : i32 to index
        %get3A_365 = tpu.vector_load %arg7[%get3A, %get3A_364] {strides = array<i32>} : memref<26x512xf32, #tpu.memory_space<vmem>>, vector<16xf32>,
        %broadcast_in_dim3A_366 = arith.constant 0 : i32
        %broadcast_in_dim3A_367 = vector.broadcast %broadcast_in_dim3A_366 : i32 to vector<16xi32>
        %gather3A = tpu.vector_load_idx %arg9[%broadcast_in_dim3A, %add3A_361, %broadcast_in_dim3A_367] : memref<2x512x16xf32, #tpu.memory_space<vmem>>[vector<16xi32>, vector<16xi32>, vector<16xi32>], vector<16xf32>,
        %mul3A_368 = arith.mulf %gather3A, %get3A_365 : vector<16xf32>
        %swap3A = arith.constant 0 : i32
        %swap3A_369 = arith.constant 0 : i32
        %swap3A_370 = arith.index_cast %select_n3A_322 : i32 to index
        %swap3A_371 = arith.index_cast %swap3A : i32 to index
        %swap3A_372 = arith.index_cast %select_n3A_352 : i32 to index
        %swap3A_373 = arith.index_cast %swap3A_369 : i32 to index
        %swap3A_374 = arith.index_cast %mul3A_357 : i32 to index
        %swap3A_375 = tpu.vector_load %arg11[%swap3A_370, %swap3A_371, %swap3A_372, %swap3A_373, %swap3A_374] {strides = array<i32>} : memref<2x2x4x8x128xf32, #tpu.memory_space<vmem>>, vector<16xf32>,
        tpu.vector_store %arg11[%swap3A_370, %swap3A_371, %swap3A_372, %swap3A_373, %swap3A_374], %mul3A_368 {strides = array<i32>} : memref<2x2x4x8x128xf32, #tpu.memory_space<vmem>>, vector<16xf32>,
        %broadcast_in_dim3A_376 = arith.constant 1 : i32
        %broadcast_in_dim3A_377 = vector.broadcast %broadcast_in_dim3A_376 : i32 to vector<16xi32>
        %gather3A_378 = tpu.vector_load_idx %arg9[%broadcast_in_dim3A, %add3A_361, %broadcast_in_dim3A_377] : memref<2x512x16xf32, #tpu.memory_space<vmem>>[vector<16xi32>, vector<16xi32>, vector<16xi32>], vector<16xf32>,
        %mul3A_379 = arith.mulf %gather3A_378, %get3A_365 : vector<16xf32>
        %swap3A_380 = arith.constant 0 : i32
        %swap3A_381 = arith.constant 1 : i32
        %swap3A_382 = arith.index_cast %select_n3A_322 : i32 to index
        %swap3A_383 = arith.index_cast %swap3A_380 : i32 to index
        %swap3A_384 = arith.index_cast %select_n3A_352 : i32 to index
        %swap3A_385 = arith.index_cast %swap3A_381 : i32 to index
        %swap3A_386 = arith.index_cast %mul3A_357 : i32 to index
        %swap3A_387 = tpu.vector_load %arg11[%swap3A_382, %swap3A_383, %swap3A_384, %swap3A_385, %swap3A_386] {strides = array<i32>} : memref<2x2x4x8x128xf32, #tpu.memory_space<vmem>>, vector<16xf32>,
        tpu.vector_store %arg11[%swap3A_382, %swap3A_383, %swap3A_384, %swap3A_385, %swap3A_386], %mul3A_379 {strides = array<i32>} : memref<2x2x4x8x128xf32, #tpu.memory_space<vmem>>, vector<16xf32>,
        %broadcast_in_dim3A_388 = arith.constant 2 : i32
        %broadcast_in_dim3A_389 = vector.broadcast %broadcast_in_dim3A_388 : i32 to vector<16xi32>
        %gather3A_390 = tpu.vector_load_idx %arg9[%broadcast_in_dim3A, %add3A_361, %broadcast_in_dim3A_389] : memref<2x512x16xf32, #tpu.memory_space<vmem>>[vector<16xi32>, vector<16xi32>, vector<16xi32>], vector<16xf32>,
        %mul3A_391 = arith.mulf %gather3A_390, %get3A_365 : vector<16xf32>
        %swap3A_392 = arith.constant 0 : i32
        %swap3A_393 = arith.constant 2 : i32
        %swap3A_394 = arith.index_cast %select_n3A_322 : i32 to index
        %swap3A_395 = arith.index_cast %swap3A_392 : i32 to index
        %swap3A_396 = arith.index_cast %select_n3A_352 : i32 to index
        %swap3A_397 = arith.index_cast %swap3A_393 : i32 to index
        %swap3A_398 = arith.index_cast %mul3A_357 : i32 to index
        %swap3A_399 = tpu.vector_load %arg11[%swap3A_394, %swap3A_395, %swap3A_396, %swap3A_397, %swap3A_398] {strides = array<i32>} : memref<2x2x4x8x128xf32, #tpu.memory_space<vmem>>, vector<16xf32>,
        tpu.vector_store %arg11[%swap3A_394, %swap3A_395, %swap3A_396, %swap3A_397, %swap3A_398], %mul3A_391 {strides = array<i32>} : memref<2x2x4x8x128xf32, #tpu.memory_space<vmem>>, vector<16xf32>,
        %broadcast_in_dim3A_400 = arith.constant 3 : i32
        %broadcast_in_dim3A_401 = vector.broadcast %broadcast_in_dim3A_400 : i32 to vector<16xi32>
        %gather3A_402 = tpu.vector_load_idx %arg9[%broadcast_in_dim3A, %add3A_361, %broadcast_in_dim3A_401] : memref<2x512x16xf32, #tpu.memory_space<vmem>>[vector<16xi32>, vector<16xi32>, vector<16xi32>], vector<16xf32>,
        %mul3A_403 = arith.mulf %gather3A_402, %get3A_365 : vector<16xf32>
        %swap3A_404 = arith.constant 0 : i32
        %swap3A_405 = arith.constant 3 : i32
        %swap3A_406 = arith.index_cast %select_n3A_322 : i32 to index
        %swap3A_407 = arith.index_cast %swap3A_404 : i32 to index
        %swap3A_408 = arith.index_cast %select_n3A_352 : i32 to index
        %swap3A_409 = arith.index_cast %swap3A_405 : i32 to index
        %swap3A_410 = arith.index_cast %mul3A_357 : i32 to index
        %swap3A_411 = tpu.vector_load %arg11[%swap3A_406, %swap3A_407, %swap3A_408, %swap3A_409, %swap3A_410] {strides = array<i32>} : memref<2x2x4x8x128xf32, #tpu.memory_space<vmem>>, vector<16xf32>,
        tpu.vector_store %arg11[%swap3A_406, %swap3A_407, %swap3A_408, %swap3A_409, %swap3A_410], %mul3A_403 {strides = array<i32>} : memref<2x2x4x8x128xf32, #tpu.memory_space<vmem>>, vector<16xf32>,
        %broadcast_in_dim3A_412 = arith.constant 4 : i32
        %broadcast_in_dim3A_413 = vector.broadcast %broadcast_in_dim3A_412 : i32 to vector<16xi32>
        %gather3A_414 = tpu.vector_load_idx %arg9[%broadcast_in_dim3A, %add3A_361, %broadcast_in_dim3A_413] : memref<2x512x16xf32, #tpu.memory_space<vmem>>[vector<16xi32>, vector<16xi32>, vector<16xi32>], vector<16xf32>,
        %mul3A_415 = arith.mulf %gather3A_414, %get3A_365 : vector<16xf32>
        %swap3A_416 = arith.constant 0 : i32
        %swap3A_417 = arith.constant 4 : i32
        %swap3A_418 = arith.index_cast %select_n3A_322 : i32 to index
        %swap3A_419 = arith.index_cast %swap3A_416 : i32 to index
        %swap3A_420 = arith.index_cast %select_n3A_352 : i32 to index
        %swap3A_421 = arith.index_cast %swap3A_417 : i32 to index
        %swap3A_422 = arith.index_cast %mul3A_357 : i32 to index
        %swap3A_423 = tpu.vector_load %arg11[%swap3A_418, %swap3A_419, %swap3A_420, %swap3A_421, %swap3A_422] {strides = array<i32>} : memref<2x2x4x8x128xf32, #tpu.memory_space<vmem>>, vector<16xf32>,
        tpu.vector_store %arg11[%swap3A_418, %swap3A_419, %swap3A_420, %swap3A_421, %swap3A_422], %mul3A_415 {strides = array<i32>} : memref<2x2x4x8x128xf32, #tpu.memory_space<vmem>>, vector<16xf32>,
        %broadcast_in_dim3A_424 = arith.constant 5 : i32
        %broadcast_in_dim3A_425 = vector.broadcast %broadcast_in_dim3A_424 : i32 to vector<16xi32>
        %gather3A_426 = tpu.vector_load_idx %arg9[%broadcast_in_dim3A, %add3A_361, %broadcast_in_dim3A_425] : memref<2x512x16xf32, #tpu.memory_space<vmem>>[vector<16xi32>, vector<16xi32>, vector<16xi32>], vector<16xf32>,
        %mul3A_427 = arith.mulf %gather3A_426, %get3A_365 : vector<16xf32>
        %swap3A_428 = arith.constant 0 : i32
        %swap3A_429 = arith.constant 5 : i32
        %swap3A_430 = arith.index_cast %select_n3A_322 : i32 to index
        %swap3A_431 = arith.index_cast %swap3A_428 : i32 to index
        %swap3A_432 = arith.index_cast %select_n3A_352 : i32 to index
        %swap3A_433 = arith.index_cast %swap3A_429 : i32 to index
        %swap3A_434 = arith.index_cast %mul3A_357 : i32 to index
        %swap3A_435 = tpu.vector_load %arg11[%swap3A_430, %swap3A_431, %swap3A_432, %swap3A_433, %swap3A_434] {strides = array<i32>} : memref<2x2x4x8x128xf32, #tpu.memory_space<vmem>>, vector<16xf32>,
        tpu.vector_store %arg11[%swap3A_430, %swap3A_431, %swap3A_432, %swap3A_433, %swap3A_434], %mul3A_427 {strides = array<i32>} : memref<2x2x4x8x128xf32, #tpu.memory_space<vmem>>, vector<16xf32>,
        %broadcast_in_dim3A_436 = arith.constant 6 : i32
        %broadcast_in_dim3A_437 = vector.broadcast %broadcast_in_dim3A_436 : i32 to vector<16xi32>
        %gather3A_438 = tpu.vector_load_idx %arg9[%broadcast_in_dim3A, %add3A_361, %broadcast_in_dim3A_437] : memref<2x512x16xf32, #tpu.memory_space<vmem>>[vector<16xi32>, vector<16xi32>, vector<16xi32>], vector<16xf32>,
        %mul3A_439 = arith.mulf %gather3A_438, %get3A_365 : vector<16xf32>
        %swap3A_440 = arith.constant 0 : i32
        %swap3A_441 = arith.constant 6 : i32
        %swap3A_442 = arith.index_cast %select_n3A_322 : i32 to index
        %swap3A_443 = arith.index_cast %swap3A_440 : i32 to index
        %swap3A_444 = arith.index_cast %select_n3A_352 : i32 to index
        %swap3A_445 = arith.index_cast %swap3A_441 : i32 to index
        %swap3A_446 = arith.index_cast %mul3A_357 : i32 to index
        %swap3A_447 = tpu.vector_load %arg11[%swap3A_442, %swap3A_443, %swap3A_444, %swap3A_445, %swap3A_446] {strides = array<i32>} : memref<2x2x4x8x128xf32, #tpu.memory_space<vmem>>, vector<16xf32>,
        tpu.vector_store %arg11[%swap3A_442, %swap3A_443, %swap3A_444, %swap3A_445, %swap3A_446], %mul3A_439 {strides = array<i32>} : memref<2x2x4x8x128xf32, #tpu.memory_space<vmem>>, vector<16xf32>,
        %broadcast_in_dim3A_448 = arith.constant 7 : i32
        %broadcast_in_dim3A_449 = vector.broadcast %broadcast_in_dim3A_448 : i32 to vector<16xi32>
        %gather3A_450 = tpu.vector_load_idx %arg9[%broadcast_in_dim3A, %add3A_361, %broadcast_in_dim3A_449] : memref<2x512x16xf32, #tpu.memory_space<vmem>>[vector<16xi32>, vector<16xi32>, vector<16xi32>], vector<16xf32>,
        %mul3A_451 = arith.mulf %gather3A_450, %get3A_365 : vector<16xf32>
        %swap3A_452 = arith.constant 0 : i32
        %swap3A_453 = arith.constant 7 : i32
        %swap3A_454 = arith.index_cast %select_n3A_322 : i32 to index
        %swap3A_455 = arith.index_cast %swap3A_452 : i32 to index
        %swap3A_456 = arith.index_cast %select_n3A_352 : i32 to index
        %swap3A_457 = arith.index_cast %swap3A_453 : i32 to index
        %swap3A_458 = arith.index_cast %mul3A_357 : i32 to index
        %swap3A_459 = tpu.vector_load %arg11[%swap3A_454, %swap3A_455, %swap3A_456, %swap3A_457, %swap3A_458] {strides = array<i32>} : memref<2x2x4x8x128xf32, #tpu.memory_space<vmem>>, vector<16xf32>,
        tpu.vector_store %arg11[%swap3A_454, %swap3A_455, %swap3A_456, %swap3A_457, %swap3A_458], %mul3A_451 {strides = array<i32>} : memref<2x2x4x8x128xf32, #tpu.memory_space<vmem>>, vector<16xf32>,
        %broadcast_in_dim3A_460 = arith.constant 8 : i32
        %broadcast_in_dim3A_461 = vector.broadcast %broadcast_in_dim3A_460 : i32 to vector<16xi32>
        %gather3A_462 = tpu.vector_load_idx %arg9[%broadcast_in_dim3A, %add3A_361, %broadcast_in_dim3A_461] : memref<2x512x16xf32, #tpu.memory_space<vmem>>[vector<16xi32>, vector<16xi32>, vector<16xi32>], vector<16xf32>,
        %mul3A_463 = arith.mulf %gather3A_462, %get3A_365 : vector<16xf32>
        %swap3A_464 = arith.constant 1 : i32
        %swap3A_465 = arith.constant 0 : i32
        %swap3A_466 = arith.index_cast %select_n3A_322 : i32 to index
        %swap3A_467 = arith.index_cast %swap3A_464 : i32 to index
        %swap3A_468 = arith.index_cast %select_n3A_352 : i32 to index
        %swap3A_469 = arith.index_cast %swap3A_465 : i32 to index
        %swap3A_470 = arith.index_cast %mul3A_357 : i32 to index
        %swap3A_471 = tpu.vector_load %arg11[%swap3A_466, %swap3A_467, %swap3A_468, %swap3A_469, %swap3A_470] {strides = array<i32>} : memref<2x2x4x8x128xf32, #tpu.memory_space<vmem>>, vector<16xf32>,
        tpu.vector_store %arg11[%swap3A_466, %swap3A_467, %swap3A_468, %swap3A_469, %swap3A_470], %mul3A_463 {strides = array<i32>} : memref<2x2x4x8x128xf32, #tpu.memory_space<vmem>>, vector<16xf32>,
        %broadcast_in_dim3A_472 = arith.constant 9 : i32
        %broadcast_in_dim3A_473 = vector.broadcast %broadcast_in_dim3A_472 : i32 to vector<16xi32>
        %gather3A_474 = tpu.vector_load_idx %arg9[%broadcast_in_dim3A, %add3A_361, %broadcast_in_dim3A_473] : memref<2x512x16xf32, #tpu.memory_space<vmem>>[vector<16xi32>, vector<16xi32>, vector<16xi32>], vector<16xf32>,
        %mul3A_475 = arith.mulf %gather3A_474, %get3A_365 : vector<16xf32>
        %swap3A_476 = arith.constant 1 : i32
        %swap3A_477 = arith.constant 1 : i32
        %swap3A_478 = arith.index_cast %select_n3A_322 : i32 to index
        %swap3A_479 = arith.index_cast %swap3A_476 : i32 to index
        %swap3A_480 = arith.index_cast %select_n3A_352 : i32 to index
        %swap3A_481 = arith.index_cast %swap3A_477 : i32 to index
        %swap3A_482 = arith.index_cast %mul3A_357 : i32 to index
        %swap3A_483 = tpu.vector_load %arg11[%swap3A_478, %swap3A_479, %swap3A_480, %swap3A_481, %swap3A_482] {strides = array<i32>} : memref<2x2x4x8x128xf32, #tpu.memory_space<vmem>>, vector<16xf32>,
        tpu.vector_store %arg11[%swap3A_478, %swap3A_479, %swap3A_480, %swap3A_481, %swap3A_482], %mul3A_475 {strides = array<i32>} : memref<2x2x4x8x128xf32, #tpu.memory_space<vmem>>, vector<16xf32>,
        %broadcast_in_dim3A_484 = arith.constant 10 : i32
        %broadcast_in_dim3A_485 = vector.broadcast %broadcast_in_dim3A_484 : i32 to vector<16xi32>
        %gather3A_486 = tpu.vector_load_idx %arg9[%broadcast_in_dim3A, %add3A_361, %broadcast_in_dim3A_485] : memref<2x512x16xf32, #tpu.memory_space<vmem>>[vector<16xi32>, vector<16xi32>, vector<16xi32>], vector<16xf32>,
        %mul3A_487 = arith.mulf %gather3A_486, %get3A_365 : vector<16xf32>
        %swap3A_488 = arith.constant 1 : i32
        %swap3A_489 = arith.constant 2 : i32
        %swap3A_490 = arith.index_cast %select_n3A_322 : i32 to index
        %swap3A_491 = arith.index_cast %swap3A_488 : i32 to index
        %swap3A_492 = arith.index_cast %select_n3A_352 : i32 to index
        %swap3A_493 = arith.index_cast %swap3A_489 : i32 to index
        %swap3A_494 = arith.index_cast %mul3A_357 : i32 to index
        %swap3A_495 = tpu.vector_load %arg11[%swap3A_490, %swap3A_491, %swap3A_492, %swap3A_493, %swap3A_494] {strides = array<i32>} : memref<2x2x4x8x128xf32, #tpu.memory_space<vmem>>, vector<16xf32>,
        tpu.vector_store %arg11[%swap3A_490, %swap3A_491, %swap3A_492, %swap3A_493, %swap3A_494], %mul3A_487 {strides = array<i32>} : memref<2x2x4x8x128xf32, #tpu.memory_space<vmem>>, vector<16xf32>,
        %broadcast_in_dim3A_496 = arith.constant 11 : i32
        %broadcast_in_dim3A_497 = vector.broadcast %broadcast_in_dim3A_496 : i32 to vector<16xi32>
        %gather3A_498 = tpu.vector_load_idx %arg9[%broadcast_in_dim3A, %add3A_361, %broadcast_in_dim3A_497] : memref<2x512x16xf32, #tpu.memory_space<vmem>>[vector<16xi32>, vector<16xi32>, vector<16xi32>], vector<16xf32>,
        %mul3A_499 = arith.mulf %gather3A_498, %get3A_365 : vector<16xf32>
        %swap3A_500 = arith.constant 1 : i32
        %swap3A_501 = arith.constant 3 : i32
        %swap3A_502 = arith.index_cast %select_n3A_322 : i32 to index
        %swap3A_503 = arith.index_cast %swap3A_500 : i32 to index
        %swap3A_504 = arith.index_cast %select_n3A_352 : i32 to index
        %swap3A_505 = arith.index_cast %swap3A_501 : i32 to index
        %swap3A_506 = arith.index_cast %mul3A_357 : i32 to index
        %swap3A_507 = tpu.vector_load %arg11[%swap3A_502, %swap3A_503, %swap3A_504, %swap3A_505, %swap3A_506] {strides = array<i32>} : memref<2x2x4x8x128xf32, #tpu.memory_space<vmem>>, vector<16xf32>,
        tpu.vector_store %arg11[%swap3A_502, %swap3A_503, %swap3A_504, %swap3A_505, %swap3A_506], %mul3A_499 {strides = array<i32>} : memref<2x2x4x8x128xf32, #tpu.memory_space<vmem>>, vector<16xf32>,
        %broadcast_in_dim3A_508 = arith.constant 12 : i32
        %broadcast_in_dim3A_509 = vector.broadcast %broadcast_in_dim3A_508 : i32 to vector<16xi32>
        %gather3A_510 = tpu.vector_load_idx %arg9[%broadcast_in_dim3A, %add3A_361, %broadcast_in_dim3A_509] : memref<2x512x16xf32, #tpu.memory_space<vmem>>[vector<16xi32>, vector<16xi32>, vector<16xi32>], vector<16xf32>,
        %mul3A_511 = arith.mulf %gather3A_510, %get3A_365 : vector<16xf32>
        %swap3A_512 = arith.constant 1 : i32
        %swap3A_513 = arith.constant 4 : i32
        %swap3A_514 = arith.index_cast %select_n3A_322 : i32 to index
        %swap3A_515 = arith.index_cast %swap3A_512 : i32 to index
        %swap3A_516 = arith.index_cast %select_n3A_352 : i32 to index
        %swap3A_517 = arith.index_cast %swap3A_513 : i32 to index
        %swap3A_518 = arith.index_cast %mul3A_357 : i32 to index
        %swap3A_519 = tpu.vector_load %arg11[%swap3A_514, %swap3A_515, %swap3A_516, %swap3A_517, %swap3A_518] {strides = array<i32>} : memref<2x2x4x8x128xf32, #tpu.memory_space<vmem>>, vector<16xf32>,
        tpu.vector_store %arg11[%swap3A_514, %swap3A_515, %swap3A_516, %swap3A_517, %swap3A_518], %mul3A_511 {strides = array<i32>} : memref<2x2x4x8x128xf32, #tpu.memory_space<vmem>>, vector<16xf32>,
        %broadcast_in_dim3A_520 = arith.constant 13 : i32
        %broadcast_in_dim3A_521 = vector.broadcast %broadcast_in_dim3A_520 : i32 to vector<16xi32>
        %gather3A_522 = tpu.vector_load_idx %arg9[%broadcast_in_dim3A, %add3A_361, %broadcast_in_dim3A_521] : memref<2x512x16xf32, #tpu.memory_space<vmem>>[vector<16xi32>, vector<16xi32>, vector<16xi32>], vector<16xf32>,
        %mul3A_523 = arith.mulf %gather3A_522, %get3A_365 : vector<16xf32>
        %swap3A_524 = arith.constant 1 : i32
        %swap3A_525 = arith.constant 5 : i32
        %swap3A_526 = arith.index_cast %select_n3A_322 : i32 to index
        %swap3A_527 = arith.index_cast %swap3A_524 : i32 to index
        %swap3A_528 = arith.index_cast %select_n3A_352 : i32 to index
        %swap3A_529 = arith.index_cast %swap3A_525 : i32 to index
        %swap3A_530 = arith.index_cast %mul3A_357 : i32 to index
        %swap3A_531 = tpu.vector_load %arg11[%swap3A_526, %swap3A_527, %swap3A_528, %swap3A_529, %swap3A_530] {strides = array<i32>} : memref<2x2x4x8x128xf32, #tpu.memory_space<vmem>>, vector<16xf32>,
        tpu.vector_store %arg11[%swap3A_526, %swap3A_527, %swap3A_528, %swap3A_529, %swap3A_530], %mul3A_523 {strides = array<i32>} : memref<2x2x4x8x128xf32, #tpu.memory_space<vmem>>, vector<16xf32>,
        %broadcast_in_dim3A_532 = arith.constant 14 : i32
        %broadcast_in_dim3A_533 = vector.broadcast %broadcast_in_dim3A_532 : i32 to vector<16xi32>
        %gather3A_534 = tpu.vector_load_idx %arg9[%broadcast_in_dim3A, %add3A_361, %broadcast_in_dim3A_533] : memref<2x512x16xf32, #tpu.memory_space<vmem>>[vector<16xi32>, vector<16xi32>, vector<16xi32>], vector<16xf32>,
        %mul3A_535 = arith.mulf %gather3A_534, %get3A_365 : vector<16xf32>
        %swap3A_536 = arith.constant 1 : i32
        %swap3A_537 = arith.constant 6 : i32
        %swap3A_538 = arith.index_cast %select_n3A_322 : i32 to index
        %swap3A_539 = arith.index_cast %swap3A_536 : i32 to index
        %swap3A_540 = arith.index_cast %select_n3A_352 : i32 to index
        %swap3A_541 = arith.index_cast %swap3A_537 : i32 to index
        %swap3A_542 = arith.index_cast %mul3A_357 : i32 to index
        %swap3A_543 = tpu.vector_load %arg11[%swap3A_538, %swap3A_539, %swap3A_540, %swap3A_541, %swap3A_542] {strides = array<i32>} : memref<2x2x4x8x128xf32, #tpu.memory_space<vmem>>, vector<16xf32>,
        tpu.vector_store %arg11[%swap3A_538, %swap3A_539, %swap3A_540, %swap3A_541, %swap3A_542], %mul3A_535 {strides = array<i32>} : memref<2x2x4x8x128xf32, #tpu.memory_space<vmem>>, vector<16xf32>,
        %broadcast_in_dim3A_544 = arith.constant 15 : i32
        %broadcast_in_dim3A_545 = vector.broadcast %broadcast_in_dim3A_544 : i32 to vector<16xi32>
        %gather3A_546 = tpu.vector_load_idx %arg9[%broadcast_in_dim3A, %add3A_361, %broadcast_in_dim3A_545] : memref<2x512x16xf32, #tpu.memory_space<vmem>>[vector<16xi32>, vector<16xi32>, vector<16xi32>], vector<16xf32>,
        %mul3A_547 = arith.mulf %gather3A_546, %get3A_365 : vector<16xf32>
        %swap3A_548 = arith.constant 1 : i32
        %swap3A_549 = arith.constant 7 : i32
        %swap3A_550 = arith.index_cast %select_n3A_322 : i32 to index
        %swap3A_551 = arith.index_cast %swap3A_548 : i32 to index
        %swap3A_552 = arith.index_cast %select_n3A_352 : i32 to index
        %swap3A_553 = arith.index_cast %swap3A_549 : i32 to index
        %swap3A_554 = arith.index_cast %mul3A_357 : i32 to index
        %swap3A_555 = tpu.vector_load %arg11[%swap3A_550, %swap3A_551, %swap3A_552, %swap3A_553, %swap3A_554] {strides = array<i32>} : memref<2x2x4x8x128xf32, #tpu.memory_space<vmem>>, vector<16xf32>,
        tpu.vector_store %arg11[%swap3A_550, %swap3A_551, %swap3A_552, %swap3A_553, %swap3A_554], %mul3A_547 {strides = array<i32>} : memref<2x2x4x8x128xf32, #tpu.memory_space<vmem>>, vector<16xf32>,
      }
      %scan3A_263 = arith.constant 64 : i32
      %mul3A_264 = arith.constant 2 : i32
      %mul3A_265 = arith.muli %mul3A_264, %add3A_257 : i32
      %jit3A_266 = arith.constant 128 : i32
      %div3A_267 = arith.divsi %mul3A_2, %jit3A_266 : i32
      %sign3A_268 = arith.constant 0 : i32
      %sign3A_269 = arith.cmpi sgt, %mul3A_2, %sign3A_268 : i32
      %sign3A_270 = arith.extui %sign3A_269 : i1 to i32
      %sign3A_271 = arith.constant 0 : i32
      %sign3A_272 = arith.cmpi slt, %mul3A_2, %sign3A_271 : i32
      %sign3A_273 = arith.extui %sign3A_272 : i1 to i32
      %sign3A_274 = arith.subi %sign3A_270, %sign3A_273 : i32
      %sign3A_275 = arith.constant 0 : i32
      %sign3A_276 = arith.cmpi sgt, %jit3A_266, %sign3A_275 : i32
      %sign3A_277 = arith.extui %sign3A_276 : i1 to i32
      %sign3A_278 = arith.constant 0 : i32
      %sign3A_279 = arith.cmpi slt, %jit3A_266, %sign3A_278 : i32
      %sign3A_280 = arith.extui %sign3A_279 : i1 to i32
      %sign3A_281 = arith.subi %sign3A_277, %sign3A_280 : i32
      %ne3A_282 = arith.cmpi ne, %sign3A_274, %sign3A_281 : i32
      %rem3A_283 = arith.remsi %mul3A_2, %jit3A_266 : i32
      %ne3A_284 = arith.constant 0 : i32
      %ne3A_285 = arith.cmpi ne, %rem3A_283, %ne3A_284 : i32
      %and3A_286 = arith.andi %ne3A_282, %ne3A_285 : i1
      %sub3A_287 = arith.constant 1 : i32
      %sub3A_288 = arith.subi %div3A_267, %sub3A_287 : i32
      %select_n3A_289 = arith.select %and3A_286, %sub3A_288, %div3A_267 : i32
      %dma_start3A_290 = arith.constant 0 : i32
      %dma_start3A_291 = arith.constant 0 : i32
      %dma_start3A_292 = arith.constant 0 : i32
      %dma_start3A_293 = tpu.memref_slice %arg5[%mul3A_265, %dma_start3A_290, %select_n3A_289, %dma_start3A_291, %dma_start3A_292] : memref<26x2x128x8x128xf32, #tpu.memory_space<hbm>> -> memref<2x2x4x8x128xf32, #tpu.memory_space<hbm>>
      %dma_start3A_294 = arith.constant 0 : i32
      %dma_start3A_295 = arith.constant 0 : i32
      %dma_start3A_296 = arith.constant 0 : i32
      %dma_start3A_297 = tpu.memref_slice %arg5[%mul3A_265, %dma_start3A_294, %select_n3A_289, %dma_start3A_295, %dma_start3A_296] : memref<26x2x128x8x128xf32, #tpu.memory_space<hbm>> -> memref<2x2x4x8x128xf32, #tpu.memory_space<hbm>>
      tpu.enqueue_dma source(%arg11 : memref<2x2x4x8x128xf32, #tpu.memory_space<vmem>>) target(%dma_start3A_297 : memref<2x2x4x8x128xf32, #tpu.memory_space<hbm>>) target_semaphore(%arg15 : memref<!tpu.dma_semaphore, #tpu.memory_space<semaphore_mem>>)
    }
    %scan3A_30 = arith.constant 6 : i32
    %dma_wait3A = arith.constant 0 : i32
    %dma_wait3A_31 = arith.constant 0 : i32
    %dma_wait3A_32 = arith.constant 0 : i32
    %dma_wait3A_33 = arith.constant 0 : i32
    %dma_wait3A_34 = tpu.memref_slice %arg8[%dma_wait3A_31, %dma_wait3A_32, %dma_wait3A_33] : memref<2x512x16xf32, #tpu.memory_space<vmem>> -> memref<1x512x16xf32, #tpu.memory_space<vmem>>
    %dma_wait3A_35 = tpu.memref_squeeze %dma_wait3A_34 : memref<1x512x16xf32, #tpu.memory_space<vmem>> -> memref<512x16xf32, #tpu.memory_space<vmem>>
    %dma_wait3A_36 = arith.constant 0 : i32
    %dma_wait3A_37 = tpu.memref_slice %arg6[%dma_wait3A, %dma_wait3A_36] : memref<26x512xi32, #tpu.memory_space<vmem>> -> memref<1x512xi32, #tpu.memory_space<vmem>>
    %dma_wait3A_38 = tpu.memref_squeeze %dma_wait3A_37 : memref<1x512xi32, #tpu.memory_space<vmem>> -> memref<512xi32, #tpu.memory_space<vmem>>
    %dma_wait3A_39 = arith.constant 0 : i32
    %dma_wait3A_40 = arith.constant 0 : i32
    %dma_wait3A_41 = tpu.memref_slice %arg4[%dma_wait3A_39, %dma_wait3A_40] : memref<1000064x16xf32, #tpu.memory_space<hbm>> -> memref<1000064x16xf32, #tpu.memory_space<hbm>>
    tpu.wait_indirect_dma semaphore(%arg12 : memref<!tpu.dma_semaphore, #tpu.memory_space<semaphore_mem>>) src(%dma_wait3A_41 : memref<1000064x16xf32, #tpu.memory_space<hbm>>) dst(%dma_wait3A_35 : memref<512x16xf32, #tpu.memory_space<vmem>>)
    %dma_wait3A_42 = arith.constant 0 : i32
    %dma_wait3A_43 = arith.constant 1 : i32
    %dma_wait3A_44 = arith.constant 0 : i32
    %dma_wait3A_45 = arith.constant 0 : i32
    %dma_wait3A_46 = tpu.memref_slice %arg8[%dma_wait3A_43, %dma_wait3A_44, %dma_wait3A_45] : memref<2x512x16xf32, #tpu.memory_space<vmem>> -> memref<1x512x16xf32, #tpu.memory_space<vmem>>
    %dma_wait3A_47 = tpu.memref_squeeze %dma_wait3A_46 : memref<1x512x16xf32, #tpu.memory_space<vmem>> -> memref<512x16xf32, #tpu.memory_space<vmem>>
    %dma_wait3A_48 = arith.constant 0 : i32
    %dma_wait3A_49 = tpu.memref_slice %arg6[%dma_wait3A_42, %dma_wait3A_48] : memref<26x512xi32, #tpu.memory_space<vmem>> -> memref<1x512xi32, #tpu.memory_space<vmem>>
    %dma_wait3A_50 = tpu.memref_squeeze %dma_wait3A_49 : memref<1x512xi32, #tpu.memory_space<vmem>> -> memref<512xi32, #tpu.memory_space<vmem>>
    %dma_wait3A_51 = arith.constant 0 : i32
    %dma_wait3A_52 = arith.constant 0 : i32
    %dma_wait3A_53 = tpu.memref_slice %arg4[%dma_wait3A_51, %dma_wait3A_52] : memref<1000064x16xf32, #tpu.memory_space<hbm>> -> memref<1000064x16xf32, #tpu.memory_space<hbm>>
    tpu.wait_indirect_dma semaphore(%arg12 : memref<!tpu.dma_semaphore, #tpu.memory_space<semaphore_mem>>) src(%dma_wait3A_53 : memref<1000064x16xf32, #tpu.memory_space<hbm>>) dst(%dma_wait3A_47 : memref<512x16xf32, #tpu.memory_space<vmem>>)
    %dma_wait3A_54 = arith.constant 0 : i32
    %dma_wait3A_55 = arith.constant 0 : i32
    %dma_wait3A_56 = arith.constant 0 : i32
    %dma_wait3A_57 = arith.constant 0 : i32
    %dma_wait3A_58 = arith.constant 0 : i32
    %dma_wait3A_59 = tpu.memref_slice %arg5[%dma_wait3A_54, %dma_wait3A_55, %dma_wait3A_56, %dma_wait3A_57, %dma_wait3A_58] : memref<26x2x128x8x128xf32, #tpu.memory_space<hbm>> -> memref<2x2x4x8x128xf32, #tpu.memory_space<hbm>>
    %dma_wait3A_60 = arith.constant 0 : i32
    %dma_wait3A_61 = arith.constant 0 : i32
    %dma_wait3A_62 = arith.constant 0 : i32
    %dma_wait3A_63 = arith.constant 0 : i32
    %dma_wait3A_64 = arith.constant 0 : i32
    %dma_wait3A_65 = tpu.memref_slice %arg5[%dma_wait3A_60, %dma_wait3A_61, %dma_wait3A_62, %dma_wait3A_63, %dma_wait3A_64] : memref<26x2x128x8x128xf32, #tpu.memory_space<hbm>> -> memref<2x2x4x8x128xf32, #tpu.memory_space<hbm>>
    tpu.wait_dma2 semaphore(%arg14 : memref<!tpu.dma_semaphore, #tpu.memory_space<semaphore_mem>>) src(%arg10 : memref<2x2x4x8x128xf32, #tpu.memory_space<vmem>>) dst(%dma_wait3A_65 : memref<2x2x4x8x128xf32, #tpu.memory_space<hbm>>)
    %scan3A_66 = arith.constant 0 : i32
    %scan3A_67 = arith.constant 0 : i32
    %scan3A_68 = arith.constant 64 : i32
    %scan3A_69 = arith.addi %scan3A_67, %scan3A_68 : i32
    %scan3A_70 = arith.constant 1 : i32
    scf.for %scan3A_122 = %scan3A_67 to %scan3A_69 step %scan3A_70  : i32 {
      %jit3A_123 = arith.constant 32 : i32
      %div3A_124 = arith.divsi %scan3A_122, %jit3A_123 : i32
      %sign3A_125 = arith.constant 0 : i32
      %sign3A_126 = arith.cmpi sgt, %scan3A_122, %sign3A_125 : i32
      %sign3A_127 = arith.extui %sign3A_126 : i1 to i32
      %sign3A_128 = arith.constant 0 : i32
      %sign3A_129 = arith.cmpi slt, %scan3A_122, %sign3A_128 : i32
      %sign3A_130 = arith.extui %sign3A_129 : i1 to i32
      %sign3A_131 = arith.subi %sign3A_127, %sign3A_130 : i32
      %sign3A_132 = arith.constant 0 : i32
      %sign3A_133 = arith.cmpi sgt, %jit3A_123, %sign3A_132 : i32
      %sign3A_134 = arith.extui %sign3A_133 : i1 to i32
      %sign3A_135 = arith.constant 0 : i32
      %sign3A_136 = arith.cmpi slt, %jit3A_123, %sign3A_135 : i32
      %sign3A_137 = arith.extui %sign3A_136 : i1 to i32
      %sign3A_138 = arith.subi %sign3A_134, %sign3A_137 : i32
      %ne3A_139 = arith.cmpi ne, %sign3A_131, %sign3A_138 : i32
      %rem3A_140 = arith.remsi %scan3A_122, %jit3A_123 : i32
      %ne3A_141 = arith.constant 0 : i32
      %ne3A_142 = arith.cmpi ne, %rem3A_140, %ne3A_141 : i32
      %and3A_143 = arith.andi %ne3A_139, %ne3A_142 : i1
      %sub3A_144 = arith.constant 1 : i32
      %sub3A_145 = arith.subi %div3A_124, %sub3A_144 : i32
      %select_n3A_146 = arith.select %and3A_143, %sub3A_145, %div3A_124 : i32
      %mul3A_147 = arith.constant 32 : i32
      %mul3A_148 = arith.muli %select_n3A_146, %mul3A_147 : i32
      %sub3A_149 = arith.subi %scan3A_122, %mul3A_148 : i32
      %add3A_150 = arith.constant 24 : i32
      %add3A_151 = arith.addi %add3A_150, %select_n3A_146 : i32
      %jit3A_152 = arith.constant 8 : i32
      %div3A_153 = arith.divsi %sub3A_149, %jit3A_152 : i32
      %sign3A_154 = arith.constant 0 : i32
      %sign3A_155 = arith.cmpi sgt, %sub3A_149, %sign3A_154 : i32
      %sign3A_156 = arith.extui %sign3A_155 : i1 to i32
      %sign3A_157 = arith.constant 0 : i32
      %sign3A_158 = arith.cmpi slt, %sub3A_149, %sign3A_157 : i32
      %sign3A_159 = arith.extui %sign3A_158 : i1 to i32
      %sign3A_160 = arith.subi %sign3A_156, %sign3A_159 : i32
      %sign3A_161 = arith.constant 0 : i32
      %sign3A_162 = arith.cmpi sgt, %jit3A_152, %sign3A_161 : i32
      %sign3A_163 = arith.extui %sign3A_162 : i1 to i32
      %sign3A_164 = arith.constant 0 : i32
      %sign3A_165 = arith.cmpi slt, %jit3A_152, %sign3A_164 : i32
      %sign3A_166 = arith.extui %sign3A_165 : i1 to i32
      %sign3A_167 = arith.subi %sign3A_163, %sign3A_166 : i32
      %ne3A_168 = arith.cmpi ne, %sign3A_160, %sign3A_167 : i32
      %rem3A_169 = arith.remsi %sub3A_149, %jit3A_152 : i32
      %ne3A_170 = arith.constant 0 : i32
      %ne3A_171 = arith.cmpi ne, %rem3A_169, %ne3A_170 : i32
      %and3A_172 = arith.andi %ne3A_168, %ne3A_171 : i1
      %sub3A_173 = arith.constant 1 : i32
      %sub3A_174 = arith.subi %div3A_153, %sub3A_173 : i32
      %select_n3A_175 = arith.select %and3A_172, %sub3A_174, %div3A_153 : i32
      %mul3A_176 = arith.constant 8 : i32
      %mul3A_177 = arith.muli %select_n3A_175, %mul3A_176 : i32
      %sub3A_178 = arith.subi %sub3A_149, %mul3A_177 : i32
      %mul3A_179 = arith.constant 16 : i32
      %mul3A_180 = arith.muli %sub3A_178, %mul3A_179 : i32
      %broadcast_in_dim3A = vector.broadcast %select_n3A_146 : i32 to vector<16xi32>
      %mul3A_181 = arith.constant 16 : i32
      %mul3A_182 = arith.muli %sub3A_149, %mul3A_181 : i32
      %add3A_183 = vector.broadcast %mul3A_182 : i32 to vector<16xi32>
      %add3A_184 = arith.addi %add3A_183, %iota3A : vector<16xi32>
      %mul3A_185 = arith.constant 16 : i32
      %mul3A_186 = arith.muli %sub3A_149, %mul3A_185 : i32
      %get3A = arith.index_cast %add3A_151 : i32 to index
      %get3A_187 = arith.index_cast %mul3A_186 : i32 to index
      %get3A_188 = tpu.vector_load %arg7[%get3A, %get3A_187] {strides = array<i32>} : memref<26x512xf32, #tpu.memory_space<vmem>>, vector<16xf32>,
      %broadcast_in_dim3A_189 = arith.constant 0 : i32
      %broadcast_in_dim3A_190 = vector.broadcast %broadcast_in_dim3A_189 : i32 to vector<16xi32>
      %gather3A = tpu.vector_load_idx %arg8[%broadcast_in_dim3A, %add3A_184, %broadcast_in_dim3A_190] : memref<2x512x16xf32, #tpu.memory_space<vmem>>[vector<16xi32>, vector<16xi32>, vector<16xi32>], vector<16xf32>,
      %mul3A_191 = arith.mulf %gather3A, %get3A_188 : vector<16xf32>
      %swap3A = arith.constant 0 : i32
      %swap3A_192 = arith.constant 0 : i32
      %swap3A_193 = arith.index_cast %select_n3A_146 : i32 to index
      %swap3A_194 = arith.index_cast %swap3A : i32 to index
      %swap3A_195 = arith.index_cast %select_n3A_175 : i32 to index
      %swap3A_196 = arith.index_cast %swap3A_192 : i32 to index
      %swap3A_197 = arith.index_cast %mul3A_180 : i32 to index
      %swap3A_198 = tpu.vector_load %arg10[%swap3A_193, %swap3A_194, %swap3A_195, %swap3A_196, %swap3A_197] {strides = array<i32>} : memref<2x2x4x8x128xf32, #tpu.memory_space<vmem>>, vector<16xf32>,
      tpu.vector_store %arg10[%swap3A_193, %swap3A_194, %swap3A_195, %swap3A_196, %swap3A_197], %mul3A_191 {strides = array<i32>} : memref<2x2x4x8x128xf32, #tpu.memory_space<vmem>>, vector<16xf32>,
      %broadcast_in_dim3A_199 = arith.constant 1 : i32
      %broadcast_in_dim3A_200 = vector.broadcast %broadcast_in_dim3A_199 : i32 to vector<16xi32>
      %gather3A_201 = tpu.vector_load_idx %arg8[%broadcast_in_dim3A, %add3A_184, %broadcast_in_dim3A_200] : memref<2x512x16xf32, #tpu.memory_space<vmem>>[vector<16xi32>, vector<16xi32>, vector<16xi32>], vector<16xf32>,
      %mul3A_202 = arith.mulf %gather3A_201, %get3A_188 : vector<16xf32>
      %swap3A_203 = arith.constant 0 : i32
      %swap3A_204 = arith.constant 1 : i32
      %swap3A_205 = arith.index_cast %select_n3A_146 : i32 to index
      %swap3A_206 = arith.index_cast %swap3A_203 : i32 to index
      %swap3A_207 = arith.index_cast %select_n3A_175 : i32 to index
      %swap3A_208 = arith.index_cast %swap3A_204 : i32 to index
      %swap3A_209 = arith.index_cast %mul3A_180 : i32 to index
      %swap3A_210 = tpu.vector_load %arg10[%swap3A_205, %swap3A_206, %swap3A_207, %swap3A_208, %swap3A_209] {strides = array<i32>} : memref<2x2x4x8x128xf32, #tpu.memory_space<vmem>>, vector<16xf32>,
      tpu.vector_store %arg10[%swap3A_205, %swap3A_206, %swap3A_207, %swap3A_208, %swap3A_209], %mul3A_202 {strides = array<i32>} : memref<2x2x4x8x128xf32, #tpu.memory_space<vmem>>, vector<16xf32>,
      %broadcast_in_dim3A_211 = arith.constant 2 : i32
      %broadcast_in_dim3A_212 = vector.broadcast %broadcast_in_dim3A_211 : i32 to vector<16xi32>
      %gather3A_213 = tpu.vector_load_idx %arg8[%broadcast_in_dim3A, %add3A_184, %broadcast_in_dim3A_212] : memref<2x512x16xf32, #tpu.memory_space<vmem>>[vector<16xi32>, vector<16xi32>, vector<16xi32>], vector<16xf32>,
      %mul3A_214 = arith.mulf %gather3A_213, %get3A_188 : vector<16xf32>
      %swap3A_215 = arith.constant 0 : i32
      %swap3A_216 = arith.constant 2 : i32
      %swap3A_217 = arith.index_cast %select_n3A_146 : i32 to index
      %swap3A_218 = arith.index_cast %swap3A_215 : i32 to index
      %swap3A_219 = arith.index_cast %select_n3A_175 : i32 to index
      %swap3A_220 = arith.index_cast %swap3A_216 : i32 to index
      %swap3A_221 = arith.index_cast %mul3A_180 : i32 to index
      %swap3A_222 = tpu.vector_load %arg10[%swap3A_217, %swap3A_218, %swap3A_219, %swap3A_220, %swap3A_221] {strides = array<i32>} : memref<2x2x4x8x128xf32, #tpu.memory_space<vmem>>, vector<16xf32>,
      tpu.vector_store %arg10[%swap3A_217, %swap3A_218, %swap3A_219, %swap3A_220, %swap3A_221], %mul3A_214 {strides = array<i32>} : memref<2x2x4x8x128xf32, #tpu.memory_space<vmem>>, vector<16xf32>,
      %broadcast_in_dim3A_223 = arith.constant 3 : i32
      %broadcast_in_dim3A_224 = vector.broadcast %broadcast_in_dim3A_223 : i32 to vector<16xi32>
      %gather3A_225 = tpu.vector_load_idx %arg8[%broadcast_in_dim3A, %add3A_184, %broadcast_in_dim3A_224] : memref<2x512x16xf32, #tpu.memory_space<vmem>>[vector<16xi32>, vector<16xi32>, vector<16xi32>], vector<16xf32>,
      %mul3A_226 = arith.mulf %gather3A_225, %get3A_188 : vector<16xf32>
      %swap3A_227 = arith.constant 0 : i32
      %swap3A_228 = arith.constant 3 : i32
      %swap3A_229 = arith.index_cast %select_n3A_146 : i32 to index
      %swap3A_230 = arith.index_cast %swap3A_227 : i32 to index
      %swap3A_231 = arith.index_cast %select_n3A_175 : i32 to index
      %swap3A_232 = arith.index_cast %swap3A_228 : i32 to index
      %swap3A_233 = arith.index_cast %mul3A_180 : i32 to index
      %swap3A_234 = tpu.vector_load %arg10[%swap3A_229, %swap3A_230, %swap3A_231, %swap3A_232, %swap3A_233] {strides = array<i32>} : memref<2x2x4x8x128xf32, #tpu.memory_space<vmem>>, vector<16xf32>,
      tpu.vector_store %arg10[%swap3A_229, %swap3A_230, %swap3A_231, %swap3A_232, %swap3A_233], %mul3A_226 {strides = array<i32>} : memref<2x2x4x8x128xf32, #tpu.memory_space<vmem>>, vector<16xf32>,
      %broadcast_in_dim3A_235 = arith.constant 4 : i32
      %broadcast_in_dim3A_236 = vector.broadcast %broadcast_in_dim3A_235 : i32 to vector<16xi32>
      %gather3A_237 = tpu.vector_load_idx %arg8[%broadcast_in_dim3A, %add3A_184, %broadcast_in_dim3A_236] : memref<2x512x16xf32, #tpu.memory_space<vmem>>[vector<16xi32>, vector<16xi32>, vector<16xi32>], vector<16xf32>,
      %mul3A_238 = arith.mulf %gather3A_237, %get3A_188 : vector<16xf32>
      %swap3A_239 = arith.constant 0 : i32
      %swap3A_240 = arith.constant 4 : i32
      %swap3A_241 = arith.index_cast %select_n3A_146 : i32 to index
      %swap3A_242 = arith.index_cast %swap3A_239 : i32 to index
      %swap3A_243 = arith.index_cast %select_n3A_175 : i32 to index
      %swap3A_244 = arith.index_cast %swap3A_240 : i32 to index
      %swap3A_245 = arith.index_cast %mul3A_180 : i32 to index
      %swap3A_246 = tpu.vector_load %arg10[%swap3A_241, %swap3A_242, %swap3A_243, %swap3A_244, %swap3A_245] {strides = array<i32>} : memref<2x2x4x8x128xf32, #tpu.memory_space<vmem>>, vector<16xf32>,
      tpu.vector_store %arg10[%swap3A_241, %swap3A_242, %swap3A_243, %swap3A_244, %swap3A_245], %mul3A_238 {strides = array<i32>} : memref<2x2x4x8x128xf32, #tpu.memory_space<vmem>>, vector<16xf32>,
      %broadcast_in_dim3A_247 = arith.constant 5 : i32
      %broadcast_in_dim3A_248 = vector.broadcast %broadcast_in_dim3A_247 : i32 to vector<16xi32>
      %gather3A_249 = tpu.vector_load_idx %arg8[%broadcast_in_dim3A, %add3A_184, %broadcast_in_dim3A_248] : memref<2x512x16xf32, #tpu.memory_space<vmem>>[vector<16xi32>, vector<16xi32>, vector<16xi32>], vector<16xf32>,
      %mul3A_250 = arith.mulf %gather3A_249, %get3A_188 : vector<16xf32>
      %swap3A_251 = arith.constant 0 : i32
      %swap3A_252 = arith.constant 5 : i32
      %swap3A_253 = arith.index_cast %select_n3A_146 : i32 to index
      %swap3A_254 = arith.index_cast %swap3A_251 : i32 to index
      %swap3A_255 = arith.index_cast %select_n3A_175 : i32 to index
      %swap3A_256 = arith.index_cast %swap3A_252 : i32 to index
      %swap3A_257 = arith.index_cast %mul3A_180 : i32 to index
      %swap3A_258 = tpu.vector_load %arg10[%swap3A_253, %swap3A_254, %swap3A_255, %swap3A_256, %swap3A_257] {strides = array<i32>} : memref<2x2x4x8x128xf32, #tpu.memory_space<vmem>>, vector<16xf32>,
      tpu.vector_store %arg10[%swap3A_253, %swap3A_254, %swap3A_255, %swap3A_256, %swap3A_257], %mul3A_250 {strides = array<i32>} : memref<2x2x4x8x128xf32, #tpu.memory_space<vmem>>, vector<16xf32>,
      %broadcast_in_dim3A_259 = arith.constant 6 : i32
      %broadcast_in_dim3A_260 = vector.broadcast %broadcast_in_dim3A_259 : i32 to vector<16xi32>
      %gather3A_261 = tpu.vector_load_idx %arg8[%broadcast_in_dim3A, %add3A_184, %broadcast_in_dim3A_260] : memref<2x512x16xf32, #tpu.memory_space<vmem>>[vector<16xi32>, vector<16xi32>, vector<16xi32>], vector<16xf32>,
      %mul3A_262 = arith.mulf %gather3A_261, %get3A_188 : vector<16xf32>
      %swap3A_263 = arith.constant 0 : i32
      %swap3A_264 = arith.constant 6 : i32
      %swap3A_265 = arith.index_cast %select_n3A_146 : i32 to index
      %swap3A_266 = arith.index_cast %swap3A_263 : i32 to index
      %swap3A_267 = arith.index_cast %select_n3A_175 : i32 to index
      %swap3A_268 = arith.index_cast %swap3A_264 : i32 to index
      %swap3A_269 = arith.index_cast %mul3A_180 : i32 to index
      %swap3A_270 = tpu.vector_load %arg10[%swap3A_265, %swap3A_266, %swap3A_267, %swap3A_268, %swap3A_269] {strides = array<i32>} : memref<2x2x4x8x128xf32, #tpu.memory_space<vmem>>, vector<16xf32>,
      tpu.vector_store %arg10[%swap3A_265, %swap3A_266, %swap3A_267, %swap3A_268, %swap3A_269], %mul3A_262 {strides = array<i32>} : memref<2x2x4x8x128xf32, #tpu.memory_space<vmem>>, vector<16xf32>,
      %broadcast_in_dim3A_271 = arith.constant 7 : i32
      %broadcast_in_dim3A_272 = vector.broadcast %broadcast_in_dim3A_271 : i32 to vector<16xi32>
      %gather3A_273 = tpu.vector_load_idx %arg8[%broadcast_in_dim3A, %add3A_184, %broadcast_in_dim3A_272] : memref<2x512x16xf32, #tpu.memory_space<vmem>>[vector<16xi32>, vector<16xi32>, vector<16xi32>], vector<16xf32>,
      %mul3A_274 = arith.mulf %gather3A_273, %get3A_188 : vector<16xf32>
      %swap3A_275 = arith.constant 0 : i32
      %swap3A_276 = arith.constant 7 : i32
      %swap3A_277 = arith.index_cast %select_n3A_146 : i32 to index
      %swap3A_278 = arith.index_cast %swap3A_275 : i32 to index
      %swap3A_279 = arith.index_cast %select_n3A_175 : i32 to index
      %swap3A_280 = arith.index_cast %swap3A_276 : i32 to index
      %swap3A_281 = arith.index_cast %mul3A_180 : i32 to index
      %swap3A_282 = tpu.vector_load %arg10[%swap3A_277, %swap3A_278, %swap3A_279, %swap3A_280, %swap3A_281] {strides = array<i32>} : memref<2x2x4x8x128xf32, #tpu.memory_space<vmem>>, vector<16xf32>,
      tpu.vector_store %arg10[%swap3A_277, %swap3A_278, %swap3A_279, %swap3A_280, %swap3A_281], %mul3A_274 {strides = array<i32>} : memref<2x2x4x8x128xf32, #tpu.memory_space<vmem>>, vector<16xf32>,
      %broadcast_in_dim3A_283 = arith.constant 8 : i32
      %broadcast_in_dim3A_284 = vector.broadcast %broadcast_in_dim3A_283 : i32 to vector<16xi32>
      %gather3A_285 = tpu.vector_load_idx %arg8[%broadcast_in_dim3A, %add3A_184, %broadcast_in_dim3A_284] : memref<2x512x16xf32, #tpu.memory_space<vmem>>[vector<16xi32>, vector<16xi32>, vector<16xi32>], vector<16xf32>,
      %mul3A_286 = arith.mulf %gather3A_285, %get3A_188 : vector<16xf32>
      %swap3A_287 = arith.constant 1 : i32
      %swap3A_288 = arith.constant 0 : i32
      %swap3A_289 = arith.index_cast %select_n3A_146 : i32 to index
      %swap3A_290 = arith.index_cast %swap3A_287 : i32 to index
      %swap3A_291 = arith.index_cast %select_n3A_175 : i32 to index
      %swap3A_292 = arith.index_cast %swap3A_288 : i32 to index
      %swap3A_293 = arith.index_cast %mul3A_180 : i32 to index
      %swap3A_294 = tpu.vector_load %arg10[%swap3A_289, %swap3A_290, %swap3A_291, %swap3A_292, %swap3A_293] {strides = array<i32>} : memref<2x2x4x8x128xf32, #tpu.memory_space<vmem>>, vector<16xf32>,
      tpu.vector_store %arg10[%swap3A_289, %swap3A_290, %swap3A_291, %swap3A_292, %swap3A_293], %mul3A_286 {strides = array<i32>} : memref<2x2x4x8x128xf32, #tpu.memory_space<vmem>>, vector<16xf32>,
      %broadcast_in_dim3A_295 = arith.constant 9 : i32
      %broadcast_in_dim3A_296 = vector.broadcast %broadcast_in_dim3A_295 : i32 to vector<16xi32>
      %gather3A_297 = tpu.vector_load_idx %arg8[%broadcast_in_dim3A, %add3A_184, %broadcast_in_dim3A_296] : memref<2x512x16xf32, #tpu.memory_space<vmem>>[vector<16xi32>, vector<16xi32>, vector<16xi32>], vector<16xf32>,
      %mul3A_298 = arith.mulf %gather3A_297, %get3A_188 : vector<16xf32>
      %swap3A_299 = arith.constant 1 : i32
      %swap3A_300 = arith.constant 1 : i32
      %swap3A_301 = arith.index_cast %select_n3A_146 : i32 to index
      %swap3A_302 = arith.index_cast %swap3A_299 : i32 to index
      %swap3A_303 = arith.index_cast %select_n3A_175 : i32 to index
      %swap3A_304 = arith.index_cast %swap3A_300 : i32 to index
      %swap3A_305 = arith.index_cast %mul3A_180 : i32 to index
      %swap3A_306 = tpu.vector_load %arg10[%swap3A_301, %swap3A_302, %swap3A_303, %swap3A_304, %swap3A_305] {strides = array<i32>} : memref<2x2x4x8x128xf32, #tpu.memory_space<vmem>>, vector<16xf32>,
      tpu.vector_store %arg10[%swap3A_301, %swap3A_302, %swap3A_303, %swap3A_304, %swap3A_305], %mul3A_298 {strides = array<i32>} : memref<2x2x4x8x128xf32, #tpu.memory_space<vmem>>, vector<16xf32>,
      %broadcast_in_dim3A_307 = arith.constant 10 : i32
      %broadcast_in_dim3A_308 = vector.broadcast %broadcast_in_dim3A_307 : i32 to vector<16xi32>
      %gather3A_309 = tpu.vector_load_idx %arg8[%broadcast_in_dim3A, %add3A_184, %broadcast_in_dim3A_308] : memref<2x512x16xf32, #tpu.memory_space<vmem>>[vector<16xi32>, vector<16xi32>, vector<16xi32>], vector<16xf32>,
      %mul3A_310 = arith.mulf %gather3A_309, %get3A_188 : vector<16xf32>
      %swap3A_311 = arith.constant 1 : i32
      %swap3A_312 = arith.constant 2 : i32
      %swap3A_313 = arith.index_cast %select_n3A_146 : i32 to index
      %swap3A_314 = arith.index_cast %swap3A_311 : i32 to index
      %swap3A_315 = arith.index_cast %select_n3A_175 : i32 to index
      %swap3A_316 = arith.index_cast %swap3A_312 : i32 to index
      %swap3A_317 = arith.index_cast %mul3A_180 : i32 to index
      %swap3A_318 = tpu.vector_load %arg10[%swap3A_313, %swap3A_314, %swap3A_315, %swap3A_316, %swap3A_317] {strides = array<i32>} : memref<2x2x4x8x128xf32, #tpu.memory_space<vmem>>, vector<16xf32>,
      tpu.vector_store %arg10[%swap3A_313, %swap3A_314, %swap3A_315, %swap3A_316, %swap3A_317], %mul3A_310 {strides = array<i32>} : memref<2x2x4x8x128xf32, #tpu.memory_space<vmem>>, vector<16xf32>,
      %broadcast_in_dim3A_319 = arith.constant 11 : i32
      %broadcast_in_dim3A_320 = vector.broadcast %broadcast_in_dim3A_319 : i32 to vector<16xi32>
      %gather3A_321 = tpu.vector_load_idx %arg8[%broadcast_in_dim3A, %add3A_184, %broadcast_in_dim3A_320] : memref<2x512x16xf32, #tpu.memory_space<vmem>>[vector<16xi32>, vector<16xi32>, vector<16xi32>], vector<16xf32>,
      %mul3A_322 = arith.mulf %gather3A_321, %get3A_188 : vector<16xf32>
      %swap3A_323 = arith.constant 1 : i32
      %swap3A_324 = arith.constant 3 : i32
      %swap3A_325 = arith.index_cast %select_n3A_146 : i32 to index
      %swap3A_326 = arith.index_cast %swap3A_323 : i32 to index
      %swap3A_327 = arith.index_cast %select_n3A_175 : i32 to index
      %swap3A_328 = arith.index_cast %swap3A_324 : i32 to index
      %swap3A_329 = arith.index_cast %mul3A_180 : i32 to index
      %swap3A_330 = tpu.vector_load %arg10[%swap3A_325, %swap3A_326, %swap3A_327, %swap3A_328, %swap3A_329] {strides = array<i32>} : memref<2x2x4x8x128xf32, #tpu.memory_space<vmem>>, vector<16xf32>,
      tpu.vector_store %arg10[%swap3A_325, %swap3A_326, %swap3A_327, %swap3A_328, %swap3A_329], %mul3A_322 {strides = array<i32>} : memref<2x2x4x8x128xf32, #tpu.memory_space<vmem>>, vector<16xf32>,
      %broadcast_in_dim3A_331 = arith.constant 12 : i32
      %broadcast_in_dim3A_332 = vector.broadcast %broadcast_in_dim3A_331 : i32 to vector<16xi32>
      %gather3A_333 = tpu.vector_load_idx %arg8[%broadcast_in_dim3A, %add3A_184, %broadcast_in_dim3A_332] : memref<2x512x16xf32, #tpu.memory_space<vmem>>[vector<16xi32>, vector<16xi32>, vector<16xi32>], vector<16xf32>,
      %mul3A_334 = arith.mulf %gather3A_333, %get3A_188 : vector<16xf32>
      %swap3A_335 = arith.constant 1 : i32
      %swap3A_336 = arith.constant 4 : i32
      %swap3A_337 = arith.index_cast %select_n3A_146 : i32 to index
      %swap3A_338 = arith.index_cast %swap3A_335 : i32 to index
      %swap3A_339 = arith.index_cast %select_n3A_175 : i32 to index
      %swap3A_340 = arith.index_cast %swap3A_336 : i32 to index
      %swap3A_341 = arith.index_cast %mul3A_180 : i32 to index
      %swap3A_342 = tpu.vector_load %arg10[%swap3A_337, %swap3A_338, %swap3A_339, %swap3A_340, %swap3A_341] {strides = array<i32>} : memref<2x2x4x8x128xf32, #tpu.memory_space<vmem>>, vector<16xf32>,
      tpu.vector_store %arg10[%swap3A_337, %swap3A_338, %swap3A_339, %swap3A_340, %swap3A_341], %mul3A_334 {strides = array<i32>} : memref<2x2x4x8x128xf32, #tpu.memory_space<vmem>>, vector<16xf32>,
      %broadcast_in_dim3A_343 = arith.constant 13 : i32
      %broadcast_in_dim3A_344 = vector.broadcast %broadcast_in_dim3A_343 : i32 to vector<16xi32>
      %gather3A_345 = tpu.vector_load_idx %arg8[%broadcast_in_dim3A, %add3A_184, %broadcast_in_dim3A_344] : memref<2x512x16xf32, #tpu.memory_space<vmem>>[vector<16xi32>, vector<16xi32>, vector<16xi32>], vector<16xf32>,
      %mul3A_346 = arith.mulf %gather3A_345, %get3A_188 : vector<16xf32>
      %swap3A_347 = arith.constant 1 : i32
      %swap3A_348 = arith.constant 5 : i32
      %swap3A_349 = arith.index_cast %select_n3A_146 : i32 to index
      %swap3A_350 = arith.index_cast %swap3A_347 : i32 to index
      %swap3A_351 = arith.index_cast %select_n3A_175 : i32 to index
      %swap3A_352 = arith.index_cast %swap3A_348 : i32 to index
      %swap3A_353 = arith.index_cast %mul3A_180 : i32 to index
      %swap3A_354 = tpu.vector_load %arg10[%swap3A_349, %swap3A_350, %swap3A_351, %swap3A_352, %swap3A_353] {strides = array<i32>} : memref<2x2x4x8x128xf32, #tpu.memory_space<vmem>>, vector<16xf32>,
      tpu.vector_store %arg10[%swap3A_349, %swap3A_350, %swap3A_351, %swap3A_352, %swap3A_353], %mul3A_346 {strides = array<i32>} : memref<2x2x4x8x128xf32, #tpu.memory_space<vmem>>, vector<16xf32>,
      %broadcast_in_dim3A_355 = arith.constant 14 : i32
      %broadcast_in_dim3A_356 = vector.broadcast %broadcast_in_dim3A_355 : i32 to vector<16xi32>
      %gather3A_357 = tpu.vector_load_idx %arg8[%broadcast_in_dim3A, %add3A_184, %broadcast_in_dim3A_356] : memref<2x512x16xf32, #tpu.memory_space<vmem>>[vector<16xi32>, vector<16xi32>, vector<16xi32>], vector<16xf32>,
      %mul3A_358 = arith.mulf %gather3A_357, %get3A_188 : vector<16xf32>
      %swap3A_359 = arith.constant 1 : i32
      %swap3A_360 = arith.constant 6 : i32
      %swap3A_361 = arith.index_cast %select_n3A_146 : i32 to index
      %swap3A_362 = arith.index_cast %swap3A_359 : i32 to index
      %swap3A_363 = arith.index_cast %select_n3A_175 : i32 to index
      %swap3A_364 = arith.index_cast %swap3A_360 : i32 to index
      %swap3A_365 = arith.index_cast %mul3A_180 : i32 to index
      %swap3A_366 = tpu.vector_load %arg10[%swap3A_361, %swap3A_362, %swap3A_363, %swap3A_364, %swap3A_365] {strides = array<i32>} : memref<2x2x4x8x128xf32, #tpu.memory_space<vmem>>, vector<16xf32>,
      tpu.vector_store %arg10[%swap3A_361, %swap3A_362, %swap3A_363, %swap3A_364, %swap3A_365], %mul3A_358 {strides = array<i32>} : memref<2x2x4x8x128xf32, #tpu.memory_space<vmem>>, vector<16xf32>,
      %broadcast_in_dim3A_367 = arith.constant 15 : i32
      %broadcast_in_dim3A_368 = vector.broadcast %broadcast_in_dim3A_367 : i32 to vector<16xi32>
      %gather3A_369 = tpu.vector_load_idx %arg8[%broadcast_in_dim3A, %add3A_184, %broadcast_in_dim3A_368] : memref<2x512x16xf32, #tpu.memory_space<vmem>>[vector<16xi32>, vector<16xi32>, vector<16xi32>], vector<16xf32>,
      %mul3A_370 = arith.mulf %gather3A_369, %get3A_188 : vector<16xf32>
      %swap3A_371 = arith.constant 1 : i32
      %swap3A_372 = arith.constant 7 : i32
      %swap3A_373 = arith.index_cast %select_n3A_146 : i32 to index
      %swap3A_374 = arith.index_cast %swap3A_371 : i32 to index
      %swap3A_375 = arith.index_cast %select_n3A_175 : i32 to index
      %swap3A_376 = arith.index_cast %swap3A_372 : i32 to index
      %swap3A_377 = arith.index_cast %mul3A_180 : i32 to index
      %swap3A_378 = tpu.vector_load %arg10[%swap3A_373, %swap3A_374, %swap3A_375, %swap3A_376, %swap3A_377] {strides = array<i32>} : memref<2x2x4x8x128xf32, #tpu.memory_space<vmem>>, vector<16xf32>,
      tpu.vector_store %arg10[%swap3A_373, %swap3A_374, %swap3A_375, %swap3A_376, %swap3A_377], %mul3A_370 {strides = array<i32>} : memref<2x2x4x8x128xf32, #tpu.memory_space<vmem>>, vector<16xf32>,
    }
    %scan3A_71 = arith.constant 64 : i32
    %jit3A = arith.constant 128 : i32
    %div3A = arith.divsi %mul3A_2, %jit3A : i32
    %sign3A = arith.constant 0 : i32
    %sign3A_72 = arith.cmpi sgt, %mul3A_2, %sign3A : i32
    %sign3A_73 = arith.extui %sign3A_72 : i1 to i32
    %sign3A_74 = arith.constant 0 : i32
    %sign3A_75 = arith.cmpi slt, %mul3A_2, %sign3A_74 : i32
    %sign3A_76 = arith.extui %sign3A_75 : i1 to i32
    %sign3A_77 = arith.subi %sign3A_73, %sign3A_76 : i32
    %sign3A_78 = arith.constant 0 : i32
    %sign3A_79 = arith.cmpi sgt, %jit3A, %sign3A_78 : i32
    %sign3A_80 = arith.extui %sign3A_79 : i1 to i32
    %sign3A_81 = arith.constant 0 : i32
    %sign3A_82 = arith.cmpi slt, %jit3A, %sign3A_81 : i32
    %sign3A_83 = arith.extui %sign3A_82 : i1 to i32
    %sign3A_84 = arith.subi %sign3A_80, %sign3A_83 : i32
    %ne3A = arith.cmpi ne, %sign3A_77, %sign3A_84 : i32
    %rem3A = arith.remsi %mul3A_2, %jit3A : i32
    %ne3A_85 = arith.constant 0 : i32
    %ne3A_86 = arith.cmpi ne, %rem3A, %ne3A_85 : i32
    %and3A = arith.andi %ne3A, %ne3A_86 : i1
    %sub3A = arith.constant 1 : i32
    %sub3A_87 = arith.subi %div3A, %sub3A : i32
    %select_n3A = arith.select %and3A, %sub3A_87, %div3A : i32
    %dma_start3A_88 = arith.constant 24 : i32
    %dma_start3A_89 = arith.constant 0 : i32
    %dma_start3A_90 = arith.constant 0 : i32
    %dma_start3A_91 = arith.constant 0 : i32
    %dma_start3A_92 = tpu.memref_slice %arg5[%dma_start3A_88, %dma_start3A_89, %select_n3A, %dma_start3A_90, %dma_start3A_91] : memref<26x2x128x8x128xf32, #tpu.memory_space<hbm>> -> memref<2x2x4x8x128xf32, #tpu.memory_space<hbm>>
    %dma_start3A_93 = arith.constant 24 : i32
    %dma_start3A_94 = arith.constant 0 : i32
    %dma_start3A_95 = arith.constant 0 : i32
    %dma_start3A_96 = arith.constant 0 : i32
    %dma_start3A_97 = tpu.memref_slice %arg5[%dma_start3A_93, %dma_start3A_94, %select_n3A, %dma_start3A_95, %dma_start3A_96] : memref<26x2x128x8x128xf32, #tpu.memory_space<hbm>> -> memref<2x2x4x8x128xf32, #tpu.memory_space<hbm>>
    tpu.enqueue_dma source(%arg10 : memref<2x2x4x8x128xf32, #tpu.memory_space<vmem>>) target(%dma_start3A_97 : memref<2x2x4x8x128xf32, #tpu.memory_space<hbm>>) target_semaphore(%arg14 : memref<!tpu.dma_semaphore, #tpu.memory_space<semaphore_mem>>)
    %dma_wait3A_98 = arith.constant 0 : i32
    %dma_wait3A_99 = arith.constant 0 : i32
    %dma_wait3A_100 = arith.constant 0 : i32
    %dma_wait3A_101 = arith.constant 0 : i32
    %dma_wait3A_102 = arith.constant 0 : i32
    %dma_wait3A_103 = tpu.memref_slice %arg5[%dma_wait3A_98, %dma_wait3A_99, %dma_wait3A_100, %dma_wait3A_101, %dma_wait3A_102] : memref<26x2x128x8x128xf32, #tpu.memory_space<hbm>> -> memref<2x2x4x8x128xf32, #tpu.memory_space<hbm>>
    %dma_wait3A_104 = arith.constant 0 : i32
    %dma_wait3A_105 = arith.constant 0 : i32
    %dma_wait3A_106 = arith.constant 0 : i32
    %dma_wait3A_107 = arith.constant 0 : i32
    %dma_wait3A_108 = arith.constant 0 : i32
    %dma_wait3A_109 = tpu.memref_slice %arg5[%dma_wait3A_104, %dma_wait3A_105, %dma_wait3A_106, %dma_wait3A_107, %dma_wait3A_108] : memref<26x2x128x8x128xf32, #tpu.memory_space<hbm>> -> memref<2x2x4x8x128xf32, #tpu.memory_space<hbm>>
    tpu.wait_dma2 semaphore(%arg14 : memref<!tpu.dma_semaphore, #tpu.memory_space<semaphore_mem>>) src(%arg10 : memref<2x2x4x8x128xf32, #tpu.memory_space<vmem>>) dst(%dma_wait3A_109 : memref<2x2x4x8x128xf32, #tpu.memory_space<hbm>>)
    %dma_wait3A_110 = arith.constant 0 : i32
    %dma_wait3A_111 = arith.constant 0 : i32
    %dma_wait3A_112 = arith.constant 0 : i32
    %dma_wait3A_113 = arith.constant 0 : i32
    %dma_wait3A_114 = arith.constant 0 : i32
    %dma_wait3A_115 = tpu.memref_slice %arg5[%dma_wait3A_110, %dma_wait3A_111, %dma_wait3A_112, %dma_wait3A_113, %dma_wait3A_114] : memref<26x2x128x8x128xf32, #tpu.memory_space<hbm>> -> memref<2x2x4x8x128xf32, #tpu.memory_space<hbm>>
    %dma_wait3A_116 = arith.constant 0 : i32
    %dma_wait3A_117 = arith.constant 0 : i32
    %dma_wait3A_118 = arith.constant 0 : i32
    %dma_wait3A_119 = arith.constant 0 : i32
    %dma_wait3A_120 = arith.constant 0 : i32
    %dma_wait3A_121 = tpu.memref_slice %arg5[%dma_wait3A_116, %dma_wait3A_117, %dma_wait3A_118, %dma_wait3A_119, %dma_wait3A_120] : memref<26x2x128x8x128xf32, #tpu.memory_space<hbm>> -> memref<2x2x4x8x128xf32, #tpu.memory_space<hbm>>
    tpu.wait_dma2 semaphore(%arg15 : memref<!tpu.dma_semaphore, #tpu.memory_space<semaphore_mem>>) src(%arg11 : memref<2x2x4x8x128xf32, #tpu.memory_space<vmem>>) dst(%dma_wait3A_121 : memref<2x2x4x8x128xf32, #tpu.memory_space<hbm>>)
    return
  }
}

</mosaic_0001>

<sc_bundles>
// kernel: kernel.4.cloned.1.call-start
scs
__scs_entry_jumppad:
0x0: {  	(pc) =	sbr.rel $0x88, $3  }
0x1: {  	(tag) =	ssettag $0x0;
	lr =	simm.s32 $0x1  }
0x2: {  	[smem:$0x3F9E] =	sst lr;
	_ =	strace $0xD0000000  }
0x3: {  	_ = 	snop  }
0x4: {  	_ = 	snop  }
0x5: {  	_ = 	snop  }
0x6: {  	_ = 	snop  }
0x7: {  	_ = 	snop  }
__scs_overlays_trampoline_lowered:
0x8: {  	[smem:$0x3FAD] =	sst s0  }
0x9: {  	[smem:$0x3FAE] =	sst s1  }
0xa: {  	[smem:$0x3FAF] =	sst s2  }
0xb: {  	[smem:$0x3FB0] =	sst s3  }
0xc: {  	[smem:$0x3FB1] =	sst s4  }
0xd: {  	[smem:$0x3FB2] =	sst s5  }
0xe: {  	[smem:$0x3FB3] =	sst s6  }
0xf: {  	[smem:$0x3FB4] =	sst s7  }
0x10: {  	[smem:$0x3FB5] =	sst s8  }
0x11: {  	[smem:$0x3FB6] =	sst s9;
	s0 =	simm.s32 @!p0 $0x0  }
0x12: {  	s1 =	sld [smem:$0x3F9C];
	s0 =	simm.s32 @p0 $0x1  }
0x13: {  	[smem:$0x3FB7] =	sst s0;
	s0 =	simm.s32 @!p1 $0x0  }
0x14: {  	s2 =	sld [smem:$0x3F9B];
	s0 =	simm.s32 @p1 $0x1  }
0x15: {  	[smem:$0x3FB8] =	sst s0;
	s0 =	simm.s32 @!p2 $0x0  }
0x16: {  	s3 =	sld [smem:$0x3FDB];
	s0 =	simm.s32 @p2 $0x1  }
0x17: {  	s4 =	simm.s32 $0x1BF5;
	[smem:$0x3FBA] =	sst s0  }
0x18: {  	s0 =	sld [smem:$0x3F9D];
	_ =	swait.ge [sflag:s4], $0x0  }
0x19: {  	s7 =	sld [smem:$0x3F9E]  }
0x1a: {  	s8 =	sadd.s32 $0xFFFFE003, lr  }
0x1b: {  	s9 =	sadd.s32 $0xFFFFFEF7, lr;
	s5 =	simm.s32 $0xFFFFFFFF;
	p2 =	slt.u32 s8, $0xFFFFF086  }
0x1c: {  	p1 =	slt.u32 s9, $0xF7A;
	s5 =	simm.s32 @!p2 $0x0  }
0x1d: {  	s5 =	simm.s32 @p1 $0x1;
	p0 =	seq.s32 s7, s2  }
0x1e: {  	s7 =	smul.u32 @!p0 $0xF7A, s2;
	p2 =	seq.s32 @!p0 s5, $0x0  }
0x1f: {  	s9 =	smul.u32 $0xF7A, s1;
	s8 =	simm.s32 @!p0 $0x1BF5;
	p2 =	por !p2, p0  }
0x20: {  	[sflag:s8] =	ssyncset.s32 @!p0 $0xFFFFF086;
	s6 =	sadd.s32 @!p0 s3, s7;
	s7 =	simm.s32 @!p0 $0x108  }
0x21: {  	s3 =	sadd.s32 s3, s9;
	s6 =	sadd.s32 @!p0 $0x88, s6;
	s7 =	simm.s32 @p2 $0x1082  }
0x22: {  	[simem:s7], [sflag:s8] =	dma.local @!p0 [hbm:s6], $0xF7A  }
0x23: {  	s9 =	sor.u32 $0xD0000000, s2;
	s6 =	simm.s32 $0x108;
	_ =	swait.ge @!p0 [sflag:s8], $0x0  }
0x24: {  	s3 =	sadd.s32 $0x88, s3;
	s6 =	simm.s32 @!p1 $0x1082;
	[sflag:s4] =	ssyncset.s32 $0xFFFFF086  }
0x25: {  	[simem:s6], [sflag:s4] =	dma.local [hbm:s3], $0xF7A  }
0x26: {  	[smem:$0x3F9E] =	sst s1;
	(tag) =	ssettag s2;
	_ =	strace s9  }
0x27: {  	s1 =	sld [smem:$0x3FAE]  }
0x28: {  	s2 =	sld [smem:$0x3FAF]  }
0x29: {  	s4 =	sld [smem:$0x3FB1]  }
0x2a: {  	p0 =	seq.s32 s5, $0x0;
	s5 =	sld [smem:$0x3FB2]  }
0x2b: {  	s6 =	sld [smem:$0x3FB3]  }
0x2c: {  	s7 =	sld [smem:$0x3FB4]  }
0x2d: {  	s3 =	simm.s32 $0x108;
	s8 =	sld [smem:$0x3FB5]  }
0x2e: {  	s3 =	simm.s32 @!p0 $0x1082;
	s9 =	sld [smem:$0x3FB6]  }
0x2f: {  	lr =	sadd.s32 s0, s3;
	s0 =	sld [smem:$0x3FAD]  }
0x30: {  	s3 =	sld [smem:$0x3FB0]  }
0x31: {  	[smem:$0x3FB9] =	sst s10  }
0x32: {  	s10 =	sld [smem:$0x3FB7];
	_ =	sdelay $0x3  }
0x33: {  	p0 =	seq.s32 s10, $0x1;
	s10 =	sld [smem:$0x3FB9];
	_ =	sdelay $0x3  }
0x34: {  	[smem:$0x3FB9] =	sst s10  }
0x35: {  	s10 =	sld [smem:$0x3FB8];
	_ =	sdelay $0x3  }
0x36: {  	p1 =	seq.s32 s10, $0x1;
	s10 =	sld [smem:$0x3FB9];
	_ =	sdelay $0x3  }
0x37: {  	[smem:$0x3FB9] =	sst s10  }
0x38: {  	s10 =	sld [smem:$0x3FBA]  }
0x39: {  	_ = 	snop;
	(pc) =	sbr.ind lr, $3  }
0x3a: {  	_ = 	snop  }
0x3b: {  	_ = 	snop  }
0x3c: {  	p2 =	seq.s32 s10, $0x1;
	s10 =	sld [smem:$0x3FB9]  }
0x3d: {  	_ =	shalt  }
0x3e: {  	_ =	shalt  }
0x3f: {  	_ =	shalt  }
0x40: {  	_ =	shalt  }
0x41: {  	_ =	shalt  }
0x42: {  	_ =	shalt  }
0x43: {  	_ =	shalt  }
0x44: {  	_ =	shalt  }
0x45: {  	_ =	shalt  }
0x46: {  	_ =	shalt  }
0x47: {  	_ =	shalt  }
0x48: {  	_ =	shalt  }
0x49: {  	_ =	shalt  }
0x4a: {  	_ =	shalt  }
0x4b: {  	_ =	shalt  }
0x4c: {  	_ =	shalt  }
0x4d: {  	_ =	shalt  }
0x4e: {  	_ =	shalt  }
0x4f: {  	_ =	shalt  }
0x50: {  	_ =	shalt  }
0x51: {  	_ =	shalt  }
0x52: {  	_ =	shalt  }
0x53: {  	_ =	shalt  }
0x54: {  	_ =	shalt  }
0x55: {  	_ =	shalt  }
0x56: {  	_ =	shalt  }
0x57: {  	_ =	shalt  }
0x58: {  	_ =	shalt  }
0x59: {  	_ =	shalt  }
0x5a: {  	_ =	shalt  }
0x5b: {  	_ =	shalt  }
0x5c: {  	_ =	shalt  }
0x5d: {  	_ =	shalt  }
0x5e: {  	_ =	shalt  }
0x5f: {  	_ =	shalt  }
0x60: {  	_ =	shalt  }
0x61: {  	_ =	shalt  }
0x62: {  	_ =	shalt  }
0x63: {  	_ =	shalt  }
0x64: {  	_ =	shalt  }
0x65: {  	_ =	shalt  }
0x66: {  	_ =	shalt  }
0x67: {  	_ =	shalt  }
0x68: {  	_ =	shalt  }
0x69: {  	_ =	shalt  }
0x6a: {  	_ =	shalt  }
0x6b: {  	_ =	shalt  }
0x6c: {  	_ =	shalt  }
0x6d: {  	_ =	shalt  }
0x6e: {  	_ =	shalt  }
0x6f: {  	_ =	shalt  }
0x70: {  	_ =	shalt  }
0x71: {  	_ =	shalt  }
0x72: {  	_ =	shalt  }
0x73: {  	_ =	shalt  }
0x74: {  	_ =	shalt  }
0x75: {  	_ =	shalt  }
0x76: {  	_ =	shalt  }
0x77: {  	_ =	shalt  }
0x78: {  	_ =	shalt  }
0x79: {  	_ =	shalt  }
0x7a: {  	_ =	shalt  }
0x7b: {  	_ =	shalt  }
0x7c: {  	_ =	shalt  }
0x7d: {  	_ =	shalt  }
0x7e: {  	_ =	shalt  }
0x7f: {  	_ =	shalt  }
0x80: {  	_ =	shalt  }
0x81: {  	_ =	shalt  }
0x82: {  	_ =	shalt  }
0x83: {  	_ =	shalt  }
0x84: {  	_ =	shalt  }
0x85: {  	_ =	shalt  }
0x86: {  	_ =	shalt  }
0x87: {  	_ =	shalt  }
.Lfunc_end0:
.L_simem_size_0:
called_computation_lowered:
.L_overlay_start_0:
0x88: {  	s2 =	sld [smem:$0x3FD9]  }
0x89: {  	s3 =	sld [smem:$0x3FFE];
	_ =	sdelay $0x1  }
0x8a: {  	s1 =	srdreg.scid  }
0x8b: {  	s0 =	sand.u32 $0x1, s1  }
0x8c: {  	s17 =	sshll.u32 s0, $0xA;
	s2 =	sadd.s32 s3, s2  }
0x8d: {  	s2 =	sadd.s32 s2, s17  }
0x8e: {  	[smem:$0x3FC5] =	sst s2  }
0x8f: {  	_ = 	snop  }
0x90: {  	s2 =	sld [smem:$0x3FC7]  }
0x91: {  	s18 =	sld [smem:$0x3FD0];
	(tm) =	ssettm $0x1  }
0x92: {  	s4 =	sld [smem:$0x3FFB];
	_ =	sdelay $0x3  }
0x93: {  	_ =	strace s4  }
0x94: {  	s4 =	sld [smem:$0x3FFC];
	_ =	sdelay $0x3  }
0x95: {  	_ =	strace s4  }
0x96: {  	s4 =	sld [smem:$0x3FFD];
	_ =	sdelay $0x3  }
0x97: {  	_ =	strace s4  }
0x98: {  	_ =	strace $0x8FFFFFFF  }
0x99: {  	s19 =	sld [smem:$0x3FDB];
	_ =	sdelay $0x1  }
0x9a: {  	s5 =	simm.s32 $_scs_section_size  }
0x9b: {  	s6 =	simm.s32 $_size__tile_overlayer_lowered;
	s7 =	simm.s32 $_tile_overlayer_lowered  }
0x9c: {  	s22 =	simm.s32 $0x1BFF;
	s21 =	sshll.u32 s7, $0x1;
	s4 =	sadd.s32 s5, s19  }
0x9d: {  	s8 =	simm.s32 $0x0;
	s20 =	sshll.u32 s6, $0x1;
	s6 =	sadd.s32 s21, s4  }
0x9e: {  	[timem:s8], [sflag:s22] =	dma.local [hbm:s6], s20  }
0x9f: {  	_ =	swait.ge [sflag:s22], s20  }
0xa0: {  	s5 =	ssub.s32 $0x0, s20;
	[sflag:s22] =	ssyncset.done $0x0  }
0xa1: {  	[sflag:s22] =	ssyncadd.s32 s5;
	_ =	sdelay $0x1  }
0xa2: {  	s23 =	simm.s32 $0x1B8B  }
0xa3: {  	_ =	swait.ge [sflag:s23], $0x1  }
0xa4: {  	[sflag:s23] =	ssyncset.done $0x0  }
0xa5: {  	s25 =	simm.s32 $0x1B8E;
	s24 =	sld [smem:$0x3FFE];
	[sflag:s23] =	ssyncadd.s32 $0xFFFFFFFF  }
0xa6: {  	s26 =	simm.s32 $execute0_lowered;
	[smem:$0x3FD2] =	sst s25  }
0xa7: {  	s6 =	sshll.u32 s26, $0x1;
	_ =	strace $0x80000046;
	[dreg:$0x1] =	wrdreg $0xFFFFFFFF  }
0xa8: {  	s28 =	simm.s32 $_size_execute0_lowered;
	s4 =	sadd.s32 s4, s6;
	[dreg:$0x0] =	wrdreg $0x0  }
0xa9: {  	s6 =	sshll.u32 s28, $0x1;
	[dreg:$0x2] =	wrdreg s4  }
0xaa: {  	[dreg:$0x3] =	wrdreg s6  }
0xab: {  	[dreg:$0x4] =	wrdreg $0xC0  }
0xac: {  	_ =	task [dreg:s8], $0x5FFFF  }
0xad: {  	[dreg:$0x1] =	wrdreg $0xFFFFFFFF  }
0xae: {  	[dreg:$0x0] =	wrdreg $0x60  }
0xaf: {  	[dreg:$0x2] =	wrdreg s2  }
0xb0: {  	[dreg:$0x3] =	wrdreg s18  }
0xb1: {  	[dreg:$0x4] =	wrdreg s24  }
0xb2: {  	[dreg:$0x5] =	wrdreg $0x9  }
0xb3: {  	_ =	task.clear_ibuf [dreg:s8], $0x6FFFF;
	_ =	strace $0x90000046  }
0xb4: {  	s29 =	simm.s32 $0x9;
	_ =	strace $0x80000048  }
0xb5: {  	_ =	swait.ge [sflag:s29], $0x1  }
0xb6: {  	[sflag:s29] =	ssyncadd.s32 $0xFFFFFFFF  }
0xb7: {  	_ =	strace $0x90000048  }
0xb8: {  	_ =	sfence  }
0xb9: {  	s30 =	sld [smem:$0x0];
	_ =	sdelay $0x2  }
0xba: {  	s31 =	sshll.u32 s1, $0xD;
	s1 =	sshrl.u32 s1, $0x2  }
0xbb: {  	s3 =	sand.u32 $0x4000, s31;
	s1 =	sadd.s32 s1, s30  }
0xbc: {  	s0 =	sor.u32 s3, s0;
	s1 =	sshll.u32 s1, $0x11  }
0xbd: {  	s0 =	sor.u32 s1, s0  }
0xbe: {  	s0 =	sadd.s32 $0x8F2B, s0  }
0xbf: {  	[sflag:s0] =	ssyncadd.remote.s32 $0x1  }
0xc0: {  	_ =	sfence.sel $0xFFFF  }
0xc1: {  	[dreg:$0x0] =	wrdreg $0xFFFFFFFF;
	(pc) =	sbr.abs _section_cstart, $3  }
0xc2: {  	[dreg:$0x1] =	wrdreg $0xFFFFFFFF  }
0xc3: {  	_ =	task.clear_ibuf [dreg:s8], $0x2FFFF;
	_ =	strace $0x9FFFFFFF  }
0xc4: {  	(tm) =	ssettm $0x7FFFFFFF  }
0xc5: {  	_ =	shalt  }
tec
execute0_lowered:
.L_overlay_start_1:
0x0: {  	(tag) =	ssettag $0x1  }
0x1: {  	s1 =	rddreg [dreg:$0x0]  }
0x2: {  	s2 =	rddreg [dreg:$0x1]  }
0x3: {  	s9 =	rddreg [dreg:$0x2]  }
0x4: {  	s3 =	srdreg.scid;
	s0 =	rddreg [dreg:$0x3]  }
0x5: {  	s4 =	simm.s32 $0x0;
	s12 =	simm.s32 $0x7A1400;
	s13 =	simm.s32 $0x1  }
0x6: {  	v1 =	vlaneseq.u32;
	s14 =	simm.s32 $0xE000;
	s15 =	simm.s32 $0x2;
	s16 =	simm.s32 $0x15000  }
0x7: {  	s17 =	simm.s32 $0x3;
	s18 =	simm.s32 $0x4;
	s19 =	simm.s32 $0x5;
	v0 =	vand.u32 $0x7, v1  }
0x8: {  	s20 =	simm.s32 $0x0;
	s5 =	sand.u32 $0x1, s3;
	[smem:$0x7FF] =	sst s4;
	v0 =	vmul.u32 $0x10, v0  }
0x9: {  	s3 =	stileid.u32;
	v1 =	vmul.u32 $0x10, v1;
	s6 =	sshll.u32 s5, $0x4;
	_ =	strace $0x80000047  }
.Ltmp0:
0xa: {  	s7 =	ssub.s32 $0x2, s5;
	s5 =	sor.u32 s3, s6;
	v2 =	vor.u32 $0x1, v0;
	v3 =	vor.u32 $0x2, v0;
	v4 =	vor.u32 $0x3, v0;
	(pc) =	sbr.rel .LBB2_1-.Ltmp0, $4  }
0xb: {  	s6 =	sadd.s32 $0xC00, s9;
	s8 =	sshrl.u32 s7, $0x1;
	s10 =	smul.u32 $0x700, s5;
	v5 =	vor.u32 $0x4, v0;
	v6 =	vor.u32 $0x5, v0;
	v7 =	vor.u32 $0x6, v0  }
0xc: {  	s11 =	ssub.s32 s7, s8;
	p0 =	slt.u32 s5, $0xE;
	s7 =	simm.s32 $0x12;
	v8 =	vor.u32 $0x7, v0;
	v9 =	vor.u32 $0x8, v0;
	v10 =	vor.u32 $0x9, v0  }
0xd: {  	s9 =	sadd.s32 $0x1E9000, s9;
	v11 =	vor.u32 $0xA, v0;
	v12 =	vor.u32 $0xB, v0;
	v13 =	vor.u32 $0xC, v0;
	s7 =	simm.s32 @!p0 $0x11;
	p0 =	sne.s32 s5, $0xE  }
0xe: {  	v14 =	vor.u32 $0xD, v0;
	v15 =	vor.u32 $0xE, v0;
	v16 =	vor.u32 $0xF, v0;
	s8 =	sadd.s32 s1, s10;
	s10 =	smax.u32 s11, $0x1;
	s11 =	simm.s32 $0x3800  }
.LBB2_15:
0xf: {  	s20 =	sadd.s32 $0x1, s20  }
0x10: {  	p1 =	sne.s32 s20, s10  }
.Ltmp1:
0x11: {  	_ = 	snop;
	(pc) =	sbr.rel @!p1 .LBB2_16-.Ltmp1, $1  }
0x12: {  	_ =	sdelay $0x3  }
.LBB2_1:
.Ltmp2:
0x13: {  	(pc) =	sbr.rel .LBB2_2-.Ltmp2, $3  }
0x14: {  	_ =	sdelay $0x1  }
0x15: {  	[tilespmem:s4], [sflag:$0x1] =	stream.strided.gather [hbm4b:s8+s11], $0x7000, s12, s11, $0x38;
	[tilespmem:$0x1C000] =	vst v63  }
0x16: {  	s21 =	simm.s32 $0x0  }
.LBB2_10:
0x17: {  	s21 =	sadd.s32 $0x1, s21  }
0x18: {  	p1 =	sne.s32 s21, $0x9  }
.Ltmp3:
0x19: {  	_ = 	snop;
	(pc) =	sbr.rel @!p1 .LBB2_11-.Ltmp3, $1  }
0x1a: {  	_ =	sdelay $0x3  }
.LBB2_2:
0x1b: {  	s23 =	sshll.u32 s21, $0x1  }
0x1c: {  	p2 =	sge.u32 s23, s7  }
.Ltmp4:
0x1d: {  	_ = 	snop;
	(pc) =	sbr.rel @p2 .LBB2_6-.Ltmp4, $3  }
0x1e: {  	_ =	sdelay $0x1  }
0x1f: {  	s22 =	sshllo.u32 s21, $0x1  }
0x20: {  	p1 =	sge.u32 s22, s7  }
0x21: {  	s24 =	sshll.u32 @!p1 s22, $0x5  }
0x22: {  	s24 =	sor.u32 @!p1 s5, s24  }
0x23: {  	s24 =	smul.u32 @!p1 $0x700, s24  }
0x24: {  	s25 =	simm.s32 @!p1 $0x3800  }
0x25: {  	s26 =	simm.s32 @!p1 $0x7A1400;
	s28 =	simm.s32 @!p1 $0x7000;
	s24 =	sadd.s32 @!p1 s1, s24  }
0x26: {  	[tilespmem:s28], [sflag:$0x2] =	stream.strided.gather @!p1 [hbm4b:s24+s25], $0x7000, s26, s25, $0x38;
	[tilespmem:$0x1C000] =	vst v63  }
0x27: {  	_ =	swait.ge [sflag:s13], $0x7000  }
0x28: {  	p2 =	seq.s32 s21, $0x0;
	s24 =	simm.s32 $0x0;
	[sflag:s13] =	ssyncset.done $0x0  }
0x29: {  	s25 =	simm.s32 @!p2 $0x3;
	v17 =	vmov s24;
	[sflag:s13] =	ssyncadd.s32 $0xFFFF9000  }
0x2a: {  	v17 =	vshll.u32 v17, $0x4;
	_ =	swait.ge @!p2 [sflag:s25], $0x7000  }
0x2b: {  	s29 =	sand.u32 $0x70, s24;
	s28 =	sand.u32 $0x3C00, s24;
	v17 =	vor.u32 v1, v17;
	[sflag:s25] =	ssyncset.done @!p2 $0x0  }
0x2c: {  	s30 =	sor.u32 s29, s28;
	v17 =	vand.u32 $0x7F80, v17;
	[sflag:s25] =	ssyncadd.s32 @!p2 $0xFFFF9000  }
0x2d: {  	v19 =	vor.u32 v0, v17;
	v18 =	vld [tilespmem:s30+$0x0];
	_ =	sdelay $0x4  }
0x2e: {  	[tilespmem:v19+s14+$0x0] =	vst.idx.msk $0xffff, v18  }
0x2f: {  	v19 =	vor.u32 v2, v17;
	v18 =	vld [tilespmem:s30+$0x80];
	_ =	sdelay $0x4  }
0x30: {  	[tilespmem:v19+s14+$0x0] =	vst.idx.msk $0xffff, v18  }
0x31: {  	v19 =	vor.u32 v3, v17;
	v18 =	vld [tilespmem:s30+$0x100];
	_ =	sdelay $0x4  }
0x32: {  	[tilespmem:v19+s14+$0x0] =	vst.idx.msk $0xffff, v18  }
0x33: {  	v19 =	vor.u32 v4, v17;
	v18 =	vld [tilespmem:s30+$0x180];
	_ =	sdelay $0x4  }
0x34: {  	[tilespmem:v19+s14+$0x0] =	vst.idx.msk $0xffff, v18  }
0x35: {  	v19 =	vor.u32 v5, v17;
	v18 =	vld [tilespmem:s30+$0x200];
	_ =	sdelay $0x4  }
0x36: {  	[tilespmem:v19+s14+$0x0] =	vst.idx.msk $0xffff, v18  }
0x37: {  	v19 =	vor.u32 v6, v17;
	v18 =	vld [tilespmem:s30+$0x280];
	_ =	sdelay $0x4  }
0x38: {  	[tilespmem:v19+s14+$0x0] =	vst.idx.msk $0xffff, v18  }
0x39: {  	v19 =	vor.u32 v7, v17;
	v18 =	vld [tilespmem:s30+$0x300];
	_ =	sdelay $0x1  }
0x3a: {  	s31 =	sand.u32 $0x7, s24  }
0x3b: {  	s26 =	sshll.u32 s31, $0x4  }
0x3c: {  	s26 =	sadd.s32 $0x0, s26  }
0x3d: {  	s26 =	sor.u32 $0x380, s26;
	[tilespmem:v19+s14+$0x0] =	vst.idx.msk $0xffff, v18  }
0x3e: {  	v19 =	vor.u32 v8, v17;
	v18 =	vld [tilespmem:s26+$0x0];
	_ =	sdelay $0x4  }
0x3f: {  	[tilespmem:v19+s14+$0x0] =	vst.idx.msk $0xffff, v18  }
0x40: {  	v19 =	vor.u32 v9, v17;
	v18 =	vld [tilespmem:s30+$0x3800];
	_ =	sdelay $0x4  }
0x41: {  	[tilespmem:v19+s14+$0x0] =	vst.idx.msk $0xffff, v18  }
0x42: {  	v19 =	vor.u32 v10, v17;
	v18 =	vld [tilespmem:s30+$0x3880];
	_ =	sdelay $0x4  }
0x43: {  	[tilespmem:v19+s14+$0x0] =	vst.idx.msk $0xffff, v18  }
0x44: {  	v19 =	vor.u32 v11, v17;
	v18 =	vld [tilespmem:s30+$0x3900];
	_ =	sdelay $0x4  }
0x45: {  	[tilespmem:v19+s14+$0x0] =	vst.idx.msk $0xffff, v18  }
0x46: {  	v19 =	vor.u32 v12, v17;
	v18 =	vld [tilespmem:s30+$0x3980];
	_ =	sdelay $0x4  }
0x47: {  	[tilespmem:v19+s14+$0x0] =	vst.idx.msk $0xffff, v18  }
0x48: {  	v19 =	vor.u32 v13, v17;
	v18 =	vld [tilespmem:s30+$0x3A00];
	_ =	sdelay $0x4  }
0x49: {  	[tilespmem:v19+s14+$0x0] =	vst.idx.msk $0xffff, v18  }
0x4a: {  	v19 =	vor.u32 v14, v17;
	v18 =	vld [tilespmem:s30+$0x3A80];
	_ =	sdelay $0x4  }
0x4b: {  	[tilespmem:v19+s14+$0x0] =	vst.idx.msk $0xffff, v18  }
0x4c: {  	v19 =	vor.u32 v15, v17;
	v18 =	vld [tilespmem:s30+$0x3B00];
	_ =	sdelay $0x4  }
0x4d: {  	[tilespmem:v19+s14+$0x0] =	vst.idx.msk $0xffff, v18  }
0x4e: {  	v19 =	vor.u32 v16, v17;
	v18 =	vld [tilespmem:s30+$0x3B80]  }
0x4f: {  	s26 =	simm.s32 $0x10  }
0x50: {  	s28 =	simm.s32 $0x20;
	s25 =	simm.s32 $0x0;
	v17 =	vmov s26  }
.LBB2_4:
0x51: {  	p2 =	sne.s32 s28, $0x6F0;
	v17 =	vshll.u32 v17, $0x4;
	s24 =	sadd.s32 $0x80, s24  }
0x52: {  	s29 =	sand.u32 $0x70, s26;
	s26 =	smov.u32 s28;
	s30 =	sand.u32 $0x3C00, s24;
	v17 =	vor.u32 v1, v17  }
0x53: {  	s29 =	sor.u32 s29, s30;
	v17 =	vand.u32 $0x7F80, v17;
	[tilespmem:v19+s14+$0x0] =	vst.idx.msk $0xffff, v18  }
0x54: {  	v18 =	vld [tilespmem:s29+$0x0];
	v19 =	vor.u32 v0, v17;
	_ =	sdelay $0x4  }
0x55: {  	[tilespmem:v19+s14+$0x0] =	vst.idx.msk $0xffff, v18  }
0x56: {  	v19 =	vor.u32 v2, v17;
	v18 =	vld [tilespmem:s29+$0x80];
	_ =	sdelay $0x4  }
0x57: {  	[tilespmem:v19+s14+$0x0] =	vst.idx.msk $0xffff, v18  }
0x58: {  	v19 =	vor.u32 v3, v17;
	v18 =	vld [tilespmem:s29+$0x100];
	_ =	sdelay $0x4  }
0x59: {  	[tilespmem:v19+s14+$0x0] =	vst.idx.msk $0xffff, v18  }
0x5a: {  	v19 =	vor.u32 v4, v17;
	v18 =	vld [tilespmem:s29+$0x180];
	_ =	sdelay $0x4  }
0x5b: {  	[tilespmem:v19+s14+$0x0] =	vst.idx.msk $0xffff, v18  }
0x5c: {  	v19 =	vor.u32 v5, v17;
	v18 =	vld [tilespmem:s29+$0x200];
	_ =	sdelay $0x4  }
0x5d: {  	[tilespmem:v19+s14+$0x0] =	vst.idx.msk $0xffff, v18  }
0x5e: {  	v19 =	vor.u32 v6, v17;
	v18 =	vld [tilespmem:s29+$0x280];
	_ =	sdelay $0x4  }
0x5f: {  	[tilespmem:v19+s14+$0x0] =	vst.idx.msk $0xffff, v18  }
0x60: {  	v19 =	vor.u32 v7, v17;
	v18 =	vld [tilespmem:s29+$0x300]  }
0x61: {  	s25 =	sadd.s32 $0x1, s25  }
0x62: {  	s30 =	sand.u32 $0x7, s25  }
0x63: {  	s30 =	sshll.u32 s30, $0x4  }
0x64: {  	s30 =	sadd.s32 s30, s24  }
0x65: {  	s30 =	sor.u32 $0x380, s30;
	[tilespmem:v19+s14+$0x0] =	vst.idx.msk $0xffff, v18  }
0x66: {  	v19 =	vor.u32 v8, v17;
	v18 =	vld [tilespmem:s30+$0x0];
	_ =	sdelay $0x4  }
0x67: {  	[tilespmem:v19+s14+$0x0] =	vst.idx.msk $0xffff, v18  }
0x68: {  	v19 =	vor.u32 v9, v17;
	v18 =	vld [tilespmem:s29+$0x3800];
	_ =	sdelay $0x4  }
0x69: {  	[tilespmem:v19+s14+$0x0] =	vst.idx.msk $0xffff, v18  }
0x6a: {  	v19 =	vor.u32 v10, v17;
	v18 =	vld [tilespmem:s29+$0x3880];
	_ =	sdelay $0x4  }
0x6b: {  	[tilespmem:v19+s14+$0x0] =	vst.idx.msk $0xffff, v18  }
0x6c: {  	v19 =	vor.u32 v11, v17;
	v18 =	vld [tilespmem:s29+$0x3900];
	_ =	sdelay $0x4  }
0x6d: {  	[tilespmem:v19+s14+$0x0] =	vst.idx.msk $0xffff, v18  }
0x6e: {  	v19 =	vor.u32 v12, v17;
	v18 =	vld [tilespmem:s29+$0x3980];
	_ =	sdelay $0x4  }
0x6f: {  	[tilespmem:v19+s14+$0x0] =	vst.idx.msk $0xffff, v18  }
0x70: {  	v19 =	vor.u32 v13, v17;
	v18 =	vld [tilespmem:s29+$0x3A00];
	_ =	sdelay $0x4  }
0x71: {  	[tilespmem:v19+s14+$0x0] =	vst.idx.msk $0xffff, v18  }
0x72: {  	v19 =	vor.u32 v14, v17;
	v18 =	vld [tilespmem:s29+$0x3A80];
	_ =	sdelay $0x4  }
0x73: {  	[tilespmem:v19+s14+$0x0] =	vst.idx.msk $0xffff, v18  }
0x74: {  	v19 =	vor.u32 v15, v17;
	v18 =	vld [tilespmem:s29+$0x3B00];
	_ =	sdelay $0x3  }
.Ltmp5:
0x75: {  	(pc) =	sbr.rel @p2 .LBB2_4-.Ltmp5, $3  }
0x76: {  	[tilespmem:v19+s14+$0x0] =	vst.idx.msk $0xffff, v18  }
0x77: {  	v19 =	vor.u32 v16, v17;
	v18 =	vld [tilespmem:s29+$0x3B80];
	_ =	sdelay $0x1  }
0x78: {  	s28 =	sadd.s32 $0x10, s28;
	v17 =	vmov s26  }
0x79: {  	_ =	sdelay $0x1  }
0x7a: {  	v17 =	vshll.u32 v17, $0x4;
	s24 =	sadd.s32 $0x80, s24  }
0x7b: {  	s26 =	sand.u32 $0x70, s26;
	s28 =	sand.u32 $0x3C00, s24;
	v17 =	vor.u32 v1, v17  }
0x7c: {  	s26 =	sor.u32 s26, s28;
	v17 =	vand.u32 $0x7F80, v17;
	[tilespmem:v19+s14+$0x0] =	vst.idx.msk $0xffff, v18  }
0x7d: {  	v18 =	vld [tilespmem:s26+$0x0];
	v19 =	vor.u32 v0, v17;
	_ =	sdelay $0x4  }
0x7e: {  	[tilespmem:v19+s14+$0x0] =	vst.idx.msk $0xffff, v18  }
0x7f: {  	v19 =	vor.u32 v2, v17;
	v18 =	vld [tilespmem:s26+$0x80];
	_ =	sdelay $0x4  }
0x80: {  	[tilespmem:v19+s14+$0x0] =	vst.idx.msk $0xffff, v18  }
0x81: {  	v19 =	vor.u32 v3, v17;
	v18 =	vld [tilespmem:s26+$0x100];
	_ =	sdelay $0x4  }
0x82: {  	[tilespmem:v19+s14+$0x0] =	vst.idx.msk $0xffff, v18  }
0x83: {  	v19 =	vor.u32 v4, v17;
	v18 =	vld [tilespmem:s26+$0x180];
	_ =	sdelay $0x4  }
0x84: {  	[tilespmem:v19+s14+$0x0] =	vst.idx.msk $0xffff, v18  }
0x85: {  	v19 =	vor.u32 v5, v17;
	v18 =	vld [tilespmem:s26+$0x200];
	_ =	sdelay $0x4  }
0x86: {  	[tilespmem:v19+s14+$0x0] =	vst.idx.msk $0xffff, v18  }
0x87: {  	v19 =	vor.u32 v6, v17;
	v18 =	vld [tilespmem:s26+$0x280];
	_ =	sdelay $0x4  }
0x88: {  	[tilespmem:v19+s14+$0x0] =	vst.idx.msk $0xffff, v18  }
0x89: {  	v19 =	vor.u32 v7, v17;
	v18 =	vld [tilespmem:s26+$0x300]  }
0x8a: {  	s25 =	sadd.s32 $0x1, s25  }
0x8b: {  	s25 =	sand.u32 $0x7, s25  }
0x8c: {  	s25 =	sshll.u32 s25, $0x4  }
0x8d: {  	s24 =	sadd.s32 s25, s24  }
0x8e: {  	s24 =	sor.u32 $0x380, s24;
	[tilespmem:v19+s14+$0x0] =	vst.idx.msk $0xffff, v18  }
0x8f: {  	v19 =	vor.u32 v8, v17;
	v18 =	vld [tilespmem:s24+$0x0];
	_ =	sdelay $0x4  }
0x90: {  	[tilespmem:v19+s14+$0x0] =	vst.idx.msk $0xffff, v18  }
0x91: {  	v19 =	vor.u32 v9, v17;
	v18 =	vld [tilespmem:s26+$0x3800];
	_ =	sdelay $0x4  }
0x92: {  	[tilespmem:v19+s14+$0x0] =	vst.idx.msk $0xffff, v18  }
0x93: {  	v19 =	vor.u32 v10, v17;
	v18 =	vld [tilespmem:s26+$0x3880];
	_ =	sdelay $0x4  }
0x94: {  	[tilespmem:v19+s14+$0x0] =	vst.idx.msk $0xffff, v18  }
0x95: {  	v19 =	vor.u32 v11, v17;
	v18 =	vld [tilespmem:s26+$0x3900];
	_ =	sdelay $0x4  }
0x96: {  	[tilespmem:v19+s14+$0x0] =	vst.idx.msk $0xffff, v18  }
0x97: {  	v19 =	vor.u32 v12, v17;
	v18 =	vld [tilespmem:s26+$0x3980];
	_ =	sdelay $0x4  }
0x98: {  	[tilespmem:v19+s14+$0x0] =	vst.idx.msk $0xffff, v18  }
0x99: {  	v19 =	vor.u32 v13, v17;
	v18 =	vld [tilespmem:s26+$0x3A00];
	_ =	sdelay $0x4  }
0x9a: {  	[tilespmem:v19+s14+$0x0] =	vst.idx.msk $0xffff, v18  }
0x9b: {  	v19 =	vor.u32 v14, v17;
	v18 =	vld [tilespmem:s26+$0x3A80];
	_ =	sdelay $0x4  }
0x9c: {  	[tilespmem:v19+s14+$0x0] =	vst.idx.msk $0xffff, v18  }
0x9d: {  	v19 =	vor.u32 v15, v17;
	v18 =	vld [tilespmem:s26+$0x3B00];
	_ =	sdelay $0x4  }
0x9e: {  	[tilespmem:v19+s14+$0x0] =	vst.idx.msk $0xffff, v18  }
0x9f: {  	v17 =	vor.u32 v16, v17;
	v18 =	vld [tilespmem:s26+$0x3B80]  }
0xa0: {  	s31 =	sshll.u32 s21, $0x6;
	s23 =	sadd.s32 $0x2, s23  }
0xa1: {  	p2 =	sge.u32 s23, s7;
	s24 =	sor.u32 s5, s31  }
0xa2: {  	s23 =	sshll.u32 @!p2 s23, $0x5;
	s24 =	smul.u32 $0xE00, s24  }
0xa3: {  	s23 =	sor.u32 @!p2 s5, s23  }
0xa4: {  	s25 =	simm.s32 @!p2 $0x7A1400;
	s23 =	smul.u32 @!p2 $0x700, s23;
	s24 =	sadd.s32 s6, s24;
	[tilespmem:v17+s14+$0x0] =	vst.idx.msk $0xffff, v18  }
0xa5: {  	[hbm4b:s24+s4] =	stream.linear.scatter [tilespmem:s14], [sflag:$0x3], $0x7000, $0x38;
	[tilespmem:$0x1C000] =	vst v63  }
0xa6: {  	s23 =	sadd.s32 @!p2 s1, s23;
	s26 =	simm.s32 @!p2 $0x0;
	s24 =	simm.s32 @!p2 $0x3800  }
0xa7: {  	[tilespmem:s26], [sflag:$0x1] =	stream.strided.gather @!p2 [hbm4b:s23+s24], $0x7000, s25, s24, $0x38;
	[tilespmem:$0x1C000] =	vst v63  }
.LBB2_6:
.Ltmp6:
0xa8: {  	(pc) =	sbr.rel @p1 .LBB2_10-.Ltmp6, $1  }
0xa9: {  	_ =	sdelay $0x3  }
0xaa: {  	_ =	swait.ge [sflag:s15], $0x7000  }
0xab: {  	p1 =	seq.s32 s21, $0x0;
	s23 =	simm.s32 $0x0;
	[sflag:s15] =	ssyncset.done $0x0  }
0xac: {  	s24 =	simm.s32 @!p1 $0x4;
	v17 =	vmov s23;
	[sflag:s15] =	ssyncadd.s32 $0xFFFF9000  }
0xad: {  	v17 =	vshll.u32 v17, $0x4;
	_ =	swait.ge @!p1 [sflag:s24], $0x7000  }
0xae: {  	s25 =	sand.u32 $0x70, s23;
	s26 =	sand.u32 $0x3C00, s23;
	v17 =	vor.u32 v1, v17;
	[sflag:s24] =	ssyncset.done @!p1 $0x0  }
0xaf: {  	s30 =	sor.u32 s25, s26;
	v17 =	vand.u32 $0x7F80, v17;
	[sflag:s24] =	ssyncadd.s32 @!p1 $0xFFFF9000  }
0xb0: {  	v19 =	vor.u32 v0, v17;
	v18 =	vld [tilespmem:s30+$0x7000];
	_ =	sdelay $0x4  }
0xb1: {  	[tilespmem:v19+s16+$0x0] =	vst.idx.msk $0xffff, v18  }
0xb2: {  	v19 =	vor.u32 v2, v17;
	v18 =	vld [tilespmem:s30+$0x7080];
	_ =	sdelay $0x4  }
0xb3: {  	[tilespmem:v19+s16+$0x0] =	vst.idx.msk $0xffff, v18  }
0xb4: {  	v19 =	vor.u32 v3, v17;
	v18 =	vld [tilespmem:s30+$0x7100];
	_ =	sdelay $0x4  }
0xb5: {  	[tilespmem:v19+s16+$0x0] =	vst.idx.msk $0xffff, v18  }
0xb6: {  	v19 =	vor.u32 v4, v17;
	v18 =	vld [tilespmem:s30+$0x7180];
	_ =	sdelay $0x4  }
0xb7: {  	[tilespmem:v19+s16+$0x0] =	vst.idx.msk $0xffff, v18  }
0xb8: {  	v19 =	vor.u32 v5, v17;
	v18 =	vld [tilespmem:s30+$0x7200];
	_ =	sdelay $0x4  }
0xb9: {  	[tilespmem:v19+s16+$0x0] =	vst.idx.msk $0xffff, v18  }
0xba: {  	v19 =	vor.u32 v6, v17;
	v18 =	vld [tilespmem:s30+$0x7280];
	_ =	sdelay $0x4  }
0xbb: {  	[tilespmem:v19+s16+$0x0] =	vst.idx.msk $0xffff, v18  }
0xbc: {  	v19 =	vor.u32 v7, v17;
	v18 =	vld [tilespmem:s30+$0x7300];
	_ =	sdelay $0x1  }
0xbd: {  	s31 =	sand.u32 $0x7, s23  }
0xbe: {  	s25 =	sshll.u32 s31, $0x4  }
0xbf: {  	s25 =	sadd.s32 $0x0, s25  }
0xc0: {  	s25 =	sor.u32 $0x380, s25;
	[tilespmem:v19+s16+$0x0] =	vst.idx.msk $0xffff, v18  }
0xc1: {  	v19 =	vor.u32 v8, v17;
	v18 =	vld [tilespmem:s25+$0x7000];
	_ =	sdelay $0x4  }
0xc2: {  	[tilespmem:v19+s16+$0x0] =	vst.idx.msk $0xffff, v18  }
0xc3: {  	v19 =	vor.u32 v9, v17;
	v18 =	vld [tilespmem:s30+$0xA800];
	_ =	sdelay $0x4  }
0xc4: {  	[tilespmem:v19+s16+$0x0] =	vst.idx.msk $0xffff, v18  }
0xc5: {  	v19 =	vor.u32 v10, v17;
	v18 =	vld [tilespmem:s30+$0xA880];
	_ =	sdelay $0x4  }
0xc6: {  	[tilespmem:v19+s16+$0x0] =	vst.idx.msk $0xffff, v18  }
0xc7: {  	v19 =	vor.u32 v11, v17;
	v18 =	vld [tilespmem:s30+$0xA900];
	_ =	sdelay $0x4  }
0xc8: {  	[tilespmem:v19+s16+$0x0] =	vst.idx.msk $0xffff, v18  }
0xc9: {  	v19 =	vor.u32 v12, v17;
	v18 =	vld [tilespmem:s30+$0xA980];
	_ =	sdelay $0x4  }
0xca: {  	[tilespmem:v19+s16+$0x0] =	vst.idx.msk $0xffff, v18  }
0xcb: {  	v19 =	vor.u32 v13, v17;
	v18 =	vld [tilespmem:s30+$0xAA00];
	_ =	sdelay $0x4  }
0xcc: {  	[tilespmem:v19+s16+$0x0] =	vst.idx.msk $0xffff, v18  }
0xcd: {  	v19 =	vor.u32 v14, v17;
	v18 =	vld [tilespmem:s30+$0xAA80];
	_ =	sdelay $0x4  }
0xce: {  	[tilespmem:v19+s16+$0x0] =	vst.idx.msk $0xffff, v18  }
0xcf: {  	v19 =	vor.u32 v15, v17;
	v18 =	vld [tilespmem:s30+$0xAB00];
	_ =	sdelay $0x4  }
0xd0: {  	[tilespmem:v19+s16+$0x0] =	vst.idx.msk $0xffff, v18  }
0xd1: {  	v19 =	vor.u32 v16, v17;
	v18 =	vld [tilespmem:s30+$0xAB80]  }
0xd2: {  	s25 =	simm.s32 $0x10  }
0xd3: {  	s26 =	simm.s32 $0x20;
	s24 =	simm.s32 $0x0;
	v17 =	vmov s25  }
.LBB2_8:
0xd4: {  	p1 =	sne.s32 s26, $0x6F0;
	v17 =	vshll.u32 v17, $0x4;
	s23 =	sadd.s32 $0x80, s23  }
0xd5: {  	s28 =	sand.u32 $0x70, s25;
	s25 =	smov.u32 s26;
	s29 =	sand.u32 $0x3C00, s23;
	v17 =	vor.u32 v1, v17  }
0xd6: {  	s28 =	sor.u32 s28, s29;
	v17 =	vand.u32 $0x7F80, v17;
	[tilespmem:v19+s16+$0x0] =	vst.idx.msk $0xffff, v18  }
0xd7: {  	v18 =	vld [tilespmem:s28+$0x7000];
	v19 =	vor.u32 v0, v17;
	_ =	sdelay $0x4  }
0xd8: {  	[tilespmem:v19+s16+$0x0] =	vst.idx.msk $0xffff, v18  }
0xd9: {  	v19 =	vor.u32 v2, v17;
	v18 =	vld [tilespmem:s28+$0x7080];
	_ =	sdelay $0x4  }
0xda: {  	[tilespmem:v19+s16+$0x0] =	vst.idx.msk $0xffff, v18  }
0xdb: {  	v19 =	vor.u32 v3, v17;
	v18 =	vld [tilespmem:s28+$0x7100];
	_ =	sdelay $0x4  }
0xdc: {  	[tilespmem:v19+s16+$0x0] =	vst.idx.msk $0xffff, v18  }
0xdd: {  	v19 =	vor.u32 v4, v17;
	v18 =	vld [tilespmem:s28+$0x7180];
	_ =	sdelay $0x4  }
0xde: {  	[tilespmem:v19+s16+$0x0] =	vst.idx.msk $0xffff, v18  }
0xdf: {  	v19 =	vor.u32 v5, v17;
	v18 =	vld [tilespmem:s28+$0x7200];
	_ =	sdelay $0x4  }
0xe0: {  	[tilespmem:v19+s16+$0x0] =	vst.idx.msk $0xffff, v18  }
0xe1: {  	v19 =	vor.u32 v6, v17;
	v18 =	vld [tilespmem:s28+$0x7280];
	_ =	sdelay $0x4  }
0xe2: {  	[tilespmem:v19+s16+$0x0] =	vst.idx.msk $0xffff, v18  }
0xe3: {  	v19 =	vor.u32 v7, v17;
	v18 =	vld [tilespmem:s28+$0x7300]  }
0xe4: {  	s24 =	sadd.s32 $0x1, s24  }
0xe5: {  	s29 =	sand.u32 $0x7, s24  }
0xe6: {  	s29 =	sshll.u32 s29, $0x4  }
0xe7: {  	s29 =	sadd.s32 s29, s23  }
0xe8: {  	s29 =	sor.u32 $0x380, s29;
	[tilespmem:v19+s16+$0x0] =	vst.idx.msk $0xffff, v18  }
0xe9: {  	v19 =	vor.u32 v8, v17;
	v18 =	vld [tilespmem:s29+$0x7000];
	_ =	sdelay $0x4  }
0xea: {  	[tilespmem:v19+s16+$0x0] =	vst.idx.msk $0xffff, v18  }
0xeb: {  	v19 =	vor.u32 v9, v17;
	v18 =	vld [tilespmem:s28+$0xA800];
	_ =	sdelay $0x4  }
0xec: {  	[tilespmem:v19+s16+$0x0] =	vst.idx.msk $0xffff, v18  }
0xed: {  	v19 =	vor.u32 v10, v17;
	v18 =	vld [tilespmem:s28+$0xA880];
	_ =	sdelay $0x4  }
0xee: {  	[tilespmem:v19+s16+$0x0] =	vst.idx.msk $0xffff, v18  }
0xef: {  	v19 =	vor.u32 v11, v17;
	v18 =	vld [tilespmem:s28+$0xA900];
	_ =	sdelay $0x4  }
0xf0: {  	[tilespmem:v19+s16+$0x0] =	vst.idx.msk $0xffff, v18  }
0xf1: {  	v19 =	vor.u32 v12, v17;
	v18 =	vld [tilespmem:s28+$0xA980];
	_ =	sdelay $0x4  }
0xf2: {  	[tilespmem:v19+s16+$0x0] =	vst.idx.msk $0xffff, v18  }
0xf3: {  	v19 =	vor.u32 v13, v17;
	v18 =	vld [tilespmem:s28+$0xAA00];
	_ =	sdelay $0x4  }
0xf4: {  	[tilespmem:v19+s16+$0x0] =	vst.idx.msk $0xffff, v18  }
0xf5: {  	v19 =	vor.u32 v14, v17;
	v18 =	vld [tilespmem:s28+$0xAA80];
	_ =	sdelay $0x4  }
0xf6: {  	[tilespmem:v19+s16+$0x0] =	vst.idx.msk $0xffff, v18  }
0xf7: {  	v19 =	vor.u32 v15, v17;
	v18 =	vld [tilespmem:s28+$0xAB00];
	_ =	sdelay $0x3  }
.Ltmp7:
0xf8: {  	(pc) =	sbr.rel @p1 .LBB2_8-.Ltmp7, $3  }
0xf9: {  	[tilespmem:v19+s16+$0x0] =	vst.idx.msk $0xffff, v18  }
0xfa: {  	v19 =	vor.u32 v16, v17;
	v18 =	vld [tilespmem:s28+$0xAB80];
	_ =	sdelay $0x1  }
0xfb: {  	s26 =	sadd.s32 $0x10, s26;
	v17 =	vmov s25  }
0xfc: {  	_ =	sdelay $0x1  }
0xfd: {  	v17 =	vshll.u32 v17, $0x4;
	s23 =	sadd.s32 $0x80, s23  }
0xfe: {  	s25 =	sand.u32 $0x70, s25;
	s26 =	sand.u32 $0x3C00, s23;
	v17 =	vor.u32 v1, v17  }
0xff: {  	s25 =	sor.u32 s25, s26;
	v17 =	vand.u32 $0x7F80, v17;
	[tilespmem:v19+s16+$0x0] =	vst.idx.msk $0xffff, v18  }
0x100: {  	v18 =	vld [tilespmem:s25+$0x7000];
	v19 =	vor.u32 v0, v17;
	_ =	sdelay $0x4  }
0x101: {  	[tilespmem:v19+s16+$0x0] =	vst.idx.msk $0xffff, v18  }
0x102: {  	v19 =	vor.u32 v2, v17;
	v18 =	vld [tilespmem:s25+$0x7080];
	_ =	sdelay $0x4  }
0x103: {  	[tilespmem:v19+s16+$0x0] =	vst.idx.msk $0xffff, v18  }
0x104: {  	v19 =	vor.u32 v3, v17;
	v18 =	vld [tilespmem:s25+$0x7100];
	_ =	sdelay $0x4  }
0x105: {  	[tilespmem:v19+s16+$0x0] =	vst.idx.msk $0xffff, v18  }
0x106: {  	v19 =	vor.u32 v4, v17;
	v18 =	vld [tilespmem:s25+$0x7180];
	_ =	sdelay $0x4  }
0x107: {  	[tilespmem:v19+s16+$0x0] =	vst.idx.msk $0xffff, v18  }
0x108: {  	v19 =	vor.u32 v5, v17;
	v18 =	vld [tilespmem:s25+$0x7200];
	_ =	sdelay $0x4  }
0x109: {  	[tilespmem:v19+s16+$0x0] =	vst.idx.msk $0xffff, v18  }
0x10a: {  	v19 =	vor.u32 v6, v17;
	v18 =	vld [tilespmem:s25+$0x7280];
	_ =	sdelay $0x4  }
0x10b: {  	[tilespmem:v19+s16+$0x0] =	vst.idx.msk $0xffff, v18  }
0x10c: {  	v19 =	vor.u32 v7, v17;
	v18 =	vld [tilespmem:s25+$0x7300]  }
0x10d: {  	s24 =	sadd.s32 $0x1, s24  }
0x10e: {  	s24 =	sand.u32 $0x7, s24  }
0x10f: {  	s24 =	sshll.u32 s24, $0x4  }
0x110: {  	s23 =	sadd.s32 s24, s23  }
0x111: {  	s23 =	sor.u32 $0x380, s23;
	[tilespmem:v19+s16+$0x0] =	vst.idx.msk $0xffff, v18  }
0x112: {  	v19 =	vor.u32 v8, v17;
	v18 =	vld [tilespmem:s23+$0x7000];
	_ =	sdelay $0x4  }
0x113: {  	[tilespmem:v19+s16+$0x0] =	vst.idx.msk $0xffff, v18  }
0x114: {  	v19 =	vor.u32 v9, v17;
	v18 =	vld [tilespmem:s25+$0xA800];
	_ =	sdelay $0x4  }
0x115: {  	[tilespmem:v19+s16+$0x0] =	vst.idx.msk $0xffff, v18  }
0x116: {  	v19 =	vor.u32 v10, v17;
	v18 =	vld [tilespmem:s25+$0xA880];
	_ =	sdelay $0x4  }
0x117: {  	[tilespmem:v19+s16+$0x0] =	vst.idx.msk $0xffff, v18  }
0x118: {  	v19 =	vor.u32 v11, v17;
	v18 =	vld [tilespmem:s25+$0xA900];
	_ =	sdelay $0x4  }
0x119: {  	[tilespmem:v19+s16+$0x0] =	vst.idx.msk $0xffff, v18  }
0x11a: {  	v19 =	vor.u32 v12, v17;
	v18 =	vld [tilespmem:s25+$0xA980];
	_ =	sdelay $0x4  }
0x11b: {  	[tilespmem:v19+s16+$0x0] =	vst.idx.msk $0xffff, v18  }
0x11c: {  	v19 =	vor.u32 v13, v17;
	v18 =	vld [tilespmem:s25+$0xAA00];
	_ =	sdelay $0x4  }
0x11d: {  	[tilespmem:v19+s16+$0x0] =	vst.idx.msk $0xffff, v18  }
0x11e: {  	v19 =	vor.u32 v14, v17;
	v18 =	vld [tilespmem:s25+$0xAA80];
	_ =	sdelay $0x4  }
0x11f: {  	[tilespmem:v19+s16+$0x0] =	vst.idx.msk $0xffff, v18  }
0x120: {  	v19 =	vor.u32 v15, v17;
	v18 =	vld [tilespmem:s25+$0xAB00];
	_ =	sdelay $0x4  }
0x121: {  	[tilespmem:v19+s16+$0x0] =	vst.idx.msk $0xffff, v18  }
0x122: {  	v17 =	vor.u32 v16, v17;
	v18 =	vld [tilespmem:s25+$0xAB80]  }
0x123: {  	s22 =	sshll.u32 s22, $0x5  }
.Ltmp8:
0x124: {  	s22 =	sor.u32 s5, s22;
	(pc) =	sbr.rel .LBB2_10-.Ltmp8, $3  }
0x125: {  	s22 =	smul.u32 $0xE00, s22;
	_ =	sdelay $0x1  }
0x126: {  	s22 =	sadd.s32 s6, s22;
	[tilespmem:v17+s16+$0x0] =	vst.idx.msk $0xffff, v18  }
0x127: {  	[hbm4b:s22+s4] =	stream.linear.scatter [tilespmem:s16], [sflag:$0x4], $0x7000, $0x38;
	[tilespmem:$0x1C000] =	vst v63  }
.LBB2_11:
0x128: {  	_ =	swait.ge [sflag:s17], $0x7000  }
.Ltmp9:
0x129: {  	[sflag:s17] =	ssyncset.done $0x0;
	(pc) =	sbr.rel @p0 .LBB2_15-.Ltmp9, $4  }
0x12a: {  	[sflag:s17] =	ssyncadd.s32 $0xFFFF9000  }
0x12b: {  	_ =	swait.ge [sflag:s18], $0x7000  }
0x12c: {  	[sflag:s18] =	ssyncset.done $0x0  }
0x12d: {  	[sflag:s18] =	ssyncadd.s32 $0xFFFF9000  }
0x12e: {  	s21 =	simm.s32 $0x0  }
0x12f: {  	[tilespmem:s21], [sflag:$0x5] =	stream.linear.gather [hbm4b:s2+s21], $0x7000, $0x38;
	v17 =	vmov s21;
	[tilespmem:$0x1C000] =	vst v63  }
0x130: {  	_ =	swait.ge [sflag:s19], $0x7000;
	v17 =	vshll.u32 v17, $0x4  }
0x131: {  	[sflag:s19] =	ssyncset.done $0x0;
	v17 =	vor.u32 v1, v17  }
0x132: {  	s21 =	simm.s32 $0x3B80;
	[sflag:s19] =	ssyncadd.s32 $0xFFFF9000;
	v17 =	vand.u32 $0x380, v17  }
0x133: {  	v18 =	vld [tilespmem:s21+$0xFFFFC480];
	v19 =	vor.u32 v0, v17;
	_ =	sdelay $0x4  }
0x134: {  	[tilespmem:v19+s14+$0x0] =	vst.idx.msk $0xffff, v18  }
0x135: {  	v19 =	vor.u32 v2, v17;
	v18 =	vld [tilespmem:s21+$0xFFFFC500];
	_ =	sdelay $0x4  }
0x136: {  	[tilespmem:v19+s14+$0x0] =	vst.idx.msk $0xffff, v18  }
0x137: {  	v19 =	vor.u32 v3, v17;
	v18 =	vld [tilespmem:s21+$0xFFFFC580];
	_ =	sdelay $0x4  }
0x138: {  	[tilespmem:v19+s14+$0x0] =	vst.idx.msk $0xffff, v18  }
0x139: {  	v19 =	vor.u32 v4, v17;
	v18 =	vld [tilespmem:s21+$0xFFFFC600];
	_ =	sdelay $0x4  }
0x13a: {  	[tilespmem:v19+s14+$0x0] =	vst.idx.msk $0xffff, v18  }
0x13b: {  	v19 =	vor.u32 v5, v17;
	v18 =	vld [tilespmem:s21+$0xFFFFC680];
	_ =	sdelay $0x4  }
0x13c: {  	[tilespmem:v19+s14+$0x0] =	vst.idx.msk $0xffff, v18  }
0x13d: {  	v19 =	vor.u32 v6, v17;
	v18 =	vld [tilespmem:s21+$0xFFFFC700];
	_ =	sdelay $0x4  }
0x13e: {  	[tilespmem:v19+s14+$0x0] =	vst.idx.msk $0xffff, v18  }
0x13f: {  	v19 =	vor.u32 v7, v17;
	v18 =	vld [tilespmem:s21+$0xFFFFC780];
	_ =	sdelay $0x4  }
0x140: {  	[tilespmem:v19+s14+$0x0] =	vst.idx.msk $0xffff, v18  }
0x141: {  	v19 =	vor.u32 v8, v17;
	v18 =	vld [tilespmem:s21+$0xFFFFC800];
	_ =	sdelay $0x4  }
0x142: {  	[tilespmem:v19+s14+$0x0] =	vst.idx.msk $0xffff, v18  }
0x143: {  	v19 =	vor.u32 v9, v17;
	v18 =	vld [tilespmem:s21+$0xFFFFFC80];
	_ =	sdelay $0x4  }
0x144: {  	[tilespmem:v19+s14+$0x0] =	vst.idx.msk $0xffff, v18  }
0x145: {  	v19 =	vor.u32 v10, v17;
	v18 =	vld [tilespmem:s21+$0xFFFFFD00];
	_ =	sdelay $0x4  }
0x146: {  	[tilespmem:v19+s14+$0x0] =	vst.idx.msk $0xffff, v18  }
0x147: {  	v19 =	vor.u32 v11, v17;
	v18 =	vld [tilespmem:s21+$0xFFFFFD80];
	_ =	sdelay $0x4  }
0x148: {  	[tilespmem:v19+s14+$0x0] =	vst.idx.msk $0xffff, v18  }
0x149: {  	v19 =	vor.u32 v12, v17;
	v18 =	vld [tilespmem:s21+$0xFFFFFE00];
	_ =	sdelay $0x4  }
0x14a: {  	[tilespmem:v19+s14+$0x0] =	vst.idx.msk $0xffff, v18  }
0x14b: {  	v19 =	vor.u32 v13, v17;
	v18 =	vld [tilespmem:s21+$0xFFFFFE80];
	_ =	sdelay $0x4  }
0x14c: {  	[tilespmem:v19+s14+$0x0] =	vst.idx.msk $0xffff, v18  }
0x14d: {  	v19 =	vor.u32 v14, v17;
	v18 =	vld [tilespmem:s21+$0xFFFFFF00];
	_ =	sdelay $0x4  }
0x14e: {  	[tilespmem:v19+s14+$0x0] =	vst.idx.msk $0xffff, v18  }
0x14f: {  	v19 =	vor.u32 v15, v17;
	v18 =	vld [tilespmem:s21+$0xFFFFFF80];
	_ =	sdelay $0x4  }
0x150: {  	[tilespmem:v19+s14+$0x0] =	vst.idx.msk $0xffff, v18  }
0x151: {  	v19 =	vor.u32 v16, v17;
	v18 =	vld [tilespmem:s21+$0x0]  }
0x152: {  	s22 =	simm.s32 $0x10  }
0x153: {  	v17 =	vmov s22;
	s22 =	simm.s32 $0x20  }
.LBB2_13:
0x154: {  	p1 =	sne.s32 s22, $0x30;
	v17 =	vshll.u32 v17, $0x4  }
0x155: {  	v17 =	vor.u32 v1, v17  }
0x156: {  	s21 =	sadd.s32 $0x10, s21;
	v17 =	vand.u32 $0x380, v17;
	[tilespmem:v19+s14+$0x0] =	vst.idx.msk $0xffff, v18  }
0x157: {  	v18 =	vld [tilespmem:s21+$0xFFFFC480];
	v19 =	vor.u32 v0, v17;
	_ =	sdelay $0x4  }
0x158: {  	[tilespmem:v19+s14+$0x0] =	vst.idx.msk $0xffff, v18  }
0x159: {  	v19 =	vor.u32 v2, v17;
	v18 =	vld [tilespmem:s21+$0xFFFFC500];
	_ =	sdelay $0x4  }
0x15a: {  	[tilespmem:v19+s14+$0x0] =	vst.idx.msk $0xffff, v18  }
0x15b: {  	v19 =	vor.u32 v3, v17;
	v18 =	vld [tilespmem:s21+$0xFFFFC580];
	_ =	sdelay $0x4  }
0x15c: {  	[tilespmem:v19+s14+$0x0] =	vst.idx.msk $0xffff, v18  }
0x15d: {  	v19 =	vor.u32 v4, v17;
	v18 =	vld [tilespmem:s21+$0xFFFFC600];
	_ =	sdelay $0x4  }
0x15e: {  	[tilespmem:v19+s14+$0x0] =	vst.idx.msk $0xffff, v18  }
0x15f: {  	v19 =	vor.u32 v5, v17;
	v18 =	vld [tilespmem:s21+$0xFFFFC680];
	_ =	sdelay $0x4  }
0x160: {  	[tilespmem:v19+s14+$0x0] =	vst.idx.msk $0xffff, v18  }
0x161: {  	v19 =	vor.u32 v6, v17;
	v18 =	vld [tilespmem:s21+$0xFFFFC700];
	_ =	sdelay $0x4  }
0x162: {  	[tilespmem:v19+s14+$0x0] =	vst.idx.msk $0xffff, v18  }
0x163: {  	v19 =	vor.u32 v7, v17;
	v18 =	vld [tilespmem:s21+$0xFFFFC780];
	_ =	sdelay $0x4  }
0x164: {  	[tilespmem:v19+s14+$0x0] =	vst.idx.msk $0xffff, v18  }
0x165: {  	v19 =	vor.u32 v8, v17;
	v18 =	vld [tilespmem:s21+$0xFFFFC800];
	_ =	sdelay $0x4  }
0x166: {  	[tilespmem:v19+s14+$0x0] =	vst.idx.msk $0xffff, v18  }
0x167: {  	v19 =	vor.u32 v9, v17;
	v18 =	vld [tilespmem:s21+$0xFFFFFC80];
	_ =	sdelay $0x4  }
0x168: {  	[tilespmem:v19+s14+$0x0] =	vst.idx.msk $0xffff, v18  }
0x169: {  	v19 =	vor.u32 v10, v17;
	v18 =	vld [tilespmem:s21+$0xFFFFFD00];
	_ =	sdelay $0x4  }
0x16a: {  	[tilespmem:v19+s14+$0x0] =	vst.idx.msk $0xffff, v18  }
0x16b: {  	v19 =	vor.u32 v11, v17;
	v18 =	vld [tilespmem:s21+$0xFFFFFD80];
	_ =	sdelay $0x4  }
0x16c: {  	[tilespmem:v19+s14+$0x0] =	vst.idx.msk $0xffff, v18  }
0x16d: {  	v19 =	vor.u32 v12, v17;
	v18 =	vld [tilespmem:s21+$0xFFFFFE00];
	_ =	sdelay $0x4  }
0x16e: {  	[tilespmem:v19+s14+$0x0] =	vst.idx.msk $0xffff, v18  }
0x16f: {  	v19 =	vor.u32 v13, v17;
	v18 =	vld [tilespmem:s21+$0xFFFFFE80];
	_ =	sdelay $0x4  }
0x170: {  	[tilespmem:v19+s14+$0x0] =	vst.idx.msk $0xffff, v18  }
0x171: {  	v19 =	vor.u32 v14, v17;
	v18 =	vld [tilespmem:s21+$0xFFFFFF00];
	_ =	sdelay $0x4  }
0x172: {  	[tilespmem:v19+s14+$0x0] =	vst.idx.msk $0xffff, v18  }
0x173: {  	v19 =	vor.u32 v15, v17;
	v18 =	vld [tilespmem:s21+$0xFFFFFF80];
	_ =	sdelay $0x3  }
.Ltmp10:
0x174: {  	(pc) =	sbr.rel @p1 .LBB2_13-.Ltmp10, $3  }
0x175: {  	[tilespmem:v19+s14+$0x0] =	vst.idx.msk $0xffff, v18  }
0x176: {  	v19 =	vor.u32 v16, v17;
	v18 =	vld [tilespmem:s21+$0x0];
	_ =	sdelay $0x1  }
0x177: {  	v17 =	vmov s22;
	s22 =	sadd.s32 $0x10, s22  }
0x178: {  	_ =	sdelay $0x1  }
0x179: {  	v17 =	vshll.u32 v17, $0x4  }
0x17a: {  	v17 =	vor.u32 v1, v17  }
0x17b: {  	s21 =	sadd.s32 $0x10, s21;
	v17 =	vand.u32 $0x380, v17;
	[tilespmem:v19+s14+$0x0] =	vst.idx.msk $0xffff, v18  }
0x17c: {  	v18 =	vld [tilespmem:s21+$0xFFFFC480];
	v19 =	vor.u32 v0, v17;
	_ =	sdelay $0x4  }
0x17d: {  	[tilespmem:v19+s14+$0x0] =	vst.idx.msk $0xffff, v18  }
0x17e: {  	v19 =	vor.u32 v2, v17;
	v18 =	vld [tilespmem:s21+$0xFFFFC500];
	_ =	sdelay $0x4  }
0x17f: {  	[tilespmem:v19+s14+$0x0] =	vst.idx.msk $0xffff, v18  }
0x180: {  	v19 =	vor.u32 v3, v17;
	v18 =	vld [tilespmem:s21+$0xFFFFC580];
	_ =	sdelay $0x4  }
0x181: {  	[tilespmem:v19+s14+$0x0] =	vst.idx.msk $0xffff, v18  }
0x182: {  	v19 =	vor.u32 v4, v17;
	v18 =	vld [tilespmem:s21+$0xFFFFC600];
	_ =	sdelay $0x4  }
0x183: {  	[tilespmem:v19+s14+$0x0] =	vst.idx.msk $0xffff, v18  }
0x184: {  	v19 =	vor.u32 v5, v17;
	v18 =	vld [tilespmem:s21+$0xFFFFC680];
	_ =	sdelay $0x4  }
0x185: {  	[tilespmem:v19+s14+$0x0] =	vst.idx.msk $0xffff, v18  }
0x186: {  	v19 =	vor.u32 v6, v17;
	v18 =	vld [tilespmem:s21+$0xFFFFC700];
	_ =	sdelay $0x4  }
0x187: {  	[tilespmem:v19+s14+$0x0] =	vst.idx.msk $0xffff, v18  }
0x188: {  	v19 =	vor.u32 v7, v17;
	v18 =	vld [tilespmem:s21+$0xFFFFC780];
	_ =	sdelay $0x4  }
0x189: {  	[tilespmem:v19+s14+$0x0] =	vst.idx.msk $0xffff, v18  }
0x18a: {  	v19 =	vor.u32 v8, v17;
	v18 =	vld [tilespmem:s21+$0xFFFFC800];
	_ =	sdelay $0x4  }
0x18b: {  	[tilespmem:v19+s14+$0x0] =	vst.idx.msk $0xffff, v18  }
0x18c: {  	v19 =	vor.u32 v9, v17;
	v18 =	vld [tilespmem:s21+$0xFFFFFC80];
	_ =	sdelay $0x4  }
0x18d: {  	[tilespmem:v19+s14+$0x0] =	vst.idx.msk $0xffff, v18  }
0x18e: {  	v19 =	vor.u32 v10, v17;
	v18 =	vld [tilespmem:s21+$0xFFFFFD00];
	_ =	sdelay $0x4  }
0x18f: {  	[tilespmem:v19+s14+$0x0] =	vst.idx.msk $0xffff, v18  }
0x190: {  	v19 =	vor.u32 v11, v17;
	v18 =	vld [tilespmem:s21+$0xFFFFFD80];
	_ =	sdelay $0x4  }
0x191: {  	[tilespmem:v19+s14+$0x0] =	vst.idx.msk $0xffff, v18  }
0x192: {  	v19 =	vor.u32 v12, v17;
	v18 =	vld [tilespmem:s21+$0xFFFFFE00];
	_ =	sdelay $0x4  }
0x193: {  	[tilespmem:v19+s14+$0x0] =	vst.idx.msk $0xffff, v18  }
0x194: {  	v19 =	vor.u32 v13, v17;
	v18 =	vld [tilespmem:s21+$0xFFFFFE80];
	_ =	sdelay $0x4  }
0x195: {  	[tilespmem:v19+s14+$0x0] =	vst.idx.msk $0xffff, v18  }
0x196: {  	v19 =	vor.u32 v14, v17;
	v18 =	vld [tilespmem:s21+$0xFFFFFF00];
	_ =	sdelay $0x4  }
0x197: {  	[tilespmem:v19+s14+$0x0] =	vst.idx.msk $0xffff, v18  }
0x198: {  	v19 =	vor.u32 v15, v17;
	v18 =	vld [tilespmem:s21+$0xFFFFFF80];
	_ =	sdelay $0x4  }
0x199: {  	[tilespmem:v19+s14+$0x0] =	vst.idx.msk $0xffff, v18  }
0x19a: {  	v17 =	vor.u32 v16, v17;
	v18 =	vld [tilespmem:s21+$0x0];
	_ =	sdelay $0x4  }
.Ltmp11:
0x19b: {  	[tilespmem:v17+s14+$0x0] =	vst.idx.msk $0xffff, v18;
	(pc) =	sbr.rel .LBB2_15-.Ltmp11, $4  }
0x19c: {  	[hbm4b:s9+s4] =	stream.linear.scatter [tilespmem:s14], [sflag:$0x3], $0x400, $0x38;
	[tilespmem:$0x1C000] =	vst v63  }
0x19d: {  	_ =	swait.ge [sflag:s17], $0x400  }
0x19e: {  	[sflag:s17] =	ssyncset.done $0x0  }
0x19f: {  	[sflag:s17] =	ssyncadd.s32 $0xFFFFFC00  }
.LBB2_16:
0x1a0: {  	_ =	sfence.sel $0x180000  }
0x1a1: {  	[bflag:$0x0] =	sbarrier.arrive $0xFFFF  }
0x1a2: {  	p0 =	sne.s32 s3, $0x0;
	_ =	strace $0x90000047  }
0x1a3: {  	s0 =	sadd.s32 @!p0 $0x100000, s0;
	[bflag:$0x2] =	sbarrier.arrive $0xFFFF  }
0x1a4: {  	[sflag:s0] =	ssyncadd.tile.s32 @!p0 $0x1;
	_ =	shalt  }
.Lfunc_end2:
_tile_overlayer_lowered:
.L_overlay_start_2:
0x1a5: {  	(tag) =	ssettag $0x2  }
0x1a6: {  	s0 =	rddreg [dreg:$0x0];
	s2 =	stileid.u32  }
0x1a7: {  	s1 =	rddreg [dreg:$0x1];
	p0 =	sne.s32 s2, $0x0  }
0x1a8: {  	s3 =	rddreg [dreg:$0x2];
	[bflag:$0x3] =	sbarrier.arrive $0xFFFF;
	s2 =	simm.s32 @!p0 $0x1C05  }
0x1a9: {  	[timem:s3], [sflag:s2] =	dma.local @!p0 [hbm:s0], s1  }
0x1aa: {  	s0 =	simm.s32 @!p0 $0x5  }
0x1ab: {  	_ =	swait.ge @!p0 [sflag:s0], s1  }
0x1ac: {  	s1 =	ssub.s32 @!p0 $0x0, s1;
	[sflag:s0] =	ssyncset.done @!p0 $0x0  }
0x1ad: {  	[sflag:s0] =	ssyncadd.s32 @!p0 s1  }
0x1ae: {  	[bflag:$0x3] =	sbarrier.arrive $0xFFFF  }
0x1af: {  	_ =	shalt  }

// kernel: kernel.7.cloned.1.call-start
scs
__scs_entry_jumppad:
0x0: {  	(pc) =	sbr.rel $0x88, $3  }
0x1: {  	(tag) =	ssettag $0x0;
	lr =	simm.s32 $0x1  }
0x2: {  	[smem:$0x3F9E] =	sst lr;
	_ =	strace $0xD0000000  }
0x3: {  	_ = 	snop  }
0x4: {  	_ = 	snop  }
0x5: {  	_ = 	snop  }
0x6: {  	_ = 	snop  }
0x7: {  	_ = 	snop  }
__scs_overlays_trampoline_lowered:
0x8: {  	[smem:$0x3FAD] =	sst s0  }
0x9: {  	[smem:$0x3FAE] =	sst s1  }
0xa: {  	[smem:$0x3FAF] =	sst s2  }
0xb: {  	[smem:$0x3FB0] =	sst s3  }
0xc: {  	[smem:$0x3FB1] =	sst s4  }
0xd: {  	[smem:$0x3FB2] =	sst s5  }
0xe: {  	[smem:$0x3FB3] =	sst s6  }
0xf: {  	[smem:$0x3FB4] =	sst s7  }
0x10: {  	[smem:$0x3FB5] =	sst s8  }
0x11: {  	[smem:$0x3FB6] =	sst s9;
	s0 =	simm.s32 @!p0 $0x0  }
0x12: {  	s1 =	sld [smem:$0x3F9C];
	s0 =	simm.s32 @p0 $0x1  }
0x13: {  	[smem:$0x3FB7] =	sst s0;
	s0 =	simm.s32 @!p1 $0x0  }
0x14: {  	s2 =	sld [smem:$0x3F9B];
	s0 =	simm.s32 @p1 $0x1  }
0x15: {  	[smem:$0x3FB8] =	sst s0;
	s0 =	simm.s32 @!p2 $0x0  }
0x16: {  	s3 =	sld [smem:$0x3FDB];
	s0 =	simm.s32 @p2 $0x1  }
0x17: {  	s4 =	simm.s32 $0x1BF5;
	[smem:$0x3FBA] =	sst s0  }
0x18: {  	s0 =	sld [smem:$0x3F9D];
	_ =	swait.ge [sflag:s4], $0x0  }
0x19: {  	s7 =	sld [smem:$0x3F9E]  }
0x1a: {  	s8 =	sadd.s32 $0xFFFFE003, lr  }
0x1b: {  	s9 =	sadd.s32 $0xFFFFFEF7, lr;
	s5 =	simm.s32 $0xFFFFFFFF;
	p2 =	slt.u32 s8, $0xFFFFF086  }
0x1c: {  	p1 =	slt.u32 s9, $0xF7A;
	s5 =	simm.s32 @!p2 $0x0  }
0x1d: {  	s5 =	simm.s32 @p1 $0x1;
	p0 =	seq.s32 s7, s2  }
0x1e: {  	s7 =	smul.u32 @!p0 $0xF7A, s2;
	p2 =	seq.s32 @!p0 s5, $0x0  }
0x1f: {  	s9 =	smul.u32 $0xF7A, s1;
	s8 =	simm.s32 @!p0 $0x1BF5;
	p2 =	por !p2, p0  }
0x20: {  	[sflag:s8] =	ssyncset.s32 @!p0 $0xFFFFF086;
	s6 =	sadd.s32 @!p0 s3, s7;
	s7 =	simm.s32 @!p0 $0x108  }
0x21: {  	s3 =	sadd.s32 s3, s9;
	s6 =	sadd.s32 @!p0 $0x88, s6;
	s7 =	simm.s32 @p2 $0x1082  }
0x22: {  	[simem:s7], [sflag:s8] =	dma.local @!p0 [hbm:s6], $0xF7A  }
0x23: {  	s9 =	sor.u32 $0xD0000000, s2;
	s6 =	simm.s32 $0x108;
	_ =	swait.ge @!p0 [sflag:s8], $0x0  }
0x24: {  	s3 =	sadd.s32 $0x88, s3;
	s6 =	simm.s32 @!p1 $0x1082;
	[sflag:s4] =	ssyncset.s32 $0xFFFFF086  }
0x25: {  	[simem:s6], [sflag:s4] =	dma.local [hbm:s3], $0xF7A  }
0x26: {  	[smem:$0x3F9E] =	sst s1;
	(tag) =	ssettag s2;
	_ =	strace s9  }
0x27: {  	s1 =	sld [smem:$0x3FAE]  }
0x28: {  	s2 =	sld [smem:$0x3FAF]  }
0x29: {  	s4 =	sld [smem:$0x3FB1]  }
0x2a: {  	p0 =	seq.s32 s5, $0x0;
	s5 =	sld [smem:$0x3FB2]  }
0x2b: {  	s6 =	sld [smem:$0x3FB3]  }
0x2c: {  	s7 =	sld [smem:$0x3FB4]  }
0x2d: {  	s3 =	simm.s32 $0x108;
	s8 =	sld [smem:$0x3FB5]  }
0x2e: {  	s3 =	simm.s32 @!p0 $0x1082;
	s9 =	sld [smem:$0x3FB6]  }
0x2f: {  	lr =	sadd.s32 s0, s3;
	s0 =	sld [smem:$0x3FAD]  }
0x30: {  	s3 =	sld [smem:$0x3FB0]  }
0x31: {  	[smem:$0x3FB9] =	sst s10  }
0x32: {  	s10 =	sld [smem:$0x3FB7];
	_ =	sdelay $0x3  }
0x33: {  	p0 =	seq.s32 s10, $0x1;
	s10 =	sld [smem:$0x3FB9];
	_ =	sdelay $0x3  }
0x34: {  	[smem:$0x3FB9] =	sst s10  }
0x35: {  	s10 =	sld [smem:$0x3FB8];
	_ =	sdelay $0x3  }
0x36: {  	p1 =	seq.s32 s10, $0x1;
	s10 =	sld [smem:$0x3FB9];
	_ =	sdelay $0x3  }
0x37: {  	[smem:$0x3FB9] =	sst s10  }
0x38: {  	s10 =	sld [smem:$0x3FBA]  }
0x39: {  	_ = 	snop;
	(pc) =	sbr.ind lr, $3  }
0x3a: {  	_ = 	snop  }
0x3b: {  	_ = 	snop  }
0x3c: {  	p2 =	seq.s32 s10, $0x1;
	s10 =	sld [smem:$0x3FB9]  }
0x3d: {  	_ =	shalt  }
0x3e: {  	_ =	shalt  }
0x3f: {  	_ =	shalt  }
0x40: {  	_ =	shalt  }
0x41: {  	_ =	shalt  }
0x42: {  	_ =	shalt  }
0x43: {  	_ =	shalt  }
0x44: {  	_ =	shalt  }
0x45: {  	_ =	shalt  }
0x46: {  	_ =	shalt  }
0x47: {  	_ =	shalt  }
0x48: {  	_ =	shalt  }
0x49: {  	_ =	shalt  }
0x4a: {  	_ =	shalt  }
0x4b: {  	_ =	shalt  }
0x4c: {  	_ =	shalt  }
0x4d: {  	_ =	shalt  }
0x4e: {  	_ =	shalt  }
0x4f: {  	_ =	shalt  }
0x50: {  	_ =	shalt  }
0x51: {  	_ =	shalt  }
0x52: {  	_ =	shalt  }
0x53: {  	_ =	shalt  }
0x54: {  	_ =	shalt  }
0x55: {  	_ =	shalt  }
0x56: {  	_ =	shalt  }
0x57: {  	_ =	shalt  }
0x58: {  	_ =	shalt  }
0x59: {  	_ =	shalt  }
0x5a: {  	_ =	shalt  }
0x5b: {  	_ =	shalt  }
0x5c: {  	_ =	shalt  }
0x5d: {  	_ =	shalt  }
0x5e: {  	_ =	shalt  }
0x5f: {  	_ =	shalt  }
0x60: {  	_ =	shalt  }
0x61: {  	_ =	shalt  }
0x62: {  	_ =	shalt  }
0x63: {  	_ =	shalt  }
0x64: {  	_ =	shalt  }
0x65: {  	_ =	shalt  }
0x66: {  	_ =	shalt  }
0x67: {  	_ =	shalt  }
0x68: {  	_ =	shalt  }
0x69: {  	_ =	shalt  }
0x6a: {  	_ =	shalt  }
0x6b: {  	_ =	shalt  }
0x6c: {  	_ =	shalt  }
0x6d: {  	_ =	shalt  }
0x6e: {  	_ =	shalt  }
0x6f: {  	_ =	shalt  }
0x70: {  	_ =	shalt  }
0x71: {  	_ =	shalt  }
0x72: {  	_ =	shalt  }
0x73: {  	_ =	shalt  }
0x74: {  	_ =	shalt  }
0x75: {  	_ =	shalt  }
0x76: {  	_ =	shalt  }
0x77: {  	_ =	shalt  }
0x78: {  	_ =	shalt  }
0x79: {  	_ =	shalt  }
0x7a: {  	_ =	shalt  }
0x7b: {  	_ =	shalt  }
0x7c: {  	_ =	shalt  }
0x7d: {  	_ =	shalt  }
0x7e: {  	_ =	shalt  }
0x7f: {  	_ =	shalt  }
0x80: {  	_ =	shalt  }
0x81: {  	_ =	shalt  }
0x82: {  	_ =	shalt  }
0x83: {  	_ =	shalt  }
0x84: {  	_ =	shalt  }
0x85: {  	_ =	shalt  }
0x86: {  	_ =	shalt  }
0x87: {  	_ =	shalt  }
.Lfunc_end0:
.L_simem_size_0:
called_computation.1_lowered:
.L_overlay_start_0:
0x88: {  	s2 =	sld [smem:$0x3FD9]  }
0x89: {  	s3 =	sld [smem:$0x3FFE];
	_ =	sdelay $0x1  }
0x8a: {  	s1 =	srdreg.scid  }
0x8b: {  	s0 =	sand.u32 $0x1, s1  }
0x8c: {  	s17 =	sshll.u32 s0, $0xA;
	s2 =	sadd.s32 s3, s2  }
0x8d: {  	s2 =	sadd.s32 s2, s17  }
0x8e: {  	[smem:$0x3FC5] =	sst s2  }
0x8f: {  	_ = 	snop  }
0x90: {  	s2 =	sld [smem:$0x3FD0];
	(tm) =	ssettm $0x1  }
0x91: {  	s18 =	sld [smem:$0x3FFB];
	_ =	sdelay $0x3  }
0x92: {  	_ =	strace s18  }
0x93: {  	s3 =	sld [smem:$0x3FFC];
	_ =	sdelay $0x3  }
0x94: {  	_ =	strace s3  }
0x95: {  	s3 =	sld [smem:$0x3FFD];
	_ =	sdelay $0x3  }
0x96: {  	_ =	strace s3  }
0x97: {  	_ =	strace $0x8FFFFFFF  }
0x98: {  	s19 =	sld [smem:$0x3FDB];
	_ =	sdelay $0x1  }
0x99: {  	s4 =	simm.s32 $_scs_section_size  }
0x9a: {  	s5 =	simm.s32 $_size__tile_overlayer_lowered;
	s6 =	simm.s32 $_tile_overlayer_lowered  }
0x9b: {  	s22 =	simm.s32 $0x1BFF;
	s21 =	sshll.u32 s6, $0x1;
	s3 =	sadd.s32 s4, s19  }
0x9c: {  	s7 =	simm.s32 $0x0;
	s20 =	sshll.u32 s5, $0x1;
	s5 =	sadd.s32 s21, s3  }
0x9d: {  	[timem:s7], [sflag:s22] =	dma.local [hbm:s5], s20  }
0x9e: {  	_ =	swait.ge [sflag:s22], s20  }
0x9f: {  	s4 =	ssub.s32 $0x0, s20;
	[sflag:s22] =	ssyncset.done $0x0  }
0xa0: {  	[sflag:s22] =	ssyncadd.s32 s4;
	_ =	sdelay $0x1  }
0xa1: {  	s23 =	simm.s32 $0x1B8B  }
0xa2: {  	_ =	swait.ge [sflag:s23], $0x1  }
0xa3: {  	[sflag:s23] =	ssyncset.done $0x0  }
0xa4: {  	s25 =	simm.s32 $0x1B8E;
	s24 =	sld [smem:$0x3FFE];
	[sflag:s23] =	ssyncadd.s32 $0xFFFFFFFF  }
0xa5: {  	s26 =	simm.s32 $execute0_lowered;
	[smem:$0x3FD2] =	sst s25  }
0xa6: {  	s5 =	sshll.u32 s26, $0x1;
	_ =	strace $0x80000049;
	[dreg:$0x1] =	wrdreg $0xFFFFFFFF  }
0xa7: {  	s28 =	simm.s32 $_size_execute0_lowered;
	s3 =	sadd.s32 s3, s5;
	[dreg:$0x0] =	wrdreg $0x0  }
0xa8: {  	s5 =	sshll.u32 s28, $0x1;
	[dreg:$0x2] =	wrdreg s3  }
0xa9: {  	[dreg:$0x3] =	wrdreg s5  }
0xaa: {  	[dreg:$0x4] =	wrdreg $0xC0  }
0xab: {  	_ =	task [dreg:s7], $0x5FFFF  }
0xac: {  	[dreg:$0x1] =	wrdreg $0xFFFFFFFF  }
0xad: {  	[dreg:$0x0] =	wrdreg $0x60  }
0xae: {  	[dreg:$0x2] =	wrdreg s24  }
0xaf: {  	[dreg:$0x3] =	wrdreg s2  }
0xb0: {  	[dreg:$0x4] =	wrdreg $0x9  }
0xb1: {  	_ =	task.clear_ibuf [dreg:s7], $0x5FFFF;
	_ =	strace $0x90000049  }
0xb2: {  	s29 =	simm.s32 $0x9;
	_ =	strace $0x8000004B  }
0xb3: {  	_ =	swait.ge [sflag:s29], $0x1  }
0xb4: {  	[sflag:s29] =	ssyncadd.s32 $0xFFFFFFFF  }
0xb5: {  	_ =	strace $0x9000004B  }
0xb6: {  	_ =	sfence  }
0xb7: {  	s30 =	sld [smem:$0x0];
	_ =	sdelay $0x2  }
0xb8: {  	s31 =	sshll.u32 s1, $0xD;
	s1 =	sshrl.u32 s1, $0x2  }
0xb9: {  	s3 =	sand.u32 $0x4000, s31;
	s1 =	sadd.s32 s1, s30  }
0xba: {  	s0 =	sor.u32 s3, s0;
	s1 =	sshll.u32 s1, $0x11  }
0xbb: {  	s0 =	sor.u32 s1, s0  }
0xbc: {  	s0 =	sadd.s32 $0x8F2B, s0  }
0xbd: {  	[sflag:s0] =	ssyncadd.remote.s32 $0x1  }
0xbe: {  	_ =	sfence.sel $0xFFFF  }
0xbf: {  	[dreg:$0x0] =	wrdreg $0xFFFFFFFF;
	(pc) =	sbr.abs _section_cstart, $3  }
0xc0: {  	[dreg:$0x1] =	wrdreg $0xFFFFFFFF  }
0xc1: {  	_ =	task.clear_ibuf [dreg:s7], $0x2FFFF;
	_ =	strace $0x9FFFFFFF  }
0xc2: {  	(tm) =	ssettm $0x7FFFFFFF  }
0xc3: {  	_ =	shalt  }
tec
execute0_lowered:
.L_overlay_start_1:
0x0: {  	(tag) =	ssettag $0x1  }
0x1: {  	s0 =	rddreg [dreg:$0x0]  }
0x2: {  	s1 =	rddreg [dreg:$0x1]  }
0x3: {  	s2 =	srdreg.scid;
	s4 =	stileid.u32  }
0x4: {  	s5 =	simm.s32 $0x0;
	s9 =	simm.s32 $0x200;
	s11 =	simm.s32 $0x5  }
0x5: {  	s13 =	simm.s32 $0x6800;
	s14 =	simm.s32 $0x8800;
	s15 =	simm.s32 $0xA800  }
0x6: {  	s16 =	simm.s32 $0xC800;
	s17 =	simm.s32 $0x1;
	s18 =	simm.s32 $0x1000  }
0x7: {  	s19 =	simm.s32 $0x20000;
	s20 =	simm.s32 $0xE800;
	s21 =	simm.s32 $0x2  }
0x8: {  	s22 =	simm.s32 $0x12800;
	s23 =	simm.s32 $0x3;
	s2 =	sand.u32 $0x1, s2  }
0x9: {  	s4 =	sshll.u32 s4, $0x9;
	[smem:$0x7FF] =	sst s5;
	s3 =	sshll.u32 s2, $0xD  }
0xa: {  	s24 =	simm.s32 $0x4;
	_ =	strace $0x8000004A;
	s26 =	sor.u32 s4, s3  }
0xb: {  	s28 =	ssub.s32 $0x2, s2;
	s3 =	sshrl.u32 s26, $0x3;
	s5 =	sadd.s32 s1, s26  }
0xc: {  	s2 =	sshrl.u32 s28, $0x1;
	s6 =	sadd.s32 s3, s0;
	s31 =	sadd.s32 $0xC0000, s5  }
0xd: {  	s3 =	sadd.s32 $0xC00, s0;
	s29 =	sadd.s32 $0x1E9200, s6;
	[dreg:$0x5] =	wrdreg s31  }
0xe: {  	v0 =	vlaneseq.u32;
	s0 =	ssub.s32 s28, s2;
	s30 =	sadd.s32 $0x1F6200, s6;
	[dreg:$0x3] =	wrdreg s29  }
0xf: {  	s25 =	simm.s32 $0x0;
	v0 =	vmul.u32 $0x10, v0;
	s8 =	smax.u32 s0, $0x1;
	[dreg:$0x4] =	wrdreg s30  }
.LBB2_1:
0x10: {  	s0 =	simm.s32 $0x0;
	s1 =	rddreg [dreg:$0x3];
	s2 =	simm.s32 $0x4000  }
0x11: {  	[tilespmem:s0], [sflag:$0x5] =	stream.strided.gather [hbm4b:s1+s9], $0x3400, s2, s9, $0x38;
	[tilespmem:$0x16800] =	vst v63  }
0x12: {  	_ =	swait.ge [sflag:s11], $0x3400  }
0x13: {  	[sflag:s11] =	ssyncset.done $0x0  }
0x14: {  	s4 =	simm.s32 $0x3400;
	s31 =	rddreg [dreg:$0x4];
	[sflag:s11] =	ssyncadd.s32 $0xFFFFCC00  }
0x15: {  	[tilespmem:s4], [sflag:$0x5] =	stream.strided.gather [hbm4b:s31+s9], $0x3400, s2, s9, $0x38;
	[tilespmem:$0x16800] =	vst v63  }
0x16: {  	_ =	swait.ge [sflag:s11], $0x3400  }
0x17: {  	[sflag:s11] =	ssyncset.done $0x0  }
0x18: {  	[sflag:s11] =	ssyncadd.s32 $0xFFFFCC00  }
0x19: {  	[tilespmem:s13], [sflag:$0x1] =	stream.indirect.gather [hbm4b:s3+s9], $0x10, s0, s9, $0xb8;
	[tilespmem:$0x16800] =	vst v63  }
0x1a: {  	s26 =	simm.s32 $0x0  }
0x1b: {  	[tilespmem:s14], [sflag:$0x1] =	stream.indirect.gather [hbm4b:s3+s9], $0x10, s9, s9, $0xb8;
	[tilespmem:$0x16800] =	vst v63  }
.LBB2_2:
0x1c: {  	s0 =	sshll.u32 s26, $0x2  }
0x1d: {  	s28 =	sor.u32 $0x2, s0  }
0x1e: {  	s1 =	sshll.u32 s26, $0xD;
	s0 =	sshll.u32 s28, $0x9  }
0x1f: {  	s4 =	simm.s32 $0x0;
	s29 =	sshrl.u32 s1, $0x2;
	s0 =	sand.u32 $0x3FFFFC00, s0  }
0x20: {  	[tilespmem:s15], [sflag:$0x2] =	stream.indirect.gather [hbm4b:s3+s9], $0x10, s0, s9, $0xb8;
	[tilespmem:$0x16800] =	vst v63  }
0x21: {  	s2 =	sor.u32 $0x600, s29;
	s0 =	sand.u32 $0x1F, s4  }
0x22: {  	[tilespmem:s16], [sflag:$0x2] =	stream.indirect.gather [hbm4b:s3+s9], $0x10, s2, s9, $0xb8;
	[tilespmem:$0x16800] =	vst v63  }
0x23: {  	s6 =	sshll.u32 s0, $0x4;
	_ =	swait.ge [sflag:s17], $0x2000  }
0x24: {  	v1 =	vmov s6;
	[sflag:s17] =	ssyncset.done $0x0  }
0x25: {  	v1 =	vshll.u32 v1, $0x4;
	[sflag:s17] =	ssyncadd.s32 $0xFFFFE000  }
0x26: {  	s2 =	simm.s32 $0x0;
	v1 =	vor.u32 v0, v1;
	_ =	swait.ge [sflag:s17], $0x2000  }
0x27: {  	p0 =	seq.s32 s26, $0x0;
	v1 =	vor.u32 s2, v1;
	[sflag:s17] =	ssyncset.done $0x0  }
0x28: {  	s2 =	simm.s32 @!p0 $0x3;
	[sflag:s17] =	ssyncadd.s32 $0xFFFFE000  }
0x29: {  	s10 =	simm.s32 $0x0;
	_ =	swait.ge @!p0 [sflag:s2], $0x4000  }
0x2a: {  	s10 =	sand.u32 $0x3FFFFE00, s10;
	s30 =	sadd.s32 $0x3400, s29;
	[sflag:s2] =	ssyncset.done @!p0 $0x0  }
0x2b: {  	s7 =	sadd.s32 s10, s30;
	[sflag:s2] =	ssyncadd.s32 @!p0 $0xFFFFC000  }
0x2c: {  	s2 =	sadd.s32 s6, s7;
	v2 =	vld.idx.msk [tilespmem:v1+s13+$0x0], $0xffff  }
0x2d: {  	v3 =	vld [tilespmem:s2+$0x0];
	_ =	sdelay $0x2  }
0x2e: {  	s0 =	sshrl.u32 s0, $0x3;
	v4 =	vor.u32 $0x1, v1  }
0x2f: {  	s12 =	simm.s32 $0x0;
	s10 =	sshll.u32 s0, $0x7;
	s0 =	sshll.u32 s0, $0xA  }
0x30: {  	s1 =	ssub.s32 s6, s10;
	s0 =	sor.u32 s12, s0;
	v2 =	vmul.f32 v2, v3  }
0x31: {  	s31 =	sadd.s32 s1, s0  }
0x32: {  	[tilespmem:s31+$0xE800] =	vst v2  }
0x33: {  	v2 =	vld.idx.msk [tilespmem:v4+s13+$0x0], $0xffff;
	_ =	sdelay $0x2  }
0x34: {  	v51 =	vor.u32 $0x2, v1;
	_ =	sdelay $0x1  }
0x35: {  	v2 =	vmul.f32 v2, v3;
	_ =	sdelay $0x1  }
0x36: {  	[tilespmem:s31+$0xE880] =	vst v2  }
0x37: {  	v2 =	vld.idx.msk [tilespmem:v51+s13+$0x0], $0xffff;
	_ =	sdelay $0x2  }
0x38: {  	v52 =	vor.u32 $0x3, v1;
	_ =	sdelay $0x1  }
0x39: {  	v2 =	vmul.f32 v2, v3;
	_ =	sdelay $0x1  }
0x3a: {  	[tilespmem:s31+$0xE900] =	vst v2  }
0x3b: {  	v2 =	vld.idx.msk [tilespmem:v52+s13+$0x0], $0xffff;
	_ =	sdelay $0x2  }
0x3c: {  	v53 =	vor.u32 $0x4, v1;
	_ =	sdelay $0x1  }
0x3d: {  	v2 =	vmul.f32 v2, v3;
	_ =	sdelay $0x1  }
0x3e: {  	[tilespmem:s31+$0xE980] =	vst v2  }
0x3f: {  	v2 =	vld.idx.msk [tilespmem:v53+s13+$0x0], $0xffff;
	_ =	sdelay $0x2  }
0x40: {  	v54 =	vor.u32 $0x5, v1;
	_ =	sdelay $0x1  }
0x41: {  	v2 =	vmul.f32 v2, v3;
	_ =	sdelay $0x1  }
0x42: {  	[tilespmem:s31+$0xEA00] =	vst v2  }
0x43: {  	v2 =	vld.idx.msk [tilespmem:v54+s13+$0x0], $0xffff;
	_ =	sdelay $0x2  }
0x44: {  	v55 =	vor.u32 $0x6, v1;
	_ =	sdelay $0x1  }
0x45: {  	v2 =	vmul.f32 v2, v3;
	_ =	sdelay $0x1  }
0x46: {  	[tilespmem:s31+$0xEA80] =	vst v2  }
0x47: {  	v2 =	vld.idx.msk [tilespmem:v55+s13+$0x0], $0xffff;
	_ =	sdelay $0x2  }
0x48: {  	v56 =	vor.u32 $0x7, v1;
	_ =	sdelay $0x1  }
0x49: {  	v2 =	vmul.f32 v2, v3;
	_ =	sdelay $0x1  }
0x4a: {  	[tilespmem:s31+$0xEB00] =	vst v2  }
0x4b: {  	v2 =	vld.idx.msk [tilespmem:v56+s13+$0x0], $0xffff;
	_ =	sdelay $0x2  }
0x4c: {  	v57 =	vor.u32 $0x8, v1;
	_ =	sdelay $0x1  }
0x4d: {  	v2 =	vmul.f32 v2, v3;
	_ =	sdelay $0x1  }
0x4e: {  	[tilespmem:s31+$0xEB80] =	vst v2  }
0x4f: {  	v2 =	vld.idx.msk [tilespmem:v57+s13+$0x0], $0xffff;
	_ =	sdelay $0x2  }
0x50: {  	v58 =	vor.u32 $0x9, v1;
	_ =	sdelay $0x1  }
0x51: {  	v2 =	vmul.f32 v2, v3;
	_ =	sdelay $0x1  }
0x52: {  	[tilespmem:s31+$0xF800] =	vst v2  }
0x53: {  	v2 =	vld.idx.msk [tilespmem:v58+s13+$0x0], $0xffff;
	_ =	sdelay $0x2  }
0x54: {  	v59 =	vor.u32 $0xA, v1;
	_ =	sdelay $0x1  }
0x55: {  	v2 =	vmul.f32 v2, v3;
	_ =	sdelay $0x1  }
0x56: {  	[tilespmem:s31+$0xF880] =	vst v2  }
0x57: {  	v2 =	vld.idx.msk [tilespmem:v59+s13+$0x0], $0xffff;
	_ =	sdelay $0x2  }
0x58: {  	v60 =	vor.u32 $0xB, v1;
	_ =	sdelay $0x1  }
0x59: {  	v2 =	vmul.f32 v2, v3;
	_ =	sdelay $0x1  }
0x5a: {  	[tilespmem:s31+$0xF900] =	vst v2  }
0x5b: {  	v2 =	vld.idx.msk [tilespmem:v60+s13+$0x0], $0xffff;
	_ =	sdelay $0x2  }
0x5c: {  	v61 =	vor.u32 $0xC, v1;
	_ =	sdelay $0x1  }
0x5d: {  	v2 =	vmul.f32 v2, v3;
	_ =	sdelay $0x1  }
0x5e: {  	[tilespmem:s31+$0xF980] =	vst v2  }
0x5f: {  	v2 =	vld.idx.msk [tilespmem:v61+s13+$0x0], $0xffff;
	_ =	sdelay $0x2  }
0x60: {  	v62 =	vor.u32 $0xD, v1;
	_ =	sdelay $0x1  }
0x61: {  	v2 =	vmul.f32 v2, v3;
	_ =	sdelay $0x1  }
0x62: {  	[tilespmem:s31+$0xFA00] =	vst v2  }
0x63: {  	v2 =	vld.idx.msk [tilespmem:v62+s13+$0x0], $0xffff;
	_ =	sdelay $0x2  }
0x64: {  	v63 =	vor.u32 $0xE, v1;
	_ =	sdelay $0x1  }
0x65: {  	v2 =	vmul.f32 v2, v3;
	_ =	sdelay $0x1  }
0x66: {  	[tilespmem:s31+$0xFA80] =	vst v2  }
0x67: {  	v2 =	vld.idx.msk [tilespmem:v63+s13+$0x0], $0xffff;
	_ =	sdelay $0x2  }
0x68: {  	v1 =	vor.u32 $0xF, v1;
	_ =	sdelay $0x1  }
0x69: {  	s4 =	simm.s32 $0x1;
	v2 =	vmul.f32 v2, v3  }
0x6a: {  	s0 =	sand.u32 $0x1F, s4  }
0x6b: {  	s12 =	sshll.u32 s0, $0x4;
	[tilespmem:s31+$0xFB00] =	vst v2  }
0x6c: {  	v2 =	vld.idx.msk [tilespmem:v1+s13+$0x0], $0xffff;
	v1 =	vmov s12  }
0x6d: {  	v1 =	vshll.u32 v1, $0x4  }
0x6e: {  	s0 =	sshrl.u32 s0, $0x3;
	s7 =	simm.s32 $0x0;
	v1 =	vor.u32 v0, v1  }
0x6f: {  	s1 =	sshll.u32 s0, $0x7;
	s0 =	sshll.u32 s0, $0xA;
	s6 =	simm.s32 $0x0;
	v1 =	vor.u32 s7, v1  }
0x70: {  	s4 =	simm.s32 $0x10;
	s10 =	sor.u32 s6, s0  }
0x71: {  	s0 =	simm.s32 $0x2;
	s2 =	ssub.s32 s12, s1;
	s1 =	sand.u32 $0x3FFFFE00, s4;
	v2 =	vmul.f32 v2, v3  }
.LBB2_3:
0x72: {  	p1 =	sne.s32 s0, $0x3F  }
0x73: {  	s4 =	sadd.s32 s1, s30;
	[tilespmem:s31+$0xFB80] =	vst v2;
	s1 =	smov.u32 s0;
	s0 =	sadd.s32 $0x1, s0  }
0x74: {  	s4 =	sadd.s32 s12, s4;
	v3 =	vld.idx.msk [tilespmem:v1+s13+$0x0], $0xffff  }
0x75: {  	v2 =	vld [tilespmem:s4+$0x0];
	_ =	sdelay $0x2  }
0x76: {  	v4 =	vor.u32 $0x1, v1;
	_ =	sdelay $0x1  }
0x77: {  	v3 =	vmul.f32 v3, v2  }
0x78: {  	s31 =	sadd.s32 s2, s10  }
0x79: {  	[tilespmem:s31+$0xE800] =	vst v3  }
0x7a: {  	v3 =	vld.idx.msk [tilespmem:v4+s13+$0x0], $0xffff;
	_ =	sdelay $0x3  }
0x7b: {  	v4 =	vor.u32 $0x2, v1;
	_ =	sdelay $0x1  }
0x7c: {  	v3 =	vmul.f32 v3, v2;
	_ =	sdelay $0x1  }
0x7d: {  	[tilespmem:s31+$0xE880] =	vst v3  }
0x7e: {  	v3 =	vld.idx.msk [tilespmem:v4+s13+$0x0], $0xffff;
	_ =	sdelay $0x3  }
0x7f: {  	v4 =	vor.u32 $0x3, v1;
	_ =	sdelay $0x1  }
0x80: {  	v3 =	vmul.f32 v3, v2;
	_ =	sdelay $0x1  }
0x81: {  	[tilespmem:s31+$0xE900] =	vst v3  }
0x82: {  	v3 =	vld.idx.msk [tilespmem:v4+s13+$0x0], $0xffff;
	_ =	sdelay $0x3  }
0x83: {  	v4 =	vor.u32 $0x4, v1;
	_ =	sdelay $0x1  }
0x84: {  	v3 =	vmul.f32 v3, v2;
	_ =	sdelay $0x1  }
0x85: {  	[tilespmem:s31+$0xE980] =	vst v3  }
0x86: {  	v3 =	vld.idx.msk [tilespmem:v4+s13+$0x0], $0xffff;
	_ =	sdelay $0x3  }
0x87: {  	v4 =	vor.u32 $0x5, v1;
	_ =	sdelay $0x1  }
0x88: {  	v3 =	vmul.f32 v3, v2;
	_ =	sdelay $0x1  }
0x89: {  	[tilespmem:s31+$0xEA00] =	vst v3  }
0x8a: {  	v3 =	vld.idx.msk [tilespmem:v4+s13+$0x0], $0xffff;
	_ =	sdelay $0x3  }
0x8b: {  	v4 =	vor.u32 $0x6, v1;
	_ =	sdelay $0x1  }
0x8c: {  	v3 =	vmul.f32 v3, v2;
	_ =	sdelay $0x1  }
0x8d: {  	[tilespmem:s31+$0xEA80] =	vst v3  }
0x8e: {  	v3 =	vld.idx.msk [tilespmem:v4+s13+$0x0], $0xffff;
	_ =	sdelay $0x3  }
0x8f: {  	v4 =	vor.u32 $0x7, v1;
	_ =	sdelay $0x1  }
0x90: {  	v3 =	vmul.f32 v3, v2;
	_ =	sdelay $0x1  }
0x91: {  	[tilespmem:s31+$0xEB00] =	vst v3  }
0x92: {  	v3 =	vld.idx.msk [tilespmem:v4+s13+$0x0], $0xffff;
	_ =	sdelay $0x3  }
0x93: {  	v4 =	vor.u32 $0x8, v1;
	_ =	sdelay $0x1  }
0x94: {  	v3 =	vmul.f32 v3, v2;
	_ =	sdelay $0x1  }
0x95: {  	[tilespmem:s31+$0xEB80] =	vst v3  }
0x96: {  	v3 =	vld.idx.msk [tilespmem:v4+s13+$0x0], $0xffff;
	_ =	sdelay $0x3  }
0x97: {  	v4 =	vor.u32 $0x9, v1;
	_ =	sdelay $0x1  }
0x98: {  	v3 =	vmul.f32 v3, v2;
	_ =	sdelay $0x1  }
0x99: {  	[tilespmem:s31+$0xF800] =	vst v3  }
0x9a: {  	v3 =	vld.idx.msk [tilespmem:v4+s13+$0x0], $0xffff;
	_ =	sdelay $0x3  }
0x9b: {  	v4 =	vor.u32 $0xA, v1;
	_ =	sdelay $0x1  }
0x9c: {  	v3 =	vmul.f32 v3, v2;
	_ =	sdelay $0x1  }
0x9d: {  	[tilespmem:s31+$0xF880] =	vst v3  }
0x9e: {  	v3 =	vld.idx.msk [tilespmem:v4+s13+$0x0], $0xffff;
	_ =	sdelay $0x3  }
0x9f: {  	v4 =	vor.u32 $0xB, v1;
	_ =	sdelay $0x1  }
0xa0: {  	v3 =	vmul.f32 v3, v2;
	_ =	sdelay $0x1  }
0xa1: {  	[tilespmem:s31+$0xF900] =	vst v3  }
0xa2: {  	v3 =	vld.idx.msk [tilespmem:v4+s13+$0x0], $0xffff;
	_ =	sdelay $0x3  }
0xa3: {  	v4 =	vor.u32 $0xC, v1;
	_ =	sdelay $0x1  }
0xa4: {  	v3 =	vmul.f32 v3, v2;
	_ =	sdelay $0x1  }
0xa5: {  	[tilespmem:s31+$0xF980] =	vst v3  }
0xa6: {  	v3 =	vld.idx.msk [tilespmem:v4+s13+$0x0], $0xffff;
	_ =	sdelay $0x3  }
0xa7: {  	v4 =	vor.u32 $0xD, v1;
	_ =	sdelay $0x1  }
0xa8: {  	v3 =	vmul.f32 v3, v2;
	_ =	sdelay $0x1  }
0xa9: {  	[tilespmem:s31+$0xFA00] =	vst v3  }
0xaa: {  	v3 =	vld.idx.msk [tilespmem:v4+s13+$0x0], $0xffff;
	_ =	sdelay $0x3  }
0xab: {  	v4 =	vor.u32 $0xE, v1;
	_ =	sdelay $0x1  }
0xac: {  	v3 =	vmul.f32 v3, v2;
	_ =	sdelay $0x1  }
0xad: {  	[tilespmem:s31+$0xFA80] =	vst v3  }
0xae: {  	v3 =	vld.idx.msk [tilespmem:v4+s13+$0x0], $0xffff;
	_ =	sdelay $0x3  }
0xaf: {  	v1 =	vor.u32 $0xF, v1;
	_ =	sdelay $0x1  }
0xb0: {  	v3 =	vmul.f32 v3, v2;
	_ =	sdelay $0x1  }
0xb1: {  	s2 =	sand.u32 $0x1F, s1;
	s4 =	sshrl.u32 s1, $0x5;
	[tilespmem:s31+$0xFB00] =	vst v3  }
0xb2: {  	s10 =	sshrl.u32 s2, $0x3;
	s12 =	sshll.u32 s2, $0x4;
	s2 =	sshll.u32 s4, $0xF;
	v3 =	vld.idx.msk [tilespmem:v1+s13+$0x0], $0xffff  }
0xb3: {  	s6 =	sshll.u32 s10, $0x7;
	s10 =	sshll.u32 s10, $0xA;
	s7 =	sshra.s32 s2, $0x2;
	v1 =	vmov s12  }
0xb4: {  	s2 =	ssub.s32 s12, s6;
	s10 =	sor.u32 s7, s10;
	v1 =	vshll.u32 v1, $0x4  }
.Ltmp0:
0xb5: {  	s4 =	sshll.u32 s4, $0xD;
	v1 =	vor.u32 v0, v1;
	(pc) =	sbr.rel @p1 .LBB2_3-.Ltmp0, $3  }
0xb6: {  	v1 =	vor.u32 s4, v1;
	_ =	sdelay $0x1  }
0xb7: {  	s1 =	sshll.u32 s1, $0x4;
	v2 =	vmul.f32 v3, v2  }
0xb8: {  	s1 =	sand.u32 $0x3FFFFE00, s1  }
0xb9: {  	_ =	sdelay $0x2  }
0xba: {  	s0 =	sadd.s32 s1, s30;
	[tilespmem:s31+$0xFB80] =	vst v2  }
0xbb: {  	s0 =	sadd.s32 s12, s0;
	v2 =	vld.idx.msk [tilespmem:v1+s13+$0x0], $0xffff  }
0xbc: {  	v3 =	vld [tilespmem:s0+$0x0];
	_ =	sdelay $0x2  }
0xbd: {  	v4 =	vor.u32 $0x1, v1;
	_ =	sdelay $0x1  }
0xbe: {  	v2 =	vmul.f32 v2, v3  }
0xbf: {  	s10 =	sadd.s32 s2, s10  }
0xc0: {  	[tilespmem:s10+$0xE800] =	vst v2  }
0xc1: {  	v2 =	vld.idx.msk [tilespmem:v4+s13+$0x0], $0xffff;
	_ =	sdelay $0x2  }
0xc2: {  	v37 =	vor.u32 $0x2, v1;
	_ =	sdelay $0x1  }
0xc3: {  	v2 =	vmul.f32 v2, v3;
	_ =	sdelay $0x1  }
0xc4: {  	[tilespmem:s10+$0xE880] =	vst v2  }
0xc5: {  	v2 =	vld.idx.msk [tilespmem:v37+s13+$0x0], $0xffff;
	_ =	sdelay $0x2  }
0xc6: {  	v38 =	vor.u32 $0x3, v1;
	_ =	sdelay $0x1  }
0xc7: {  	v2 =	vmul.f32 v2, v3;
	_ =	sdelay $0x1  }
0xc8: {  	[tilespmem:s10+$0xE900] =	vst v2  }
0xc9: {  	v2 =	vld.idx.msk [tilespmem:v38+s13+$0x0], $0xffff;
	_ =	sdelay $0x2  }
0xca: {  	v39 =	vor.u32 $0x4, v1;
	_ =	sdelay $0x1  }
0xcb: {  	v2 =	vmul.f32 v2, v3;
	_ =	sdelay $0x1  }
0xcc: {  	[tilespmem:s10+$0xE980] =	vst v2  }
0xcd: {  	v2 =	vld.idx.msk [tilespmem:v39+s13+$0x0], $0xffff;
	_ =	sdelay $0x2  }
0xce: {  	v40 =	vor.u32 $0x5, v1;
	_ =	sdelay $0x1  }
0xcf: {  	v2 =	vmul.f32 v2, v3;
	_ =	sdelay $0x1  }
0xd0: {  	[tilespmem:s10+$0xEA00] =	vst v2  }
0xd1: {  	v2 =	vld.idx.msk [tilespmem:v40+s13+$0x0], $0xffff;
	_ =	sdelay $0x2  }
0xd2: {  	v41 =	vor.u32 $0x6, v1;
	_ =	sdelay $0x1  }
0xd3: {  	v2 =	vmul.f32 v2, v3;
	_ =	sdelay $0x1  }
0xd4: {  	[tilespmem:s10+$0xEA80] =	vst v2  }
0xd5: {  	v2 =	vld.idx.msk [tilespmem:v41+s13+$0x0], $0xffff;
	_ =	sdelay $0x2  }
0xd6: {  	v42 =	vor.u32 $0x7, v1;
	_ =	sdelay $0x1  }
0xd7: {  	v2 =	vmul.f32 v2, v3;
	_ =	sdelay $0x1  }
0xd8: {  	[tilespmem:s10+$0xEB00] =	vst v2  }
0xd9: {  	v2 =	vld.idx.msk [tilespmem:v42+s13+$0x0], $0xffff;
	_ =	sdelay $0x2  }
0xda: {  	v43 =	vor.u32 $0x8, v1;
	_ =	sdelay $0x1  }
0xdb: {  	v2 =	vmul.f32 v2, v3;
	_ =	sdelay $0x1  }
0xdc: {  	[tilespmem:s10+$0xEB80] =	vst v2  }
0xdd: {  	v2 =	vld.idx.msk [tilespmem:v43+s13+$0x0], $0xffff;
	_ =	sdelay $0x2  }
0xde: {  	v44 =	vor.u32 $0x9, v1;
	_ =	sdelay $0x1  }
0xdf: {  	v2 =	vmul.f32 v2, v3;
	_ =	sdelay $0x1  }
0xe0: {  	[tilespmem:s10+$0xF800] =	vst v2  }
0xe1: {  	v2 =	vld.idx.msk [tilespmem:v44+s13+$0x0], $0xffff;
	_ =	sdelay $0x2  }
0xe2: {  	v45 =	vor.u32 $0xA, v1;
	_ =	sdelay $0x1  }
0xe3: {  	v2 =	vmul.f32 v2, v3;
	_ =	sdelay $0x1  }
0xe4: {  	[tilespmem:s10+$0xF880] =	vst v2  }
0xe5: {  	v2 =	vld.idx.msk [tilespmem:v45+s13+$0x0], $0xffff;
	_ =	sdelay $0x2  }
0xe6: {  	v46 =	vor.u32 $0xB, v1;
	_ =	sdelay $0x1  }
0xe7: {  	v2 =	vmul.f32 v2, v3;
	_ =	sdelay $0x1  }
0xe8: {  	[tilespmem:s10+$0xF900] =	vst v2  }
0xe9: {  	v2 =	vld.idx.msk [tilespmem:v46+s13+$0x0], $0xffff;
	_ =	sdelay $0x2  }
0xea: {  	v47 =	vor.u32 $0xC, v1;
	_ =	sdelay $0x1  }
0xeb: {  	v2 =	vmul.f32 v2, v3;
	_ =	sdelay $0x1  }
0xec: {  	[tilespmem:s10+$0xF980] =	vst v2  }
0xed: {  	v2 =	vld.idx.msk [tilespmem:v47+s13+$0x0], $0xffff;
	_ =	sdelay $0x2  }
0xee: {  	v48 =	vor.u32 $0xD, v1;
	_ =	sdelay $0x1  }
0xef: {  	v2 =	vmul.f32 v2, v3;
	_ =	sdelay $0x1  }
0xf0: {  	[tilespmem:s10+$0xFA00] =	vst v2  }
0xf1: {  	v2 =	vld.idx.msk [tilespmem:v48+s13+$0x0], $0xffff;
	_ =	sdelay $0x2  }
0xf2: {  	v49 =	vor.u32 $0xE, v1;
	_ =	sdelay $0x1  }
0xf3: {  	v2 =	vmul.f32 v2, v3;
	_ =	sdelay $0x1  }
0xf4: {  	[tilespmem:s10+$0xFA80] =	vst v2  }
0xf5: {  	v2 =	vld.idx.msk [tilespmem:v49+s13+$0x0], $0xffff;
	_ =	sdelay $0x2  }
0xf6: {  	v1 =	vor.u32 $0xF, v1;
	_ =	sdelay $0x1  }
0xf7: {  	v2 =	vmul.f32 v2, v3;
	_ =	sdelay $0x1  }
0xf8: {  	[tilespmem:s10+$0xFB00] =	vst v2  }
0xf9: {  	v1 =	vld.idx.msk [tilespmem:v1+s13+$0x0], $0xffff;
	_ =	sdelay $0x4  }
0xfa: {  	v1 =	vmul.f32 v1, v3  }
0xfb: {  	s12 =	sshll.u32 s26, $0x11  }
0xfc: {  	s31 =	sadd.s32 s12, s5;
	[tilespmem:s10+$0xFB80] =	vst v1  }
0xfd: {  	[hbm4b:s31+s18] =	stream.strided.scatter [tilespmem:s20], [sflag:$0x3], $0x4000, s19, s18, $0x38;
	[tilespmem:$0x16800] =	vst v63  }
0xfe: {  	s1 =	sadd.s32 $0x800, s29;
	s4 =	simm.s32 $0x0  }
0xff: {  	[tilespmem:s13], [sflag:$0x1] =	stream.indirect.gather [hbm4b:s3+s9], $0x10, s1, s9, $0xb8;
	[tilespmem:$0x16800] =	vst v63  }
0x100: {  	s2 =	sadd.s32 $0xA00, s29;
	s0 =	sand.u32 $0x1F, s4  }
0x101: {  	[tilespmem:s14], [sflag:$0x1] =	stream.indirect.gather [hbm4b:s3+s9], $0x10, s2, s9, $0xb8;
	[tilespmem:$0x16800] =	vst v63  }
0x102: {  	s6 =	sshll.u32 s0, $0x4;
	_ =	swait.ge [sflag:s21], $0x2000  }
0x103: {  	v1 =	vmov s6;
	[sflag:s21] =	ssyncset.done $0x0  }
0x104: {  	v1 =	vshll.u32 v1, $0x4;
	[sflag:s21] =	ssyncadd.s32 $0xFFFFE000  }
0x105: {  	s7 =	simm.s32 $0x0;
	v1 =	vor.u32 v0, v1;
	_ =	swait.ge [sflag:s21], $0x2000  }
0x106: {  	v1 =	vor.u32 s7, v1;
	[sflag:s21] =	ssyncset.done $0x0  }
0x107: {  	s2 =	simm.s32 @!p0 $0x4;
	[sflag:s21] =	ssyncadd.s32 $0xFFFFE000  }
0x108: {  	s4 =	sadd.s32 $0x0, s28;
	_ =	swait.ge @!p0 [sflag:s2], $0x4000  }
0x109: {  	s4 =	sshll.u32 s4, $0x9;
	[sflag:s2] =	ssyncset.done @!p0 $0x0  }
0x10a: {  	s10 =	sand.u32 $0x3FFFFE00, s4;
	[sflag:s2] =	ssyncadd.s32 @!p0 $0xFFFFC000  }
0x10b: {  	s2 =	sor.u32 s6, s10;
	v2 =	vld.idx.msk [tilespmem:v1+s15+$0x0], $0xffff  }
0x10c: {  	v3 =	vld [tilespmem:s2+$0x3400];
	_ =	sdelay $0x2  }
0x10d: {  	s0 =	sshrl.u32 s0, $0x3;
	v50 =	vor.u32 $0x1, v1  }
0x10e: {  	s12 =	sshll.u32 s0, $0x7;
	s0 =	sshll.u32 s0, $0xA;
	s31 =	simm.s32 $0x0  }
0x10f: {  	s0 =	sor.u32 s31, s0;
	s1 =	ssub.s32 s6, s12;
	v2 =	vmul.f32 v2, v3  }
0x110: {  	s0 =	sadd.s32 s1, s0  }
0x111: {  	[tilespmem:s0+$0x12800] =	vst v2  }
0x112: {  	v2 =	vld.idx.msk [tilespmem:v50+s15+$0x0], $0xffff;
	_ =	sdelay $0x2  }
0x113: {  	v51 =	vor.u32 $0x2, v1;
	_ =	sdelay $0x1  }
0x114: {  	v2 =	vmul.f32 v2, v3  }
0x115: {  	s29 =	sadd.s32 $0x12800, s0  }
0x116: {  	[tilespmem:s29+$0x80] =	vst v2  }
0x117: {  	v2 =	vld.idx.msk [tilespmem:v51+s15+$0x0], $0xffff;
	_ =	sdelay $0x2  }
0x118: {  	v52 =	vor.u32 $0x3, v1;
	_ =	sdelay $0x1  }
0x119: {  	v2 =	vmul.f32 v2, v3;
	_ =	sdelay $0x1  }
0x11a: {  	[tilespmem:s29+$0x100] =	vst v2  }
0x11b: {  	v2 =	vld.idx.msk [tilespmem:v52+s15+$0x0], $0xffff;
	_ =	sdelay $0x2  }
0x11c: {  	v53 =	vor.u32 $0x4, v1;
	_ =	sdelay $0x1  }
0x11d: {  	v2 =	vmul.f32 v2, v3;
	_ =	sdelay $0x1  }
0x11e: {  	[tilespmem:s29+$0x180] =	vst v2  }
0x11f: {  	v2 =	vld.idx.msk [tilespmem:v53+s15+$0x0], $0xffff;
	_ =	sdelay $0x2  }
0x120: {  	v54 =	vor.u32 $0x5, v1;
	_ =	sdelay $0x1  }
0x121: {  	v2 =	vmul.f32 v2, v3;
	_ =	sdelay $0x1  }
0x122: {  	[tilespmem:s29+$0x200] =	vst v2  }
0x123: {  	v2 =	vld.idx.msk [tilespmem:v54+s15+$0x0], $0xffff;
	_ =	sdelay $0x2  }
0x124: {  	v55 =	vor.u32 $0x6, v1;
	_ =	sdelay $0x1  }
0x125: {  	v2 =	vmul.f32 v2, v3;
	_ =	sdelay $0x1  }
0x126: {  	[tilespmem:s29+$0x280] =	vst v2  }
0x127: {  	v2 =	vld.idx.msk [tilespmem:v55+s15+$0x0], $0xffff;
	_ =	sdelay $0x2  }
0x128: {  	v56 =	vor.u32 $0x7, v1;
	_ =	sdelay $0x1  }
0x129: {  	v2 =	vmul.f32 v2, v3;
	_ =	sdelay $0x1  }
0x12a: {  	[tilespmem:s29+$0x300] =	vst v2  }
0x12b: {  	v2 =	vld.idx.msk [tilespmem:v56+s15+$0x0], $0xffff;
	_ =	sdelay $0x2  }
0x12c: {  	v57 =	vor.u32 $0x8, v1;
	_ =	sdelay $0x1  }
0x12d: {  	v2 =	vmul.f32 v2, v3;
	_ =	sdelay $0x1  }
0x12e: {  	[tilespmem:s29+$0x380] =	vst v2  }
0x12f: {  	v2 =	vld.idx.msk [tilespmem:v57+s15+$0x0], $0xffff;
	_ =	sdelay $0x2  }
0x130: {  	v58 =	vor.u32 $0x9, v1;
	_ =	sdelay $0x1  }
0x131: {  	v2 =	vmul.f32 v2, v3;
	_ =	sdelay $0x1  }
0x132: {  	[tilespmem:s29+$0x1000] =	vst v2  }
0x133: {  	v2 =	vld.idx.msk [tilespmem:v58+s15+$0x0], $0xffff;
	_ =	sdelay $0x2  }
0x134: {  	v59 =	vor.u32 $0xA, v1;
	_ =	sdelay $0x1  }
0x135: {  	v2 =	vmul.f32 v2, v3;
	_ =	sdelay $0x1  }
0x136: {  	[tilespmem:s29+$0x1080] =	vst v2  }
0x137: {  	v2 =	vld.idx.msk [tilespmem:v59+s15+$0x0], $0xffff;
	_ =	sdelay $0x2  }
0x138: {  	v60 =	vor.u32 $0xB, v1;
	_ =	sdelay $0x1  }
0x139: {  	v2 =	vmul.f32 v2, v3;
	_ =	sdelay $0x1  }
0x13a: {  	[tilespmem:s29+$0x1100] =	vst v2  }
0x13b: {  	v2 =	vld.idx.msk [tilespmem:v60+s15+$0x0], $0xffff;
	_ =	sdelay $0x2  }
0x13c: {  	v61 =	vor.u32 $0xC, v1;
	_ =	sdelay $0x1  }
0x13d: {  	v2 =	vmul.f32 v2, v3;
	_ =	sdelay $0x1  }
0x13e: {  	[tilespmem:s29+$0x1180] =	vst v2  }
0x13f: {  	v2 =	vld.idx.msk [tilespmem:v61+s15+$0x0], $0xffff;
	_ =	sdelay $0x2  }
0x140: {  	v62 =	vor.u32 $0xD, v1;
	_ =	sdelay $0x1  }
0x141: {  	v2 =	vmul.f32 v2, v3;
	_ =	sdelay $0x1  }
0x142: {  	[tilespmem:s29+$0x1200] =	vst v2  }
0x143: {  	v2 =	vld.idx.msk [tilespmem:v62+s15+$0x0], $0xffff;
	_ =	sdelay $0x2  }
0x144: {  	v63 =	vor.u32 $0xE, v1;
	_ =	sdelay $0x1  }
0x145: {  	v2 =	vmul.f32 v2, v3;
	_ =	sdelay $0x1  }
0x146: {  	[tilespmem:s29+$0x1280] =	vst v2  }
0x147: {  	v2 =	vld.idx.msk [tilespmem:v63+s15+$0x0], $0xffff;
	_ =	sdelay $0x2  }
0x148: {  	v1 =	vor.u32 $0xF, v1;
	_ =	sdelay $0x1  }
0x149: {  	s2 =	simm.s32 $0x1;
	v2 =	vmul.f32 v2, v3  }
0x14a: {  	s0 =	sand.u32 $0x1F, s2  }
0x14b: {  	s12 =	sshll.u32 s0, $0x4;
	[tilespmem:s29+$0x1300] =	vst v2  }
0x14c: {  	v2 =	vld.idx.msk [tilespmem:v1+s15+$0x0], $0xffff;
	v1 =	vmov s12  }
0x14d: {  	v1 =	vshll.u32 v1, $0x4  }
0x14e: {  	s31 =	simm.s32 $0x0;
	s7 =	simm.s32 $0x0;
	s4 =	sshrl.u32 s0, $0x3;
	v1 =	vor.u32 v0, v1  }
0x14f: {  	s10 =	sadd.s32 $0x0, s28;
	s6 =	sshll.u32 s4, $0x7;
	s1 =	sshll.u32 s4, $0xA;
	v1 =	vor.u32 s31, v1  }
0x150: {  	s4 =	sshll.u32 s10, $0x9;
	s0 =	ssub.s32 s12, s6;
	s1 =	sor.u32 s7, s1  }
0x151: {  	s30 =	simm.s32 $0x2;
	s2 =	sand.u32 $0x3FFFFE00, s4;
	s1 =	sadd.s32 s0, s1;
	v2 =	vmul.f32 v2, v3  }
.LBB2_5:
0x152: {  	_ = 	snop  }
0x153: {  	p0 =	sne.s32 s30, $0x3F;
	s0 =	smov.u32 s30;
	s30 =	sadd.s32 $0x1, s30;
	[tilespmem:s29+$0x1380] =	vst v2  }
0x154: {  	s2 =	sor.u32 s12, s2;
	v3 =	vld.idx.msk [tilespmem:v1+s15+$0x0], $0xffff  }
0x155: {  	v2 =	vld [tilespmem:s2+$0x3400];
	_ =	sdelay $0x2  }
0x156: {  	v4 =	vor.u32 $0x1, v1;
	_ =	sdelay $0x1  }
0x157: {  	v3 =	vmul.f32 v3, v2;
	_ =	sdelay $0x1  }
0x158: {  	[tilespmem:s1+$0x12800] =	vst v3  }
0x159: {  	v3 =	vld.idx.msk [tilespmem:v4+s15+$0x0], $0xffff;
	_ =	sdelay $0x3  }
0x15a: {  	v4 =	vor.u32 $0x2, v1;
	_ =	sdelay $0x1  }
0x15b: {  	v3 =	vmul.f32 v3, v2  }
0x15c: {  	s29 =	sadd.s32 $0x12800, s1  }
0x15d: {  	[tilespmem:s29+$0x80] =	vst v3  }
0x15e: {  	v3 =	vld.idx.msk [tilespmem:v4+s15+$0x0], $0xffff;
	_ =	sdelay $0x3  }
0x15f: {  	v4 =	vor.u32 $0x3, v1;
	_ =	sdelay $0x1  }
0x160: {  	v3 =	vmul.f32 v3, v2;
	_ =	sdelay $0x1  }
0x161: {  	[tilespmem:s29+$0x100] =	vst v3  }
0x162: {  	v3 =	vld.idx.msk [tilespmem:v4+s15+$0x0], $0xffff;
	_ =	sdelay $0x3  }
0x163: {  	v4 =	vor.u32 $0x4, v1;
	_ =	sdelay $0x1  }
0x164: {  	v3 =	vmul.f32 v3, v2;
	_ =	sdelay $0x1  }
0x165: {  	[tilespmem:s29+$0x180] =	vst v3  }
0x166: {  	v3 =	vld.idx.msk [tilespmem:v4+s15+$0x0], $0xffff;
	_ =	sdelay $0x3  }
0x167: {  	v4 =	vor.u32 $0x5, v1;
	_ =	sdelay $0x1  }
0x168: {  	v3 =	vmul.f32 v3, v2;
	_ =	sdelay $0x1  }
0x169: {  	[tilespmem:s29+$0x200] =	vst v3  }
0x16a: {  	v3 =	vld.idx.msk [tilespmem:v4+s15+$0x0], $0xffff;
	_ =	sdelay $0x3  }
0x16b: {  	v4 =	vor.u32 $0x6, v1;
	_ =	sdelay $0x1  }
0x16c: {  	v3 =	vmul.f32 v3, v2;
	_ =	sdelay $0x1  }
0x16d: {  	[tilespmem:s29+$0x280] =	vst v3  }
0x16e: {  	v3 =	vld.idx.msk [tilespmem:v4+s15+$0x0], $0xffff;
	_ =	sdelay $0x3  }
0x16f: {  	v4 =	vor.u32 $0x7, v1;
	_ =	sdelay $0x1  }
0x170: {  	v3 =	vmul.f32 v3, v2;
	_ =	sdelay $0x1  }
0x171: {  	[tilespmem:s29+$0x300] =	vst v3  }
0x172: {  	v3 =	vld.idx.msk [tilespmem:v4+s15+$0x0], $0xffff;
	_ =	sdelay $0x3  }
0x173: {  	v4 =	vor.u32 $0x8, v1;
	_ =	sdelay $0x1  }
0x174: {  	v3 =	vmul.f32 v3, v2;
	_ =	sdelay $0x1  }
0x175: {  	[tilespmem:s29+$0x380] =	vst v3  }
0x176: {  	v3 =	vld.idx.msk [tilespmem:v4+s15+$0x0], $0xffff;
	_ =	sdelay $0x3  }
0x177: {  	v4 =	vor.u32 $0x9, v1;
	_ =	sdelay $0x1  }
0x178: {  	v3 =	vmul.f32 v3, v2;
	_ =	sdelay $0x1  }
0x179: {  	[tilespmem:s29+$0x1000] =	vst v3  }
0x17a: {  	v3 =	vld.idx.msk [tilespmem:v4+s15+$0x0], $0xffff;
	_ =	sdelay $0x3  }
0x17b: {  	v4 =	vor.u32 $0xA, v1;
	_ =	sdelay $0x1  }
0x17c: {  	v3 =	vmul.f32 v3, v2;
	_ =	sdelay $0x1  }
0x17d: {  	[tilespmem:s29+$0x1080] =	vst v3  }
0x17e: {  	v3 =	vld.idx.msk [tilespmem:v4+s15+$0x0], $0xffff;
	_ =	sdelay $0x3  }
0x17f: {  	v4 =	vor.u32 $0xB, v1;
	_ =	sdelay $0x1  }
0x180: {  	v3 =	vmul.f32 v3, v2;
	_ =	sdelay $0x1  }
0x181: {  	[tilespmem:s29+$0x1100] =	vst v3  }
0x182: {  	v3 =	vld.idx.msk [tilespmem:v4+s15+$0x0], $0xffff;
	_ =	sdelay $0x3  }
0x183: {  	v4 =	vor.u32 $0xC, v1;
	_ =	sdelay $0x1  }
0x184: {  	v3 =	vmul.f32 v3, v2;
	_ =	sdelay $0x1  }
0x185: {  	[tilespmem:s29+$0x1180] =	vst v3  }
0x186: {  	v3 =	vld.idx.msk [tilespmem:v4+s15+$0x0], $0xffff;
	_ =	sdelay $0x3  }
0x187: {  	v4 =	vor.u32 $0xD, v1;
	_ =	sdelay $0x1  }
0x188: {  	v3 =	vmul.f32 v3, v2;
	_ =	sdelay $0x1  }
0x189: {  	[tilespmem:s29+$0x1200] =	vst v3  }
0x18a: {  	v3 =	vld.idx.msk [tilespmem:v4+s15+$0x0], $0xffff;
	_ =	sdelay $0x3  }
0x18b: {  	v4 =	vor.u32 $0xE, v1;
	_ =	sdelay $0x1  }
0x18c: {  	v3 =	vmul.f32 v3, v2;
	_ =	sdelay $0x1  }
0x18d: {  	[tilespmem:s29+$0x1280] =	vst v3  }
0x18e: {  	v3 =	vld.idx.msk [tilespmem:v4+s15+$0x0], $0xffff;
	_ =	sdelay $0x3  }
0x18f: {  	v1 =	vor.u32 $0xF, v1;
	_ =	sdelay $0x1  }
0x190: {  	v3 =	vmul.f32 v3, v2  }
0x191: {  	s1 =	sshrl.u32 s0, $0x5;
	s0 =	sand.u32 $0x1F, s0  }
0x192: {  	s2 =	sshrl.u32 s0, $0x3;
	[tilespmem:s29+$0x1300] =	vst v3  }
0x193: {  	s12 =	sshll.u32 s0, $0x4;
	s0 =	sshll.u32 s1, $0xF;
	s6 =	sadd.s32 s28, s1;
	v3 =	vld.idx.msk [tilespmem:v1+s15+$0x0], $0xffff  }
0x194: {  	s4 =	sshll.u32 s2, $0x7;
	s2 =	sshll.u32 s2, $0xA;
	s0 =	sshra.s32 s0, $0x2;
	v1 =	vmov s12  }
.Ltmp1:
0x195: {  	s4 =	ssub.s32 s12, s4;
	s0 =	sor.u32 s0, s2;
	v1 =	vshll.u32 v1, $0x4;
	(pc) =	sbr.rel @p0 .LBB2_5-.Ltmp1, $4  }
0x196: {  	s2 =	sshll.u32 s1, $0xD;
	s1 =	sadd.s32 s4, s0;
	v1 =	vor.u32 v0, v1  }
0x197: {  	s0 =	sshll.u32 s6, $0x9;
	v1 =	vor.u32 s2, v1  }
0x198: {  	s2 =	sand.u32 $0x3FFFFE00, s0  }
0x199: {  	v2 =	vmul.f32 v3, v2  }
0x19a: {  	_ =	sdelay $0x2  }
0x19b: {  	[tilespmem:s29+$0x1380] =	vst v2  }
0x19c: {  	s0 =	sor.u32 s12, s2;
	v2 =	vld.idx.msk [tilespmem:v1+s15+$0x0], $0xffff  }
0x19d: {  	v3 =	vld [tilespmem:s0+$0x3400];
	_ =	sdelay $0x2  }
0x19e: {  	v4 =	vor.u32 $0x1, v1;
	_ =	sdelay $0x1  }
0x19f: {  	v2 =	vmul.f32 v2, v3;
	_ =	sdelay $0x1  }
0x1a0: {  	[tilespmem:s1+$0x12800] =	vst v2  }
0x1a1: {  	v2 =	vld.idx.msk [tilespmem:v4+s15+$0x0], $0xffff;
	_ =	sdelay $0x2  }
0x1a2: {  	v51 =	vor.u32 $0x2, v1;
	_ =	sdelay $0x1  }
0x1a3: {  	v2 =	vmul.f32 v2, v3  }
0x1a4: {  	s29 =	sadd.s32 $0x12800, s1  }
0x1a5: {  	[tilespmem:s29+$0x80] =	vst v2  }
0x1a6: {  	v2 =	vld.idx.msk [tilespmem:v51+s15+$0x0], $0xffff;
	_ =	sdelay $0x2  }
0x1a7: {  	v52 =	vor.u32 $0x3, v1;
	_ =	sdelay $0x1  }
0x1a8: {  	v2 =	vmul.f32 v2, v3;
	_ =	sdelay $0x1  }
0x1a9: {  	[tilespmem:s29+$0x100] =	vst v2  }
0x1aa: {  	v2 =	vld.idx.msk [tilespmem:v52+s15+$0x0], $0xffff;
	_ =	sdelay $0x2  }
0x1ab: {  	v53 =	vor.u32 $0x4, v1;
	_ =	sdelay $0x1  }
0x1ac: {  	v2 =	vmul.f32 v2, v3;
	_ =	sdelay $0x1  }
0x1ad: {  	[tilespmem:s29+$0x180] =	vst v2  }
0x1ae: {  	v2 =	vld.idx.msk [tilespmem:v53+s15+$0x0], $0xffff;
	_ =	sdelay $0x2  }
0x1af: {  	v54 =	vor.u32 $0x5, v1;
	_ =	sdelay $0x1  }
0x1b0: {  	v2 =	vmul.f32 v2, v3;
	_ =	sdelay $0x1  }
0x1b1: {  	[tilespmem:s29+$0x200] =	vst v2  }
0x1b2: {  	v2 =	vld.idx.msk [tilespmem:v54+s15+$0x0], $0xffff;
	_ =	sdelay $0x2  }
0x1b3: {  	v55 =	vor.u32 $0x6, v1;
	_ =	sdelay $0x1  }
0x1b4: {  	v2 =	vmul.f32 v2, v3;
	_ =	sdelay $0x1  }
0x1b5: {  	[tilespmem:s29+$0x280] =	vst v2  }
0x1b6: {  	v2 =	vld.idx.msk [tilespmem:v55+s15+$0x0], $0xffff;
	_ =	sdelay $0x2  }
0x1b7: {  	v56 =	vor.u32 $0x7, v1;
	_ =	sdelay $0x1  }
0x1b8: {  	v2 =	vmul.f32 v2, v3;
	_ =	sdelay $0x1  }
0x1b9: {  	[tilespmem:s29+$0x300] =	vst v2  }
0x1ba: {  	v2 =	vld.idx.msk [tilespmem:v56+s15+$0x0], $0xffff;
	_ =	sdelay $0x2  }
0x1bb: {  	v57 =	vor.u32 $0x8, v1;
	_ =	sdelay $0x1  }
0x1bc: {  	v2 =	vmul.f32 v2, v3;
	_ =	sdelay $0x1  }
0x1bd: {  	[tilespmem:s29+$0x380] =	vst v2  }
0x1be: {  	v2 =	vld.idx.msk [tilespmem:v57+s15+$0x0], $0xffff;
	_ =	sdelay $0x2  }
0x1bf: {  	v58 =	vor.u32 $0x9, v1;
	_ =	sdelay $0x1  }
0x1c0: {  	v2 =	vmul.f32 v2, v3;
	_ =	sdelay $0x1  }
0x1c1: {  	[tilespmem:s29+$0x1000] =	vst v2  }
0x1c2: {  	v2 =	vld.idx.msk [tilespmem:v58+s15+$0x0], $0xffff;
	_ =	sdelay $0x2  }
0x1c3: {  	v59 =	vor.u32 $0xA, v1;
	_ =	sdelay $0x1  }
0x1c4: {  	v2 =	vmul.f32 v2, v3;
	_ =	sdelay $0x1  }
0x1c5: {  	[tilespmem:s29+$0x1080] =	vst v2  }
0x1c6: {  	v2 =	vld.idx.msk [tilespmem:v59+s15+$0x0], $0xffff;
	_ =	sdelay $0x2  }
0x1c7: {  	v60 =	vor.u32 $0xB, v1;
	_ =	sdelay $0x1  }
0x1c8: {  	v2 =	vmul.f32 v2, v3;
	_ =	sdelay $0x1  }
0x1c9: {  	[tilespmem:s29+$0x1100] =	vst v2  }
0x1ca: {  	v2 =	vld.idx.msk [tilespmem:v60+s15+$0x0], $0xffff;
	_ =	sdelay $0x2  }
0x1cb: {  	v61 =	vor.u32 $0xC, v1;
	_ =	sdelay $0x1  }
0x1cc: {  	v2 =	vmul.f32 v2, v3;
	_ =	sdelay $0x1  }
0x1cd: {  	[tilespmem:s29+$0x1180] =	vst v2  }
0x1ce: {  	v2 =	vld.idx.msk [tilespmem:v61+s15+$0x0], $0xffff;
	_ =	sdelay $0x2  }
0x1cf: {  	v62 =	vor.u32 $0xD, v1;
	_ =	sdelay $0x1  }
0x1d0: {  	v2 =	vmul.f32 v2, v3;
	_ =	sdelay $0x1  }
0x1d1: {  	[tilespmem:s29+$0x1200] =	vst v2  }
0x1d2: {  	v2 =	vld.idx.msk [tilespmem:v62+s15+$0x0], $0xffff;
	_ =	sdelay $0x2  }
0x1d3: {  	v63 =	vor.u32 $0xE, v1;
	_ =	sdelay $0x1  }
0x1d4: {  	v2 =	vmul.f32 v2, v3;
	_ =	sdelay $0x1  }
0x1d5: {  	[tilespmem:s29+$0x1280] =	vst v2  }
0x1d6: {  	v2 =	vld.idx.msk [tilespmem:v63+s15+$0x0], $0xffff;
	_ =	sdelay $0x2  }
0x1d7: {  	v1 =	vor.u32 $0xF, v1;
	_ =	sdelay $0x1  }
0x1d8: {  	v2 =	vmul.f32 v2, v3;
	_ =	sdelay $0x1  }
0x1d9: {  	[tilespmem:s29+$0x1300] =	vst v2  }
0x1da: {  	v1 =	vld.idx.msk [tilespmem:v1+s15+$0x0], $0xffff;
	_ =	sdelay $0x1  }
0x1db: {  	s26 =	sadd.s32 $0x1, s26  }
0x1dc: {  	p0 =	sne.s32 s26, $0x6  }
.Ltmp2:
0x1dd: {  	_ = 	snop;
	(pc) =	sbr.rel @p0 .LBB2_2-.Ltmp2, $4  }
0x1de: {  	v1 =	vmul.f32 v1, v3  }
0x1df: {  	s30 =	sshll.u32 s28, $0xF  }
0x1e0: {  	s31 =	sadd.s32 s30, s5;
	[tilespmem:s29+$0x1380] =	vst v1  }
0x1e1: {  	[hbm4b:s31+s18] =	stream.strided.scatter [tilespmem:s22], [sflag:$0x4], $0x4000, s19, s18, $0x38;
	[tilespmem:$0x16800] =	vst v63  }
0x1e2: {  	s0 =	simm.s32 $0x0  }
0x1e3: {  	_ =	swait.ge [sflag:s17], $0x2000;
	s0 =	sand.u32 $0x1F, s0  }
0x1e4: {  	[sflag:s17] =	ssyncset.done $0x0;
	s1 =	sshll.u32 s0, $0x4  }
0x1e5: {  	[sflag:s17] =	ssyncadd.s32 $0xFFFFE000;
	v1 =	vmov s1  }
0x1e6: {  	_ =	swait.ge [sflag:s17], $0x2000;
	v1 =	vshll.u32 v1, $0x4  }
0x1e7: {  	s2 =	simm.s32 $0x0;
	[sflag:s17] =	ssyncset.done $0x0;
	v1 =	vor.u32 v0, v1  }
0x1e8: {  	[sflag:s17] =	ssyncadd.s32 $0xFFFFE000;
	v1 =	vor.u32 s2, v1  }
0x1e9: {  	s12 =	simm.s32 $0x0;
	_ =	swait.ge [sflag:s23], $0x4000  }
0x1ea: {  	s2 =	sand.u32 $0x3FFFFE00, s12;
	[sflag:s23] =	ssyncset.done $0x0  }
0x1eb: {  	s2 =	sor.u32 s1, s2;
	[sflag:s23] =	ssyncadd.s32 $0xFFFFC000  }
0x1ec: {  	v3 =	vld [tilespmem:s2+$0x6400]  }
0x1ed: {  	v2 =	vld.idx.msk [tilespmem:v1+s13+$0x0], $0xffff;
	_ =	sdelay $0x2  }
0x1ee: {  	s0 =	sshrl.u32 s0, $0x3;
	v4 =	vor.u32 $0x1, v1  }
0x1ef: {  	s4 =	simm.s32 $0x0;
	s26 =	sshll.u32 s0, $0x7;
	s0 =	sshll.u32 s0, $0xA  }
0x1f0: {  	s0 =	sor.u32 s4, s0;
	s1 =	ssub.s32 s1, s26;
	v2 =	vmul.f32 v2, v3  }
0x1f1: {  	s26 =	sadd.s32 s1, s0  }
0x1f2: {  	[tilespmem:s26+$0xE800] =	vst v2  }
0x1f3: {  	v2 =	vld.idx.msk [tilespmem:v4+s13+$0x0], $0xffff;
	_ =	sdelay $0x2  }
0x1f4: {  	v51 =	vor.u32 $0x2, v1;
	_ =	sdelay $0x1  }
0x1f5: {  	v2 =	vmul.f32 v2, v3;
	_ =	sdelay $0x1  }
0x1f6: {  	[tilespmem:s26+$0xE880] =	vst v2  }
0x1f7: {  	v2 =	vld.idx.msk [tilespmem:v51+s13+$0x0], $0xffff;
	_ =	sdelay $0x2  }
0x1f8: {  	v52 =	vor.u32 $0x3, v1;
	_ =	sdelay $0x1  }
0x1f9: {  	v2 =	vmul.f32 v2, v3;
	_ =	sdelay $0x1  }
0x1fa: {  	[tilespmem:s26+$0xE900] =	vst v2  }
0x1fb: {  	v2 =	vld.idx.msk [tilespmem:v52+s13+$0x0], $0xffff;
	_ =	sdelay $0x2  }
0x1fc: {  	v53 =	vor.u32 $0x4, v1;
	_ =	sdelay $0x1  }
0x1fd: {  	v2 =	vmul.f32 v2, v3;
	_ =	sdelay $0x1  }
0x1fe: {  	[tilespmem:s26+$0xE980] =	vst v2  }
0x1ff: {  	v2 =	vld.idx.msk [tilespmem:v53+s13+$0x0], $0xffff;
	_ =	sdelay $0x2  }
0x200: {  	v54 =	vor.u32 $0x5, v1;
	_ =	sdelay $0x1  }
0x201: {  	v2 =	vmul.f32 v2, v3;
	_ =	sdelay $0x1  }
0x202: {  	[tilespmem:s26+$0xEA00] =	vst v2  }
0x203: {  	v2 =	vld.idx.msk [tilespmem:v54+s13+$0x0], $0xffff;
	_ =	sdelay $0x2  }
0x204: {  	v55 =	vor.u32 $0x6, v1;
	_ =	sdelay $0x1  }
0x205: {  	v2 =	vmul.f32 v2, v3;
	_ =	sdelay $0x1  }
0x206: {  	[tilespmem:s26+$0xEA80] =	vst v2  }
0x207: {  	v2 =	vld.idx.msk [tilespmem:v55+s13+$0x0], $0xffff;
	_ =	sdelay $0x2  }
0x208: {  	v56 =	vor.u32 $0x7, v1;
	_ =	sdelay $0x1  }
0x209: {  	v2 =	vmul.f32 v2, v3;
	_ =	sdelay $0x1  }
0x20a: {  	[tilespmem:s26+$0xEB00] =	vst v2  }
0x20b: {  	v2 =	vld.idx.msk [tilespmem:v56+s13+$0x0], $0xffff;
	_ =	sdelay $0x2  }
0x20c: {  	v57 =	vor.u32 $0x8, v1;
	_ =	sdelay $0x1  }
0x20d: {  	v2 =	vmul.f32 v2, v3;
	_ =	sdelay $0x1  }
0x20e: {  	[tilespmem:s26+$0xEB80] =	vst v2  }
0x20f: {  	v2 =	vld.idx.msk [tilespmem:v57+s13+$0x0], $0xffff;
	_ =	sdelay $0x2  }
0x210: {  	v58 =	vor.u32 $0x9, v1;
	_ =	sdelay $0x1  }
0x211: {  	v2 =	vmul.f32 v2, v3;
	_ =	sdelay $0x1  }
0x212: {  	[tilespmem:s26+$0xF800] =	vst v2  }
0x213: {  	v2 =	vld.idx.msk [tilespmem:v58+s13+$0x0], $0xffff;
	_ =	sdelay $0x2  }
0x214: {  	v59 =	vor.u32 $0xA, v1;
	_ =	sdelay $0x1  }
0x215: {  	v2 =	vmul.f32 v2, v3;
	_ =	sdelay $0x1  }
0x216: {  	[tilespmem:s26+$0xF880] =	vst v2  }
0x217: {  	v2 =	vld.idx.msk [tilespmem:v59+s13+$0x0], $0xffff;
	_ =	sdelay $0x2  }
0x218: {  	v60 =	vor.u32 $0xB, v1;
	_ =	sdelay $0x1  }
0x219: {  	v2 =	vmul.f32 v2, v3;
	_ =	sdelay $0x1  }
0x21a: {  	[tilespmem:s26+$0xF900] =	vst v2  }
0x21b: {  	v2 =	vld.idx.msk [tilespmem:v60+s13+$0x0], $0xffff;
	_ =	sdelay $0x2  }
0x21c: {  	v61 =	vor.u32 $0xC, v1;
	_ =	sdelay $0x1  }
0x21d: {  	v2 =	vmul.f32 v2, v3;
	_ =	sdelay $0x1  }
0x21e: {  	[tilespmem:s26+$0xF980] =	vst v2  }
0x21f: {  	v2 =	vld.idx.msk [tilespmem:v61+s13+$0x0], $0xffff;
	_ =	sdelay $0x2  }
0x220: {  	v62 =	vor.u32 $0xD, v1;
	_ =	sdelay $0x1  }
0x221: {  	v2 =	vmul.f32 v2, v3;
	_ =	sdelay $0x1  }
0x222: {  	[tilespmem:s26+$0xFA00] =	vst v2  }
0x223: {  	v2 =	vld.idx.msk [tilespmem:v62+s13+$0x0], $0xffff;
	_ =	sdelay $0x2  }
0x224: {  	v63 =	vor.u32 $0xE, v1;
	_ =	sdelay $0x1  }
0x225: {  	v2 =	vmul.f32 v2, v3;
	_ =	sdelay $0x1  }
0x226: {  	[tilespmem:s26+$0xFA80] =	vst v2  }
0x227: {  	v2 =	vld.idx.msk [tilespmem:v63+s13+$0x0], $0xffff;
	_ =	sdelay $0x2  }
0x228: {  	v1 =	vor.u32 $0xF, v1;
	_ =	sdelay $0x1  }
0x229: {  	s28 =	simm.s32 $0x1;
	v2 =	vmul.f32 v2, v3  }
0x22a: {  	s0 =	sand.u32 $0x1F, s28  }
0x22b: {  	s1 =	sshll.u32 s0, $0x4;
	[tilespmem:s26+$0xFB00] =	vst v2  }
0x22c: {  	v2 =	vld.idx.msk [tilespmem:v1+s13+$0x0], $0xffff;
	v1 =	vmov s1  }
0x22d: {  	v1 =	vshll.u32 v1, $0x4  }
0x22e: {  	s31 =	simm.s32 $0x0;
	v1 =	vor.u32 v0, v1  }
0x22f: {  	s30 =	simm.s32 $0x0;
	s0 =	sshrl.u32 s0, $0x3;
	v1 =	vor.u32 s31, v1  }
0x230: {  	s12 =	simm.s32 $0x10;
	s29 =	sshll.u32 s0, $0xA;
	s6 =	sshll.u32 s0, $0x7  }
0x231: {  	s0 =	simm.s32 $0x2;
	s10 =	sor.u32 s30, s29;
	s2 =	ssub.s32 s1, s6;
	v2 =	vmul.f32 v2, v3  }
.LBB2_8:
0x232: {  	p0 =	sne.s32 s0, $0x3F  }
0x233: {  	s4 =	sand.u32 $0x3FFFFE00, s12;
	[tilespmem:s26+$0xFB80] =	vst v2;
	s28 =	smov.u32 s0;
	s0 =	sadd.s32 $0x1, s0  }
0x234: {  	s1 =	sor.u32 s1, s4;
	v3 =	vld.idx.msk [tilespmem:v1+s13+$0x0], $0xffff  }
0x235: {  	v2 =	vld [tilespmem:s1+$0x6400];
	_ =	sdelay $0x2  }
0x236: {  	v4 =	vor.u32 $0x1, v1;
	_ =	sdelay $0x1  }
0x237: {  	v3 =	vmul.f32 v3, v2  }
0x238: {  	s26 =	sadd.s32 s2, s10  }
0x239: {  	[tilespmem:s26+$0xE800] =	vst v3  }
0x23a: {  	v3 =	vld.idx.msk [tilespmem:v4+s13+$0x0], $0xffff;
	_ =	sdelay $0x3  }
0x23b: {  	v4 =	vor.u32 $0x2, v1;
	_ =	sdelay $0x1  }
0x23c: {  	v3 =	vmul.f32 v3, v2;
	_ =	sdelay $0x1  }
0x23d: {  	[tilespmem:s26+$0xE880] =	vst v3  }
0x23e: {  	v3 =	vld.idx.msk [tilespmem:v4+s13+$0x0], $0xffff;
	_ =	sdelay $0x3  }
0x23f: {  	v4 =	vor.u32 $0x3, v1;
	_ =	sdelay $0x1  }
0x240: {  	v3 =	vmul.f32 v3, v2;
	_ =	sdelay $0x1  }
0x241: {  	[tilespmem:s26+$0xE900] =	vst v3  }
0x242: {  	v3 =	vld.idx.msk [tilespmem:v4+s13+$0x0], $0xffff;
	_ =	sdelay $0x3  }
0x243: {  	v4 =	vor.u32 $0x4, v1;
	_ =	sdelay $0x1  }
0x244: {  	v3 =	vmul.f32 v3, v2;
	_ =	sdelay $0x1  }
0x245: {  	[tilespmem:s26+$0xE980] =	vst v3  }
0x246: {  	v3 =	vld.idx.msk [tilespmem:v4+s13+$0x0], $0xffff;
	_ =	sdelay $0x3  }
0x247: {  	v4 =	vor.u32 $0x5, v1;
	_ =	sdelay $0x1  }
0x248: {  	v3 =	vmul.f32 v3, v2;
	_ =	sdelay $0x1  }
0x249: {  	[tilespmem:s26+$0xEA00] =	vst v3  }
0x24a: {  	v3 =	vld.idx.msk [tilespmem:v4+s13+$0x0], $0xffff;
	_ =	sdelay $0x3  }
0x24b: {  	v4 =	vor.u32 $0x6, v1;
	_ =	sdelay $0x1  }
0x24c: {  	v3 =	vmul.f32 v3, v2;
	_ =	sdelay $0x1  }
0x24d: {  	[tilespmem:s26+$0xEA80] =	vst v3  }
0x24e: {  	v3 =	vld.idx.msk [tilespmem:v4+s13+$0x0], $0xffff;
	_ =	sdelay $0x3  }
0x24f: {  	v4 =	vor.u32 $0x7, v1;
	_ =	sdelay $0x1  }
0x250: {  	v3 =	vmul.f32 v3, v2;
	_ =	sdelay $0x1  }
0x251: {  	[tilespmem:s26+$0xEB00] =	vst v3  }
0x252: {  	v3 =	vld.idx.msk [tilespmem:v4+s13+$0x0], $0xffff;
	_ =	sdelay $0x3  }
0x253: {  	v4 =	vor.u32 $0x8, v1;
	_ =	sdelay $0x1  }
0x254: {  	v3 =	vmul.f32 v3, v2;
	_ =	sdelay $0x1  }
0x255: {  	[tilespmem:s26+$0xEB80] =	vst v3  }
0x256: {  	v3 =	vld.idx.msk [tilespmem:v4+s13+$0x0], $0xffff;
	_ =	sdelay $0x3  }
0x257: {  	v4 =	vor.u32 $0x9, v1;
	_ =	sdelay $0x1  }
0x258: {  	v3 =	vmul.f32 v3, v2;
	_ =	sdelay $0x1  }
0x259: {  	[tilespmem:s26+$0xF800] =	vst v3  }
0x25a: {  	v3 =	vld.idx.msk [tilespmem:v4+s13+$0x0], $0xffff;
	_ =	sdelay $0x3  }
0x25b: {  	v4 =	vor.u32 $0xA, v1;
	_ =	sdelay $0x1  }
0x25c: {  	v3 =	vmul.f32 v3, v2;
	_ =	sdelay $0x1  }
0x25d: {  	[tilespmem:s26+$0xF880] =	vst v3  }
0x25e: {  	v3 =	vld.idx.msk [tilespmem:v4+s13+$0x0], $0xffff;
	_ =	sdelay $0x3  }
0x25f: {  	v4 =	vor.u32 $0xB, v1;
	_ =	sdelay $0x1  }
0x260: {  	v3 =	vmul.f32 v3, v2;
	_ =	sdelay $0x1  }
0x261: {  	[tilespmem:s26+$0xF900] =	vst v3  }
0x262: {  	v3 =	vld.idx.msk [tilespmem:v4+s13+$0x0], $0xffff;
	_ =	sdelay $0x3  }
0x263: {  	v4 =	vor.u32 $0xC, v1;
	_ =	sdelay $0x1  }
0x264: {  	v3 =	vmul.f32 v3, v2;
	_ =	sdelay $0x1  }
0x265: {  	[tilespmem:s26+$0xF980] =	vst v3  }
0x266: {  	v3 =	vld.idx.msk [tilespmem:v4+s13+$0x0], $0xffff;
	_ =	sdelay $0x3  }
0x267: {  	v4 =	vor.u32 $0xD, v1;
	_ =	sdelay $0x1  }
0x268: {  	v3 =	vmul.f32 v3, v2;
	_ =	sdelay $0x1  }
0x269: {  	[tilespmem:s26+$0xFA00] =	vst v3  }
0x26a: {  	v3 =	vld.idx.msk [tilespmem:v4+s13+$0x0], $0xffff;
	_ =	sdelay $0x3  }
0x26b: {  	v4 =	vor.u32 $0xE, v1;
	_ =	sdelay $0x1  }
0x26c: {  	v3 =	vmul.f32 v3, v2;
	_ =	sdelay $0x1  }
0x26d: {  	[tilespmem:s26+$0xFA80] =	vst v3  }
0x26e: {  	v3 =	vld.idx.msk [tilespmem:v4+s13+$0x0], $0xffff;
	_ =	sdelay $0x3  }
0x26f: {  	v1 =	vor.u32 $0xF, v1;
	_ =	sdelay $0x1  }
0x270: {  	v3 =	vmul.f32 v3, v2;
	_ =	sdelay $0x1  }
0x271: {  	s4 =	sshrl.u32 s28, $0x5;
	s1 =	sand.u32 $0x1F, s28;
	[tilespmem:s26+$0xFB00] =	vst v3  }
0x272: {  	s6 =	sshll.u32 s4, $0xF;
	s2 =	sshrl.u32 s1, $0x3;
	s1 =	sshll.u32 s1, $0x4;
	v3 =	vld.idx.msk [tilespmem:v1+s13+$0x0], $0xffff  }
0x273: {  	s6 =	sshra.s32 s6, $0x2;
	s7 =	sshll.u32 s2, $0x7;
	s10 =	sshll.u32 s2, $0xA;
	v1 =	vmov s1  }
0x274: {  	s2 =	ssub.s32 s1, s7;
	s10 =	sor.u32 s6, s10;
	v1 =	vshll.u32 v1, $0x4  }
.Ltmp3:
0x275: {  	s4 =	sshll.u32 s4, $0xD;
	v1 =	vor.u32 v0, v1;
	(pc) =	sbr.rel @p0 .LBB2_8-.Ltmp3, $3  }
0x276: {  	v1 =	vor.u32 s4, v1;
	_ =	sdelay $0x1  }
0x277: {  	v2 =	vmul.f32 v3, v2  }
0x278: {  	s12 =	sshll.u32 s28, $0x4  }
0x279: {  	_ =	sdelay $0x2  }
0x27a: {  	s0 =	sand.u32 $0x3FFFFE00, s12;
	[tilespmem:s26+$0xFB80] =	vst v2  }
0x27b: {  	s0 =	sor.u32 s1, s0;
	v2 =	vld.idx.msk [tilespmem:v1+s13+$0x0], $0xffff  }
0x27c: {  	v3 =	vld [tilespmem:s0+$0x6400];
	_ =	sdelay $0x2  }
0x27d: {  	v4 =	vor.u32 $0x1, v1;
	_ =	sdelay $0x1  }
0x27e: {  	v2 =	vmul.f32 v2, v3  }
0x27f: {  	s30 =	sadd.s32 s2, s10  }
0x280: {  	[tilespmem:s30+$0xE800] =	vst v2  }
0x281: {  	v2 =	vld.idx.msk [tilespmem:v4+s13+$0x0], $0xffff;
	_ =	sdelay $0x2  }
0x282: {  	v51 =	vor.u32 $0x2, v1;
	_ =	sdelay $0x1  }
0x283: {  	v2 =	vmul.f32 v2, v3;
	_ =	sdelay $0x1  }
0x284: {  	[tilespmem:s30+$0xE880] =	vst v2  }
0x285: {  	v2 =	vld.idx.msk [tilespmem:v51+s13+$0x0], $0xffff;
	_ =	sdelay $0x2  }
0x286: {  	v52 =	vor.u32 $0x3, v1;
	_ =	sdelay $0x1  }
0x287: {  	v2 =	vmul.f32 v2, v3;
	_ =	sdelay $0x1  }
0x288: {  	[tilespmem:s30+$0xE900] =	vst v2  }
0x289: {  	v2 =	vld.idx.msk [tilespmem:v52+s13+$0x0], $0xffff;
	_ =	sdelay $0x2  }
0x28a: {  	v53 =	vor.u32 $0x4, v1;
	_ =	sdelay $0x1  }
0x28b: {  	v2 =	vmul.f32 v2, v3;
	_ =	sdelay $0x1  }
0x28c: {  	[tilespmem:s30+$0xE980] =	vst v2  }
0x28d: {  	v2 =	vld.idx.msk [tilespmem:v53+s13+$0x0], $0xffff;
	_ =	sdelay $0x2  }
0x28e: {  	v54 =	vor.u32 $0x5, v1;
	_ =	sdelay $0x1  }
0x28f: {  	v2 =	vmul.f32 v2, v3;
	_ =	sdelay $0x1  }
0x290: {  	[tilespmem:s30+$0xEA00] =	vst v2  }
0x291: {  	v2 =	vld.idx.msk [tilespmem:v54+s13+$0x0], $0xffff;
	_ =	sdelay $0x2  }
0x292: {  	v55 =	vor.u32 $0x6, v1;
	_ =	sdelay $0x1  }
0x293: {  	v2 =	vmul.f32 v2, v3;
	_ =	sdelay $0x1  }
0x294: {  	[tilespmem:s30+$0xEA80] =	vst v2  }
0x295: {  	v2 =	vld.idx.msk [tilespmem:v55+s13+$0x0], $0xffff;
	_ =	sdelay $0x2  }
0x296: {  	v56 =	vor.u32 $0x7, v1;
	_ =	sdelay $0x1  }
0x297: {  	v2 =	vmul.f32 v2, v3;
	_ =	sdelay $0x1  }
0x298: {  	[tilespmem:s30+$0xEB00] =	vst v2  }
0x299: {  	v2 =	vld.idx.msk [tilespmem:v56+s13+$0x0], $0xffff;
	_ =	sdelay $0x2  }
0x29a: {  	v57 =	vor.u32 $0x8, v1;
	_ =	sdelay $0x1  }
0x29b: {  	v2 =	vmul.f32 v2, v3;
	_ =	sdelay $0x1  }
0x29c: {  	[tilespmem:s30+$0xEB80] =	vst v2  }
0x29d: {  	v2 =	vld.idx.msk [tilespmem:v57+s13+$0x0], $0xffff;
	_ =	sdelay $0x2  }
0x29e: {  	v58 =	vor.u32 $0x9, v1;
	_ =	sdelay $0x1  }
0x29f: {  	v2 =	vmul.f32 v2, v3;
	_ =	sdelay $0x1  }
0x2a0: {  	[tilespmem:s30+$0xF800] =	vst v2  }
0x2a1: {  	v2 =	vld.idx.msk [tilespmem:v58+s13+$0x0], $0xffff;
	_ =	sdelay $0x2  }
0x2a2: {  	v59 =	vor.u32 $0xA, v1;
	_ =	sdelay $0x1  }
0x2a3: {  	v2 =	vmul.f32 v2, v3;
	_ =	sdelay $0x1  }
0x2a4: {  	[tilespmem:s30+$0xF880] =	vst v2  }
0x2a5: {  	v2 =	vld.idx.msk [tilespmem:v59+s13+$0x0], $0xffff;
	_ =	sdelay $0x2  }
0x2a6: {  	v60 =	vor.u32 $0xB, v1;
	_ =	sdelay $0x1  }
0x2a7: {  	v2 =	vmul.f32 v2, v3;
	_ =	sdelay $0x1  }
0x2a8: {  	[tilespmem:s30+$0xF900] =	vst v2  }
0x2a9: {  	v2 =	vld.idx.msk [tilespmem:v60+s13+$0x0], $0xffff;
	_ =	sdelay $0x2  }
0x2aa: {  	v61 =	vor.u32 $0xC, v1;
	_ =	sdelay $0x1  }
0x2ab: {  	v2 =	vmul.f32 v2, v3;
	_ =	sdelay $0x1  }
0x2ac: {  	[tilespmem:s30+$0xF980] =	vst v2  }
0x2ad: {  	v2 =	vld.idx.msk [tilespmem:v61+s13+$0x0], $0xffff;
	_ =	sdelay $0x2  }
0x2ae: {  	v62 =	vor.u32 $0xD, v1;
	_ =	sdelay $0x1  }
0x2af: {  	v2 =	vmul.f32 v2, v3;
	_ =	sdelay $0x1  }
0x2b0: {  	[tilespmem:s30+$0xFA00] =	vst v2  }
0x2b1: {  	v2 =	vld.idx.msk [tilespmem:v62+s13+$0x0], $0xffff;
	_ =	sdelay $0x2  }
0x2b2: {  	v63 =	vor.u32 $0xE, v1;
	_ =	sdelay $0x1  }
0x2b3: {  	v2 =	vmul.f32 v2, v3;
	_ =	sdelay $0x1  }
0x2b4: {  	[tilespmem:s30+$0xFA80] =	vst v2  }
0x2b5: {  	v2 =	vld.idx.msk [tilespmem:v63+s13+$0x0], $0xffff;
	_ =	sdelay $0x2  }
0x2b6: {  	v1 =	vor.u32 $0xF, v1;
	_ =	sdelay $0x1  }
0x2b7: {  	v2 =	vmul.f32 v2, v3;
	_ =	sdelay $0x1  }
0x2b8: {  	[tilespmem:s30+$0xFB00] =	vst v2  }
0x2b9: {  	v1 =	vld.idx.msk [tilespmem:v1+s13+$0x0], $0xffff;
	_ =	sdelay $0x4  }
0x2ba: {  	v1 =	vmul.f32 v1, v3;
	_ =	sdelay $0x1  }
0x2bb: {  	s31 =	rddreg [dreg:$0x5];
	s25 =	sadd.s32 $0x1, s25;
	[tilespmem:s30+$0xFB80] =	vst v1  }
0x2bc: {  	[hbm4b:s31+s18] =	stream.strided.scatter [tilespmem:s20], [sflag:$0x3], $0x4000, s19, s18, $0x38;
	[tilespmem:$0x16800] =	vst v63  }
0x2bd: {  	p0 =	sne.s32 s25, s8;
	_ =	swait.ge [sflag:s23], $0x4000  }
.Ltmp4:
0x2be: {  	[sflag:s23] =	ssyncset.done $0x0;
	(pc) =	sbr.rel @p0 .LBB2_1-.Ltmp4, $4  }
0x2bf: {  	[sflag:s23] =	ssyncadd.s32 $0xFFFFC000  }
0x2c0: {  	_ =	swait.ge [sflag:s24], $0x4000  }
0x2c1: {  	[sflag:s24] =	ssyncset.done $0x0  }
0x2c2: {  	[sflag:s24] =	ssyncadd.s32 $0xFFFFC000  }
0x2c3: {  	_ =	sfence.sel $0x180000  }
0x2c4: {  	[bflag:$0x0] =	sbarrier.arrive $0xFFFF  }
0x2c5: {  	_ =	strace $0x9000004A  }
0x2c6: {  	s0 =	stileid.u32;
	[bflag:$0x2] =	sbarrier.arrive $0xFFFF  }
0x2c7: {  	p0 =	sne.s32 s0, $0x0;
	s0 =	rddreg [dreg:$0x2]  }
0x2c8: {  	s0 =	sadd.s32 @!p0 $0x100000, s0  }
0x2c9: {  	[sflag:s0] =	ssyncadd.tile.s32 @!p0 $0x1;
	_ =	shalt  }
.Lfunc_end2:
_tile_overlayer_lowered:
.L_overlay_start_2:
0x2ca: {  	(tag) =	ssettag $0x2  }
0x2cb: {  	s0 =	rddreg [dreg:$0x0];
	s2 =	stileid.u32  }
0x2cc: {  	s1 =	rddreg [dreg:$0x1];
	p0 =	sne.s32 s2, $0x0  }
0x2cd: {  	s3 =	rddreg [dreg:$0x2];
	[bflag:$0x3] =	sbarrier.arrive $0xFFFF;
	s2 =	simm.s32 @!p0 $0x1C05  }
0x2ce: {  	[timem:s3], [sflag:s2] =	dma.local @!p0 [hbm:s0], s1  }
0x2cf: {  	s0 =	simm.s32 @!p0 $0x5  }
0x2d0: {  	_ =	swait.ge @!p0 [sflag:s0], s1  }
0x2d1: {  	s1 =	ssub.s32 @!p0 $0x0, s1;
	[sflag:s0] =	ssyncset.done @!p0 $0x0  }
0x2d2: {  	[sflag:s0] =	ssyncadd.s32 @!p0 s1  }
0x2d3: {  	[bflag:$0x3] =	sbarrier.arrive $0xFFFF  }
0x2d4: {  	_ =	shalt  }

</sc_bundles>
